<compile_context>
chip_gen: v7x
topology: tpu7x:2x2x1
jax: 0.10.2.dev20260603
libtpu: 0.0.44.dev20260713+nightly
codegen_flags: <defaults>
</compile_context>

<pallas_src>
import jax
import jax.numpy as jnp
from jax import lax
from jax.experimental import pallas as pl
from jax.experimental.pallas import tpu as pltpu
from jax.experimental.pallas import tpu_sc as plsc

Q = 128
D = 64
K = 16384
NUM_LABELS = 1000
TOP_K = 16
B = 128
W = K // B
L = 16
NC = 2
NS = 16
NW = NC * NS
QPW = Q // NW
CPB = W // L


def _score_body(x_ref, t_ref, g_ref, bids_ref, tau_ref):
    x = x_ref[...]
    t = t_ref[...]
    t2 = jnp.sum(t * t, axis=0, keepdims=True)
    xt = lax.dot_general(
        x, t, (((1,), (0,)), ((), ())),
        preferred_element_type=jnp.float32,
        precision=lax.Precision.HIGHEST,
    )
    s = t2 - 2.0 * xt
    s3 = s.reshape(Q, B, W)

    m = jnp.min(s3, axis=2)
    biota = lax.broadcasted_iota(jnp.int32, (Q, B), 1)
    bids = []
    mn = None
    for _ in range(TOP_K):
        mn = jnp.min(m, axis=1, keepdims=True)
        bid = jnp.min(jnp.where(m == mn, biota, B), axis=1, keepdims=True)
        bids.append(bid)
        m = jnp.where(biota == bid, jnp.inf, m)
    bids = jnp.concatenate(bids, axis=1)

    oh = (bids[:, :, None] ==
          lax.broadcasted_iota(jnp.int32, (Q, TOP_K, B), 2)).astype(jnp.float32)
    g = lax.dot_general(
        oh, s3, (((2,), (1,)), ((0,), (0,))),
        preferred_element_type=jnp.float32,
        precision=lax.Precision.HIGHEST,
    )

    g_ref[...] = g.reshape(Q * TOP_K, W)
    bids_ref[...] = bids
    tau_ref[...] = jnp.broadcast_to(mn, (Q, L))


def _sc_body(g_hbm, cb_hbm, tau_hbm, lab_hbm, out_hbm,
             rows_v, cb_v, tau_v, lab_v, bufk_v, bufi_v, tmp_v,
             outv_v, sem, sem2):
    wid = lax.axis_index("s") * NC + lax.axis_index("c")
    nsel = QPW * TOP_K
    base = wid * nsel
    cp1 = pltpu.async_copy(g_hbm.at[pl.ds(base, nsel)], rows_v, sem)
    cp2 = pltpu.async_copy(lab_hbm, lab_v, sem2)
    pltpu.sync_copy(cb_hbm.at[pl.ds(base, nsel)], cb_v)
    pltpu.sync_copy(tau_hbm.at[pl.ds(wid * QPW, QPW)], tau_v)
    cp1.wait()

    iota16 = lax.iota(jnp.int32, L)
    inf16 = jnp.full((L,), jnp.inf, dtype=jnp.float32)
    big16 = jnp.full((L,), K, dtype=jnp.int32)
    outv = jnp.zeros((L,), dtype=jnp.int32)
    labs_done = False

    for r in range(QPW):
        tau_vec = tau_v[r, :]

        def blk_body(b, cnt_vec, r=r, tau_vec=tau_vec):
            rowi = r * TOP_K + b
            cbv = cb_v[rowi, :]
            for c in range(CPB):
                kvec = rows_v[rowi, pl.ds(c * L, L)]
                ivec = cbv + c * L
                msk = kvec <= tau_vec
                pos = cnt_vec + plsc.cumsum(msk.astype(jnp.int32)) - 1
                plsc.store_scatter(bufk_v, [pos], kvec, mask=msk)
                plsc.store_scatter(bufi_v, [pos], ivec, mask=msk)
                cnt_vec = cnt_vec + plsc.all_reduce_population_count(msk)
            return cnt_vec

        cnt_vec = lax.fori_loop(0, TOP_K, blk_body,
                                jnp.zeros((L,), dtype=jnp.int32))

        plsc.store_scatter(bufk_v, [cnt_vec + iota16], inf16)
        plsc.store_scatter(bufi_v, [cnt_vec + iota16], big16)
        cnt_s = jnp.max(cnt_vec)
        nch = (cnt_s + (L - 1)) // L

        def mg_body(j, carry):
            ck, cv = carry
            kc = bufk_v[pl.ds(j * L, L)]
            ic = bufi_v[pl.ds(j * L, L)]
            kc, ic = plsc.sort_key_val(kc, ic)
            kr = lax.rev(kc, (0,))
            ir = lax.rev(ic, (0,))
            take = (kr < ck) | ((kr == ck) & (ir < cv))
            nk = jnp.where(take, kr, ck)
            nv = jnp.where(take, ir, cv)
            ck2, cv2 = plsc.sort_key_val(nk, nv)
            return (ck2, cv2)

        _, topi = lax.fori_loop(0, nch, mg_body, (inf16, big16))

        if not labs_done:
            cp2.wait()
            labs_done = True
        labs = plsc.load_gather(lab_v, [topi])
        lk, _ = plsc.sort_key_val(labs, labs)
        tmp_v[...] = lk
        prev = plsc.load_gather(tmp_v, [jnp.maximum(iota16 - 1, 0)])
        nxt = plsc.load_gather(tmp_v, [jnp.minimum(iota16 + 1, L - 1)])
        is_new = (lk != prev) | (iota16 == 0)
        is_end = (lk != nxt) | (iota16 == L - 1)
        start = plsc.cummax(jnp.where(is_new, iota16, 0))
        endr = plsc.cummax(jnp.where(
            lax.rev(is_end.astype(jnp.int32), (0,)) == 1, iota16, -1))
        end = lax.rev((L - 1) - endr, (0,))
        count = end - start + 1
        key = count * 1024 + (1023 - lk)
        best = jnp.max(key)
        blab = 1023 - lax.rem(best, 1024)
        outv = jnp.where(iota16 == r, blab, outv)

    outv_v[...] = outv
    pltpu.sync_copy(outv_v, out_hbm.at[wid])


def _sc_stage(g_rows, cb, tau16, labels):
    mesh = plsc.VectorSubcoreMesh(core_axis_name="c", subcore_axis_name="s")
    f = pl.kernel(
        _sc_body,
        out_type=jax.ShapeDtypeStruct((NW, L), jnp.int32),
        mesh=mesh,
        compiler_params=pltpu.CompilerParams(needs_layout_passes=False),
        scratch_types=[
            pltpu.VMEM((QPW * TOP_K, W), jnp.float32),
            pltpu.VMEM((QPW * TOP_K, L), jnp.int32),
            pltpu.VMEM((QPW, L), jnp.float32),
            pltpu.VMEM((K,), jnp.int32),
            pltpu.VMEM((TOP_K * W + L,), jnp.float32),
            pltpu.VMEM((TOP_K * W + L,), jnp.int32),
            pltpu.VMEM((L,), jnp.int32),
            pltpu.VMEM((L,), jnp.int32),
            pltpu.SemaphoreType.DMA,
            pltpu.SemaphoreType.DMA,
        ],
    )
    return f(g_rows, cb, tau16, labels)


@jax.jit
def kernel(X, train_features, train_labels):
    t = train_features[0]
    g_rows, bids, tau16 = pl.pallas_call(
        _score_body,
        out_shape=[
            jax.ShapeDtypeStruct((Q * TOP_K, W), jnp.float32),
            jax.ShapeDtypeStruct((Q, TOP_K), jnp.int32),
            jax.ShapeDtypeStruct((Q, L), jnp.float32),
        ],
    )(X.astype(jnp.float32), t)

    cb = bids.reshape(Q * TOP_K, 1) * W + jnp.arange(L, dtype=jnp.int32)[None, :]
    out2d = _sc_stage(g_rows, cb, tau16, train_labels)
    return out2d[:, :QPW].reshape(Q)

# --- scband reference (transcript-rebuilt; emitter-appended) ---
"""Pipeline reference for scband-knn-30081950941621 (READ-ONLY COPY).

The authoritative reference and input builder live on the scoring server;
editing this copy changes nothing except your own understanding.
"""

import jax, jax.numpy as jnp
import numpy as np

Q = 128
D = 64
K_REF = 16384
NUM_LABELS = 1000
TOP_K = 16


def setup_inputs(seed: int = 0) -> dict:
    key = jax.random.key(seed)
    k1, k2, k3 = jax.random.split(key, 3)
    X = jax.random.normal(k1, (Q, D), dtype=jnp.float32)
    # module stores fitted train features as [1, d, N] (transposed, expanded)
    train_features = jax.random.normal(k2, (1, D, K_REF), dtype=jnp.float32)
    train_labels = jax.random.randint(k3, (K_REF,), 0, NUM_LABELS, dtype=jnp.int32)
    return {"X": X, "train_features": train_features, "train_labels": train_labels}


def reference(X, train_features, train_labels):
    # KNN.predict with metric=EUCLID (default), weighted=ONE (default)
    X = X.astype(jnp.float32)
    # _distance: raw_diff = X[:, :, None] - train_features  -> [Q, d, K]
    raw_diff = jnp.expand_dims(X, axis=2) - train_features
    # EUCLID, weighted=ONE => no sqrt (exact_distance is False)
    distance = jnp.sum(jnp.square(raw_diff), axis=1)  # [Q, K]
    # _get_voting_and_values: top_k of negated distance
    neg_top, index_of_best = jax.lax.top_k(-distance, TOP_K)
    voting = jnp.take(train_labels, index_of_best, axis=0)  # [Q, k]
    distance_top = jnp.abs(neg_top)  # [Q, k] (unused for WEIGHTING.ONE)
    # predict: one-hot votes via gather from identity matrix
    eye = jnp.eye(NUM_LABELS, dtype=jnp.float32)
    ind_vote = jnp.take(eye, voting, axis=0)  # [Q, k, L]
    val_vote = ind_vote  # WEIGHTING.ONE
    val_vote = jnp.sum(val_vote, axis=1)  # [Q, L]
    return jnp.argmax(val_vote, axis=1)

if __name__ == "__main__":
    import jax
    _d = setup_inputs()
    print(jax.jit(kernel)(*tuple(_d.values())))

</pallas_src>

<mosaic_0001>
#map = affine_map<(d0, d1) -> (0, 0)>
#map1 = affine_map<(d0, d1) -> (0)>
module attributes {stable_mosaic.version = 14 : i64} {
  func.func @_sc_body(%arg0: i32, %arg1: i32, %arg2: memref<2048x128xf32, #tpu.memory_space<hbm>>, %arg3: memref<2048x16xi32, #tpu.memory_space<hbm>>, %arg4: memref<128x16xf32, #tpu.memory_space<hbm>>, %arg5: memref<16384xi32, #tpu.memory_space<hbm>>, %arg6: memref<32x16xi32, #tpu.memory_space<hbm>>, %arg7: memref<64x128xf32, #tpu.memory_space<vmem>>, %arg8: memref<64x16xi32, #tpu.memory_space<vmem>>, %arg9: memref<4x16xf32, #tpu.memory_space<vmem>>, %arg10: memref<16384xi32, #tpu.memory_space<vmem>>, %arg11: memref<2064xf32, #tpu.memory_space<vmem>>, %arg12: memref<2064xi32, #tpu.memory_space<vmem>>, %arg13: memref<16xi32, #tpu.memory_space<vmem>>, %arg14: memref<16xi32, #tpu.memory_space<vmem>>, %arg15: memref<!tpu.dma_semaphore, #tpu.memory_space<semaphore_mem>>, %arg16: memref<!tpu.dma_semaphore, #tpu.memory_space<semaphore_mem>>) attributes {dimension_semantics = [#tpu.dimension_semantics<core_parallel>, #tpu.dimension_semantics<subcore_parallel>], iteration_bounds = array<i64: 2, 16>, scalar_prefetch = 0 : i64, scratch_operands = 10 : i64, tpu.core_type = #tpu.core_type<sc_vector_subcore>, window_params = [{transform_indices = #map}, {transform_indices = #map}, {transform_indices = #map}, {transform_indices = #map1}, {transform_indices = #map}]} {
    %mul3A = arith.constant 2 : i32
    %mul3A_0 = arith.muli %arg1, %mul3A : i32
    %add3A = arith.addi %mul3A_0, %arg0 : i32
    %mul3A_1 = arith.constant 64 : i32
    %mul3A_2 = arith.muli %add3A, %mul3A_1 : i32
    %dma_start3A = arith.constant 0 : i32
    %dma_start3A_3 = tpu.memref_slice %arg2[%mul3A_2, %dma_start3A] : memref<2048x128xf32, #tpu.memory_space<hbm>> -> memref<64x128xf32, #tpu.memory_space<hbm>>
    %dma_start3A_4 = arith.constant 0 : i32
    %dma_start3A_5 = tpu.memref_slice %arg2[%mul3A_2, %dma_start3A_4] : memref<2048x128xf32, #tpu.memory_space<hbm>> -> memref<64x128xf32, #tpu.memory_space<hbm>>
    tpu.enqueue_dma source(%dma_start3A_5 : memref<64x128xf32, #tpu.memory_space<hbm>>) target(%arg7 : memref<64x128xf32, #tpu.memory_space<vmem>>) target_semaphore(%arg15 : memref<!tpu.dma_semaphore, #tpu.memory_space<semaphore_mem>>)
    tpu.enqueue_dma source(%arg5 : memref<16384xi32, #tpu.memory_space<hbm>>) target(%arg10 : memref<16384xi32, #tpu.memory_space<vmem>>) target_semaphore(%arg16 : memref<!tpu.dma_semaphore, #tpu.memory_space<semaphore_mem>>)
    "tpu.region"() ({
      %run_scoped3A = tpu.sem_alloc : memref<!tpu.dma_semaphore, #tpu.memory_space<semaphore_mem>>
      %dma_start3A_632 = arith.constant 0 : i32
      %dma_start3A_633 = tpu.memref_slice %arg3[%mul3A_2, %dma_start3A_632] : memref<2048x16xi32, #tpu.memory_space<hbm>> -> memref<64x16xi32, #tpu.memory_space<hbm>>
      %dma_start3A_634 = arith.constant 0 : i32
      %dma_start3A_635 = tpu.memref_slice %arg3[%mul3A_2, %dma_start3A_634] : memref<2048x16xi32, #tpu.memory_space<hbm>> -> memref<64x16xi32, #tpu.memory_space<hbm>>
      tpu.enqueue_dma source(%dma_start3A_635 : memref<64x16xi32, #tpu.memory_space<hbm>>) target(%arg8 : memref<64x16xi32, #tpu.memory_space<vmem>>) target_semaphore(%run_scoped3A : memref<!tpu.dma_semaphore, #tpu.memory_space<semaphore_mem>>)
      %dma_wait3A_636 = arith.constant 0 : i32
      %dma_wait3A_637 = tpu.memref_slice %arg3[%mul3A_2, %dma_wait3A_636] : memref<2048x16xi32, #tpu.memory_space<hbm>> -> memref<64x16xi32, #tpu.memory_space<hbm>>
      %dma_wait3A_638 = arith.constant 0 : i32
      %dma_wait3A_639 = tpu.memref_slice %arg3[%mul3A_2, %dma_wait3A_638] : memref<2048x16xi32, #tpu.memory_space<hbm>> -> memref<64x16xi32, #tpu.memory_space<hbm>>
      tpu.wait_dma2 semaphore(%run_scoped3A : memref<!tpu.dma_semaphore, #tpu.memory_space<semaphore_mem>>) src(%dma_wait3A_639 : memref<64x16xi32, #tpu.memory_space<hbm>>) dst(%arg8 : memref<64x16xi32, #tpu.memory_space<vmem>>)
      tpu.yield
    }) : () -> ()
    %mul3A_6 = arith.constant 4 : i32
    %mul3A_7 = arith.muli %add3A, %mul3A_6 : i32
    "tpu.region"() ({
      %run_scoped3A = tpu.sem_alloc : memref<!tpu.dma_semaphore, #tpu.memory_space<semaphore_mem>>
      %dma_start3A_632 = arith.constant 0 : i32
      %dma_start3A_633 = tpu.memref_slice %arg4[%mul3A_7, %dma_start3A_632] : memref<128x16xf32, #tpu.memory_space<hbm>> -> memref<4x16xf32, #tpu.memory_space<hbm>>
      %dma_start3A_634 = arith.constant 0 : i32
      %dma_start3A_635 = tpu.memref_slice %arg4[%mul3A_7, %dma_start3A_634] : memref<128x16xf32, #tpu.memory_space<hbm>> -> memref<4x16xf32, #tpu.memory_space<hbm>>
      tpu.enqueue_dma source(%dma_start3A_635 : memref<4x16xf32, #tpu.memory_space<hbm>>) target(%arg9 : memref<4x16xf32, #tpu.memory_space<vmem>>) target_semaphore(%run_scoped3A : memref<!tpu.dma_semaphore, #tpu.memory_space<semaphore_mem>>)
      %dma_wait3A_636 = arith.constant 0 : i32
      %dma_wait3A_637 = tpu.memref_slice %arg4[%mul3A_7, %dma_wait3A_636] : memref<128x16xf32, #tpu.memory_space<hbm>> -> memref<4x16xf32, #tpu.memory_space<hbm>>
      %dma_wait3A_638 = arith.constant 0 : i32
      %dma_wait3A_639 = tpu.memref_slice %arg4[%mul3A_7, %dma_wait3A_638] : memref<128x16xf32, #tpu.memory_space<hbm>> -> memref<4x16xf32, #tpu.memory_space<hbm>>
      tpu.wait_dma2 semaphore(%run_scoped3A : memref<!tpu.dma_semaphore, #tpu.memory_space<semaphore_mem>>) src(%dma_wait3A_639 : memref<4x16xf32, #tpu.memory_space<hbm>>) dst(%arg9 : memref<4x16xf32, #tpu.memory_space<vmem>>)
      tpu.yield
    }) : () -> ()
    %dma_wait3A = arith.constant 0 : i32
    %dma_wait3A_8 = tpu.memref_slice %arg2[%mul3A_2, %dma_wait3A] : memref<2048x128xf32, #tpu.memory_space<hbm>> -> memref<64x128xf32, #tpu.memory_space<hbm>>
    %dma_wait3A_9 = arith.constant 0 : i32
    %dma_wait3A_10 = tpu.memref_slice %arg2[%mul3A_2, %dma_wait3A_9] : memref<2048x128xf32, #tpu.memory_space<hbm>> -> memref<64x128xf32, #tpu.memory_space<hbm>>
    tpu.wait_dma2 semaphore(%arg15 : memref<!tpu.dma_semaphore, #tpu.memory_space<semaphore_mem>>) src(%dma_wait3A_10 : memref<64x128xf32, #tpu.memory_space<hbm>>) dst(%arg7 : memref<64x128xf32, #tpu.memory_space<vmem>>)
    %iota3A = tpu.iota {dimensions = array<i32: 0>} : vector<16xi32>
    %broadcast_in_dim3A = arith.constant 0x7F800000 : f32
    %broadcast_in_dim3A_11 = vector.broadcast %broadcast_in_dim3A : f32 to vector<16xf32>
    %broadcast_in_dim3A_12 = arith.constant 16384 : i32
    %broadcast_in_dim3A_13 = vector.broadcast %broadcast_in_dim3A_12 : i32 to vector<16xi32>
    %broadcast_in_dim3A_14 = arith.constant 0 : i32
    %broadcast_in_dim3A_15 = vector.broadcast %broadcast_in_dim3A_14 : i32 to vector<16xi32>
    %get3A = arith.constant 0 : i32
    %get3A_16 = arith.index_cast %get3A : i32 to index
    %get3A_17 = arith.constant 0 : index
    %get3A_18 = tpu.vector_load %arg9[%get3A_16, %get3A_17] {strides = array<i32>} : memref<4x16xf32, #tpu.memory_space<vmem>>, vector<16xf32>,
    %broadcast_in_dim3A_19 = arith.constant 0 : i32
    %broadcast_in_dim3A_20 = vector.broadcast %broadcast_in_dim3A_19 : i32 to vector<16xi32>
    %scan3A = arith.constant 0 : i32
    %scan3A_21 = arith.constant 16 : i32
    %scan3A_22 = arith.addi %scan3A, %scan3A_21 : i32
    %scan3A_23 = arith.constant 1 : i32
    %scan3A_24 = scf.for %scan3A_632 = %scan3A to %scan3A_22 step %scan3A_23 iter_args(%scan3A_633 = %broadcast_in_dim3A_20) -> (vector<16xi32>)  : i32 {
      %add3A_634 = arith.constant 0 : i32
      %add3A_635 = arith.addi %add3A_634, %scan3A_632 : i32
      %get3A_636 = arith.index_cast %add3A_635 : i32 to index
      %get3A_637 = arith.constant 0 : index
      %get3A_638 = tpu.vector_load %arg8[%get3A_636, %get3A_637] {strides = array<i32>} : memref<64x16xi32, #tpu.memory_space<vmem>>, vector<16xi32>,
      %get3A_639 = arith.index_cast %add3A_635 : i32 to index
      %get3A_640 = arith.constant 0 : index
      %get3A_641 = tpu.vector_load %arg7[%get3A_639, %get3A_640] {strides = array<i32>} : memref<64x128xf32, #tpu.memory_space<vmem>>, vector<16xf32>,
      %add3A_642 = arith.constant 0 : i32
      %add3A_643 = vector.broadcast %add3A_642 : i32 to vector<16xi32>
      %add3A_644 = arith.addi %get3A_638, %add3A_643 : vector<16xi32>
      %le3A = arith.cmpf ole, %get3A_641, %get3A_18 : vector<16xf32>
      %convert_element_type3A_645 = arith.extui %le3A : vector<16xi1> to vector<16xi32>
      %broadcast_in_dim3A_646 = arith.constant true
      %broadcast_in_dim3A_647 = vector.broadcast %broadcast_in_dim3A_646 : i1 to vector<16xi1>
      %masked_cumsum3A = tpu.scan <sum>, %convert_element_type3A_645 masked %broadcast_in_dim3A_647 : vector<16xi32>, vector<16xi1> -> vector<16xi32>
      %add3A_648 = arith.addi %scan3A_633, %masked_cumsum3A : vector<16xi32>
      %sub3A_649 = arith.constant 1 : i32
      %sub3A_650 = vector.broadcast %sub3A_649 : i32 to vector<16xi32>
      %sub3A_651 = arith.subi %add3A_648, %sub3A_650 : vector<16xi32>
      tpu.vector_store_idx %arg11[%sub3A_651], %get3A_641 masked %le3A : memref<2064xf32, #tpu.memory_space<vmem>>[vector<16xi32>], vector<16xf32>, vector<16xi1>
      tpu.vector_store_idx %arg12[%sub3A_651], %add3A_644 masked %le3A : memref<2064xi32, #tpu.memory_space<vmem>>[vector<16xi32>], vector<16xi32>, vector<16xi1>
      %all_reduce_population_count3A = tpu.all_reduce %le3A {dim = 0 : i64, kind = #tpu.reduction_kind<sum>} : vector<16xi1> -> vector<16xi32>
      %add3A_652 = arith.addi %scan3A_633, %all_reduce_population_count3A : vector<16xi32>
      %get3A_653 = arith.index_cast %add3A_635 : i32 to index
      %get3A_654 = arith.constant 16 : index
      %get3A_655 = tpu.vector_load %arg7[%get3A_653, %get3A_654] {strides = array<i32>} : memref<64x128xf32, #tpu.memory_space<vmem>>, vector<16xf32>,
      %add3A_656 = arith.constant 16 : i32
      %add3A_657 = vector.broadcast %add3A_656 : i32 to vector<16xi32>
      %add3A_658 = arith.addi %get3A_638, %add3A_657 : vector<16xi32>
      %le3A_659 = arith.cmpf ole, %get3A_655, %get3A_18 : vector<16xf32>
      %convert_element_type3A_660 = arith.extui %le3A_659 : vector<16xi1> to vector<16xi32>
      %broadcast_in_dim3A_661 = arith.constant true
      %broadcast_in_dim3A_662 = vector.broadcast %broadcast_in_dim3A_661 : i1 to vector<16xi1>
      %masked_cumsum3A_663 = tpu.scan <sum>, %convert_element_type3A_660 masked %broadcast_in_dim3A_662 : vector<16xi32>, vector<16xi1> -> vector<16xi32>
      %add3A_664 = arith.addi %add3A_652, %masked_cumsum3A_663 : vector<16xi32>
      %sub3A_665 = arith.constant 1 : i32
      %sub3A_666 = vector.broadcast %sub3A_665 : i32 to vector<16xi32>
      %sub3A_667 = arith.subi %add3A_664, %sub3A_666 : vector<16xi32>
      tpu.vector_store_idx %arg11[%sub3A_667], %get3A_655 masked %le3A_659 : memref<2064xf32, #tpu.memory_space<vmem>>[vector<16xi32>], vector<16xf32>, vector<16xi1>
      tpu.vector_store_idx %arg12[%sub3A_667], %add3A_658 masked %le3A_659 : memref<2064xi32, #tpu.memory_space<vmem>>[vector<16xi32>], vector<16xi32>, vector<16xi1>
      %all_reduce_population_count3A_668 = tpu.all_reduce %le3A_659 {dim = 0 : i64, kind = #tpu.reduction_kind<sum>} : vector<16xi1> -> vector<16xi32>
      %add3A_669 = arith.addi %add3A_652, %all_reduce_population_count3A_668 : vector<16xi32>
      %get3A_670 = arith.index_cast %add3A_635 : i32 to index
      %get3A_671 = arith.constant 32 : index
      %get3A_672 = tpu.vector_load %arg7[%get3A_670, %get3A_671] {strides = array<i32>} : memref<64x128xf32, #tpu.memory_space<vmem>>, vector<16xf32>,
      %add3A_673 = arith.constant 32 : i32
      %add3A_674 = vector.broadcast %add3A_673 : i32 to vector<16xi32>
      %add3A_675 = arith.addi %get3A_638, %add3A_674 : vector<16xi32>
      %le3A_676 = arith.cmpf ole, %get3A_672, %get3A_18 : vector<16xf32>
      %convert_element_type3A_677 = arith.extui %le3A_676 : vector<16xi1> to vector<16xi32>
      %broadcast_in_dim3A_678 = arith.constant true
      %broadcast_in_dim3A_679 = vector.broadcast %broadcast_in_dim3A_678 : i1 to vector<16xi1>
      %masked_cumsum3A_680 = tpu.scan <sum>, %convert_element_type3A_677 masked %broadcast_in_dim3A_679 : vector<16xi32>, vector<16xi1> -> vector<16xi32>
      %add3A_681 = arith.addi %add3A_669, %masked_cumsum3A_680 : vector<16xi32>
      %sub3A_682 = arith.constant 1 : i32
      %sub3A_683 = vector.broadcast %sub3A_682 : i32 to vector<16xi32>
      %sub3A_684 = arith.subi %add3A_681, %sub3A_683 : vector<16xi32>
      tpu.vector_store_idx %arg11[%sub3A_684], %get3A_672 masked %le3A_676 : memref<2064xf32, #tpu.memory_space<vmem>>[vector<16xi32>], vector<16xf32>, vector<16xi1>
      tpu.vector_store_idx %arg12[%sub3A_684], %add3A_675 masked %le3A_676 : memref<2064xi32, #tpu.memory_space<vmem>>[vector<16xi32>], vector<16xi32>, vector<16xi1>
      %all_reduce_population_count3A_685 = tpu.all_reduce %le3A_676 {dim = 0 : i64, kind = #tpu.reduction_kind<sum>} : vector<16xi1> -> vector<16xi32>
      %add3A_686 = arith.addi %add3A_669, %all_reduce_population_count3A_685 : vector<16xi32>
      %get3A_687 = arith.index_cast %add3A_635 : i32 to index
      %get3A_688 = arith.constant 48 : index
      %get3A_689 = tpu.vector_load %arg7[%get3A_687, %get3A_688] {strides = array<i32>} : memref<64x128xf32, #tpu.memory_space<vmem>>, vector<16xf32>,
      %add3A_690 = arith.constant 48 : i32
      %add3A_691 = vector.broadcast %add3A_690 : i32 to vector<16xi32>
      %add3A_692 = arith.addi %get3A_638, %add3A_691 : vector<16xi32>
      %le3A_693 = arith.cmpf ole, %get3A_689, %get3A_18 : vector<16xf32>
      %convert_element_type3A_694 = arith.extui %le3A_693 : vector<16xi1> to vector<16xi32>
      %broadcast_in_dim3A_695 = arith.constant true
      %broadcast_in_dim3A_696 = vector.broadcast %broadcast_in_dim3A_695 : i1 to vector<16xi1>
      %masked_cumsum3A_697 = tpu.scan <sum>, %convert_element_type3A_694 masked %broadcast_in_dim3A_696 : vector<16xi32>, vector<16xi1> -> vector<16xi32>
      %add3A_698 = arith.addi %add3A_686, %masked_cumsum3A_697 : vector<16xi32>
      %sub3A_699 = arith.constant 1 : i32
      %sub3A_700 = vector.broadcast %sub3A_699 : i32 to vector<16xi32>
      %sub3A_701 = arith.subi %add3A_698, %sub3A_700 : vector<16xi32>
      tpu.vector_store_idx %arg11[%sub3A_701], %get3A_689 masked %le3A_693 : memref<2064xf32, #tpu.memory_space<vmem>>[vector<16xi32>], vector<16xf32>, vector<16xi1>
      tpu.vector_store_idx %arg12[%sub3A_701], %add3A_692 masked %le3A_693 : memref<2064xi32, #tpu.memory_space<vmem>>[vector<16xi32>], vector<16xi32>, vector<16xi1>
      %all_reduce_population_count3A_702 = tpu.all_reduce %le3A_693 {dim = 0 : i64, kind = #tpu.reduction_kind<sum>} : vector<16xi1> -> vector<16xi32>
      %add3A_703 = arith.addi %add3A_686, %all_reduce_population_count3A_702 : vector<16xi32>
      %get3A_704 = arith.index_cast %add3A_635 : i32 to index
      %get3A_705 = arith.constant 64 : index
      %get3A_706 = tpu.vector_load %arg7[%get3A_704, %get3A_705] {strides = array<i32>} : memref<64x128xf32, #tpu.memory_space<vmem>>, vector<16xf32>,
      %add3A_707 = arith.constant 64 : i32
      %add3A_708 = vector.broadcast %add3A_707 : i32 to vector<16xi32>
      %add3A_709 = arith.addi %get3A_638, %add3A_708 : vector<16xi32>
      %le3A_710 = arith.cmpf ole, %get3A_706, %get3A_18 : vector<16xf32>
      %convert_element_type3A_711 = arith.extui %le3A_710 : vector<16xi1> to vector<16xi32>
      %broadcast_in_dim3A_712 = arith.constant true
      %broadcast_in_dim3A_713 = vector.broadcast %broadcast_in_dim3A_712 : i1 to vector<16xi1>
      %masked_cumsum3A_714 = tpu.scan <sum>, %convert_element_type3A_711 masked %broadcast_in_dim3A_713 : vector<16xi32>, vector<16xi1> -> vector<16xi32>
      %add3A_715 = arith.addi %add3A_703, %masked_cumsum3A_714 : vector<16xi32>
      %sub3A_716 = arith.constant 1 : i32
      %sub3A_717 = vector.broadcast %sub3A_716 : i32 to vector<16xi32>
      %sub3A_718 = arith.subi %add3A_715, %sub3A_717 : vector<16xi32>
      tpu.vector_store_idx %arg11[%sub3A_718], %get3A_706 masked %le3A_710 : memref<2064xf32, #tpu.memory_space<vmem>>[vector<16xi32>], vector<16xf32>, vector<16xi1>
      tpu.vector_store_idx %arg12[%sub3A_718], %add3A_709 masked %le3A_710 : memref<2064xi32, #tpu.memory_space<vmem>>[vector<16xi32>], vector<16xi32>, vector<16xi1>
      %all_reduce_population_count3A_719 = tpu.all_reduce %le3A_710 {dim = 0 : i64, kind = #tpu.reduction_kind<sum>} : vector<16xi1> -> vector<16xi32>
      %add3A_720 = arith.addi %add3A_703, %all_reduce_population_count3A_719 : vector<16xi32>
      %get3A_721 = arith.index_cast %add3A_635 : i32 to index
      %get3A_722 = arith.constant 80 : index
      %get3A_723 = tpu.vector_load %arg7[%get3A_721, %get3A_722] {strides = array<i32>} : memref<64x128xf32, #tpu.memory_space<vmem>>, vector<16xf32>,
      %add3A_724 = arith.constant 80 : i32
      %add3A_725 = vector.broadcast %add3A_724 : i32 to vector<16xi32>
      %add3A_726 = arith.addi %get3A_638, %add3A_725 : vector<16xi32>
      %le3A_727 = arith.cmpf ole, %get3A_723, %get3A_18 : vector<16xf32>
      %convert_element_type3A_728 = arith.extui %le3A_727 : vector<16xi1> to vector<16xi32>
      %broadcast_in_dim3A_729 = arith.constant true
      %broadcast_in_dim3A_730 = vector.broadcast %broadcast_in_dim3A_729 : i1 to vector<16xi1>
      %masked_cumsum3A_731 = tpu.scan <sum>, %convert_element_type3A_728 masked %broadcast_in_dim3A_730 : vector<16xi32>, vector<16xi1> -> vector<16xi32>
      %add3A_732 = arith.addi %add3A_720, %masked_cumsum3A_731 : vector<16xi32>
      %sub3A_733 = arith.constant 1 : i32
      %sub3A_734 = vector.broadcast %sub3A_733 : i32 to vector<16xi32>
      %sub3A_735 = arith.subi %add3A_732, %sub3A_734 : vector<16xi32>
      tpu.vector_store_idx %arg11[%sub3A_735], %get3A_723 masked %le3A_727 : memref<2064xf32, #tpu.memory_space<vmem>>[vector<16xi32>], vector<16xf32>, vector<16xi1>
      tpu.vector_store_idx %arg12[%sub3A_735], %add3A_726 masked %le3A_727 : memref<2064xi32, #tpu.memory_space<vmem>>[vector<16xi32>], vector<16xi32>, vector<16xi1>
      %all_reduce_population_count3A_736 = tpu.all_reduce %le3A_727 {dim = 0 : i64, kind = #tpu.reduction_kind<sum>} : vector<16xi1> -> vector<16xi32>
      %add3A_737 = arith.addi %add3A_720, %all_reduce_population_count3A_736 : vector<16xi32>
      %get3A_738 = arith.index_cast %add3A_635 : i32 to index
      %get3A_739 = arith.constant 96 : index
      %get3A_740 = tpu.vector_load %arg7[%get3A_738, %get3A_739] {strides = array<i32>} : memref<64x128xf32, #tpu.memory_space<vmem>>, vector<16xf32>,
      %add3A_741 = arith.constant 96 : i32
      %add3A_742 = vector.broadcast %add3A_741 : i32 to vector<16xi32>
      %add3A_743 = arith.addi %get3A_638, %add3A_742 : vector<16xi32>
      %le3A_744 = arith.cmpf ole, %get3A_740, %get3A_18 : vector<16xf32>
      %convert_element_type3A_745 = arith.extui %le3A_744 : vector<16xi1> to vector<16xi32>
      %broadcast_in_dim3A_746 = arith.constant true
      %broadcast_in_dim3A_747 = vector.broadcast %broadcast_in_dim3A_746 : i1 to vector<16xi1>
      %masked_cumsum3A_748 = tpu.scan <sum>, %convert_element_type3A_745 masked %broadcast_in_dim3A_747 : vector<16xi32>, vector<16xi1> -> vector<16xi32>
      %add3A_749 = arith.addi %add3A_737, %masked_cumsum3A_748 : vector<16xi32>
      %sub3A_750 = arith.constant 1 : i32
      %sub3A_751 = vector.broadcast %sub3A_750 : i32 to vector<16xi32>
      %sub3A_752 = arith.subi %add3A_749, %sub3A_751 : vector<16xi32>
      tpu.vector_store_idx %arg11[%sub3A_752], %get3A_740 masked %le3A_744 : memref<2064xf32, #tpu.memory_space<vmem>>[vector<16xi32>], vector<16xf32>, vector<16xi1>
      tpu.vector_store_idx %arg12[%sub3A_752], %add3A_743 masked %le3A_744 : memref<2064xi32, #tpu.memory_space<vmem>>[vector<16xi32>], vector<16xi32>, vector<16xi1>
      %all_reduce_population_count3A_753 = tpu.all_reduce %le3A_744 {dim = 0 : i64, kind = #tpu.reduction_kind<sum>} : vector<16xi1> -> vector<16xi32>
      %add3A_754 = arith.addi %add3A_737, %all_reduce_population_count3A_753 : vector<16xi32>
      %get3A_755 = arith.index_cast %add3A_635 : i32 to index
      %get3A_756 = arith.constant 112 : index
      %get3A_757 = tpu.vector_load %arg7[%get3A_755, %get3A_756] {strides = array<i32>} : memref<64x128xf32, #tpu.memory_space<vmem>>, vector<16xf32>,
      %add3A_758 = arith.constant 112 : i32
      %add3A_759 = vector.broadcast %add3A_758 : i32 to vector<16xi32>
      %add3A_760 = arith.addi %get3A_638, %add3A_759 : vector<16xi32>
      %le3A_761 = arith.cmpf ole, %get3A_757, %get3A_18 : vector<16xf32>
      %convert_element_type3A_762 = arith.extui %le3A_761 : vector<16xi1> to vector<16xi32>
      %broadcast_in_dim3A_763 = arith.constant true
      %broadcast_in_dim3A_764 = vector.broadcast %broadcast_in_dim3A_763 : i1 to vector<16xi1>
      %masked_cumsum3A_765 = tpu.scan <sum>, %convert_element_type3A_762 masked %broadcast_in_dim3A_764 : vector<16xi32>, vector<16xi1> -> vector<16xi32>
      %add3A_766 = arith.addi %add3A_754, %masked_cumsum3A_765 : vector<16xi32>
      %sub3A_767 = arith.constant 1 : i32
      %sub3A_768 = vector.broadcast %sub3A_767 : i32 to vector<16xi32>
      %sub3A_769 = arith.subi %add3A_766, %sub3A_768 : vector<16xi32>
      tpu.vector_store_idx %arg11[%sub3A_769], %get3A_757 masked %le3A_761 : memref<2064xf32, #tpu.memory_space<vmem>>[vector<16xi32>], vector<16xf32>, vector<16xi1>
      tpu.vector_store_idx %arg12[%sub3A_769], %add3A_760 masked %le3A_761 : memref<2064xi32, #tpu.memory_space<vmem>>[vector<16xi32>], vector<16xi32>, vector<16xi1>
      %all_reduce_population_count3A_770 = tpu.all_reduce %le3A_761 {dim = 0 : i64, kind = #tpu.reduction_kind<sum>} : vector<16xi1> -> vector<16xi32>
      %add3A_771 = arith.addi %add3A_754, %all_reduce_population_count3A_770 : vector<16xi32>
      scf.yield %add3A_771 : vector<16xi32>
    }
    %scan3A_25 = arith.constant 16 : i32
    %add3A_26 = arith.addi %scan3A_24, %iota3A : vector<16xi32>
    tpu.vector_store_idx %arg11[%add3A_26], %broadcast_in_dim3A_11 : memref<2064xf32, #tpu.memory_space<vmem>>[vector<16xi32>], vector<16xf32>,
    %add3A_27 = arith.addi %scan3A_24, %iota3A : vector<16xi32>
    tpu.vector_store_idx %arg12[%add3A_27], %broadcast_in_dim3A_13 : memref<2064xi32, #tpu.memory_space<vmem>>[vector<16xi32>], vector<16xi32>,
    %reduce_max3A = arith.constant true
    %reduce_max3A_28 = vector.broadcast %reduce_max3A : i1 to vector<16xi1>
    %reduce_max3A_29 = arith.constant -2147483648 : i32
    %reduce_max3A_30 = vector.broadcast %reduce_max3A_29 : i32 to vector<16xi32>
    %reduce_max3A_31 = arith.xori %scan3A_24, %reduce_max3A_30 : vector<16xi32>
    %reduce_max3A_32 = tpu.scan <max>, %reduce_max3A_31 masked %reduce_max3A_28 : vector<16xi32>, vector<16xi1> -> vector<16xi32>
    %reduce_max3A_33 = arith.xori %reduce_max3A_32, %reduce_max3A_30 : vector<16xi32>
    %reduce_max3A_34 = vector.extract %reduce_max3A_33[15] : i32 from vector<16xi32>
    %add3A_35 = arith.constant 15 : i32
    %add3A_36 = arith.addi %reduce_max3A_34, %add3A_35 : i32
    %jit3A = arith.constant 16 : i32
    %div3A = arith.divsi %add3A_36, %jit3A : i32
    %sign3A = arith.constant 0 : i32
    %sign3A_37 = arith.cmpi sgt, %add3A_36, %sign3A : i32
    %sign3A_38 = arith.extui %sign3A_37 : i1 to i32
    %sign3A_39 = arith.constant 0 : i32
    %sign3A_40 = arith.cmpi slt, %add3A_36, %sign3A_39 : i32
    %sign3A_41 = arith.extui %sign3A_40 : i1 to i32
    %sign3A_42 = arith.subi %sign3A_38, %sign3A_41 : i32
    %sign3A_43 = arith.constant 0 : i32
    %sign3A_44 = arith.cmpi sgt, %jit3A, %sign3A_43 : i32
    %sign3A_45 = arith.extui %sign3A_44 : i1 to i32
    %sign3A_46 = arith.constant 0 : i32
    %sign3A_47 = arith.cmpi slt, %jit3A, %sign3A_46 : i32
    %sign3A_48 = arith.extui %sign3A_47 : i1 to i32
    %sign3A_49 = arith.subi %sign3A_45, %sign3A_48 : i32
    %ne3A = arith.cmpi ne, %sign3A_42, %sign3A_49 : i32
    %rem3A = arith.remsi %add3A_36, %jit3A : i32
    %ne3A_50 = arith.constant 0 : i32
    %ne3A_51 = arith.cmpi ne, %rem3A, %ne3A_50 : i32
    %and3A = arith.andi %ne3A, %ne3A_51 : i1
    %sub3A = arith.constant 1 : i32
    %sub3A_52 = arith.subi %div3A, %sub3A : i32
    %select_n3A = arith.select %and3A, %sub3A_52, %div3A : i32
    %while3A = arith.constant 0 : i32
    %while3A_53 = arith.subi %select_n3A, %while3A : i32
    %while3A_54 = arith.addi %while3A, %while3A_53 : i32
    %while3A_55 = arith.constant 1 : i32
    %while3A_56 = arith.divsi %while3A_53, %while3A_55 : i32
    %while3A_57 = arith.muli %while3A_56, %while3A_55 : i32
    %while3A_58 = arith.addi %while3A, %while3A_57 : i32
    %while3A_59 = arith.constant 1 : i32
    %while3A_60:2 = scf.for %while3A_632 = %while3A to %while3A_58 step %while3A_59 iter_args(%while3A_633 = %broadcast_in_dim3A_11, %while3A_634 = %broadcast_in_dim3A_13) -> (vector<16xf32>, vector<16xi32>)  : i32 {
      %mul3A_635 = arith.constant 16 : i32
      %mul3A_636 = arith.muli %while3A_632, %mul3A_635 : i32
      %get3A_637 = arith.index_cast %mul3A_636 : i32 to index
      %get3A_638 = tpu.vector_load %arg11[%get3A_637] {strides = array<i32>} : memref<2064xf32, #tpu.memory_space<vmem>>, vector<16xf32>,
      %mul3A_639 = arith.constant 16 : i32
      %mul3A_640 = arith.muli %while3A_632, %mul3A_639 : i32
      %get3A_641 = arith.index_cast %mul3A_640 : i32 to index
      %get3A_642 = tpu.vector_load %arg12[%get3A_641] {strides = array<i32>} : memref<2064xi32, #tpu.memory_space<vmem>>, vector<16xi32>,
      %masked_sort3A_643 = arith.constant dense<true> : vector<16xi1>
      %masked_sort3A_644, %masked_sort3A_645, %masked_sort3A_646 = tpu.sort %get3A_638, %get3A_642 masked %masked_sort3A_643 : (vector<16xf32>, vector<16xi32>, vector<16xi1>) -> (vector<16xi1>, vector<16xf32>, vector<16xi32>)
      %rev3A_647 = arith.constant 15 : i32
      %rev3A_648 = vector.broadcast %rev3A_647 : i32 to vector<16xi32>
      %rev3A_649 = tpu.iota {dimensions = array<i32: 0>} : vector<16xi32>
      %rev3A_650 = arith.subi %rev3A_648, %rev3A_649 : vector<16xi32>
      %rev3A_651 = tpu.dynamic_gather %masked_sort3A_645[%rev3A_650] in [0] : vector<16xf32>, vector<16xi32> -> vector<16xf32>
      %rev3A_652 = arith.constant 15 : i32
      %rev3A_653 = vector.broadcast %rev3A_652 : i32 to vector<16xi32>
      %rev3A_654 = tpu.iota {dimensions = array<i32: 0>} : vector<16xi32>
      %rev3A_655 = arith.subi %rev3A_653, %rev3A_654 : vector<16xi32>
      %rev3A_656 = tpu.dynamic_gather %masked_sort3A_646[%rev3A_655] in [0] : vector<16xi32>, vector<16xi32> -> vector<16xi32>
      %lt3A = arith.cmpf olt, %rev3A_651, %while3A_633 : vector<16xf32>
      %eq3A_657 = arith.cmpf oeq, %rev3A_651, %while3A_633 : vector<16xf32>
      %lt3A_658 = arith.cmpi slt, %rev3A_656, %while3A_634 : vector<16xi32>
      %and3A_659 = arith.andi %eq3A_657, %lt3A_658 : vector<16xi1>
      %or3A_660 = arith.ori %lt3A, %and3A_659 : vector<16xi1>
      %select_n3A_661 = arith.select %or3A_660, %rev3A_651, %while3A_633 : vector<16xi1>, vector<16xf32>
      %select_n3A_662 = arith.select %or3A_660, %rev3A_656, %while3A_634 : vector<16xi1>, vector<16xi32>
      %masked_sort3A_663 = arith.constant dense<true> : vector<16xi1>
      %masked_sort3A_664, %masked_sort3A_665, %masked_sort3A_666 = tpu.sort %select_n3A_661, %select_n3A_662 masked %masked_sort3A_663 : (vector<16xf32>, vector<16xi32>, vector<16xi1>) -> (vector<16xi1>, vector<16xf32>, vector<16xi32>)
      scf.yield %masked_sort3A_665, %masked_sort3A_666 : vector<16xf32>, vector<16xi32>
    }
    %while3A_61 = arith.constant 1 : i32
    %while3A_62:2 = scf.for %while3A_632 = %while3A_58 to %while3A_54 step %while3A_61 iter_args(%while3A_633 = %while3A_60#0, %while3A_634 = %while3A_60#1) -> (vector<16xf32>, vector<16xi32>)  : i32 {
      %mul3A_635 = arith.constant 16 : i32
      %mul3A_636 = arith.muli %while3A_632, %mul3A_635 : i32
      %get3A_637 = arith.index_cast %mul3A_636 : i32 to index
      %get3A_638 = tpu.vector_load %arg11[%get3A_637] {strides = array<i32>} : memref<2064xf32, #tpu.memory_space<vmem>>, vector<16xf32>,
      %mul3A_639 = arith.constant 16 : i32
      %mul3A_640 = arith.muli %while3A_632, %mul3A_639 : i32
      %get3A_641 = arith.index_cast %mul3A_640 : i32 to index
      %get3A_642 = tpu.vector_load %arg12[%get3A_641] {strides = array<i32>} : memref<2064xi32, #tpu.memory_space<vmem>>, vector<16xi32>,
      %masked_sort3A_643 = arith.constant dense<true> : vector<16xi1>
      %masked_sort3A_644, %masked_sort3A_645, %masked_sort3A_646 = tpu.sort %get3A_638, %get3A_642 masked %masked_sort3A_643 : (vector<16xf32>, vector<16xi32>, vector<16xi1>) -> (vector<16xi1>, vector<16xf32>, vector<16xi32>)
      %rev3A_647 = arith.constant 15 : i32
      %rev3A_648 = vector.broadcast %rev3A_647 : i32 to vector<16xi32>
      %rev3A_649 = tpu.iota {dimensions = array<i32: 0>} : vector<16xi32>
      %rev3A_650 = arith.subi %rev3A_648, %rev3A_649 : vector<16xi32>
      %rev3A_651 = tpu.dynamic_gather %masked_sort3A_645[%rev3A_650] in [0] : vector<16xf32>, vector<16xi32> -> vector<16xf32>
      %rev3A_652 = arith.constant 15 : i32
      %rev3A_653 = vector.broadcast %rev3A_652 : i32 to vector<16xi32>
      %rev3A_654 = tpu.iota {dimensions = array<i32: 0>} : vector<16xi32>
      %rev3A_655 = arith.subi %rev3A_653, %rev3A_654 : vector<16xi32>
      %rev3A_656 = tpu.dynamic_gather %masked_sort3A_646[%rev3A_655] in [0] : vector<16xi32>, vector<16xi32> -> vector<16xi32>
      %lt3A = arith.cmpf olt, %rev3A_651, %while3A_633 : vector<16xf32>
      %eq3A_657 = arith.cmpf oeq, %rev3A_651, %while3A_633 : vector<16xf32>
      %lt3A_658 = arith.cmpi slt, %rev3A_656, %while3A_634 : vector<16xi32>
      %and3A_659 = arith.andi %eq3A_657, %lt3A_658 : vector<16xi1>
      %or3A_660 = arith.ori %lt3A, %and3A_659 : vector<16xi1>
      %select_n3A_661 = arith.select %or3A_660, %rev3A_651, %while3A_633 : vector<16xi1>, vector<16xf32>
      %select_n3A_662 = arith.select %or3A_660, %rev3A_656, %while3A_634 : vector<16xi1>, vector<16xi32>
      %masked_sort3A_663 = arith.constant dense<true> : vector<16xi1>
      %masked_sort3A_664, %masked_sort3A_665, %masked_sort3A_666 = tpu.sort %select_n3A_661, %select_n3A_662 masked %masked_sort3A_663 : (vector<16xf32>, vector<16xi32>, vector<16xi1>) -> (vector<16xi1>, vector<16xf32>, vector<16xi32>)
      scf.yield %masked_sort3A_665, %masked_sort3A_666 : vector<16xf32>, vector<16xi32>
    }
    tpu.wait_dma2 semaphore(%arg16 : memref<!tpu.dma_semaphore, #tpu.memory_space<semaphore_mem>>) src(%arg5 : memref<16384xi32, #tpu.memory_space<hbm>>) dst(%arg10 : memref<16384xi32, #tpu.memory_space<vmem>>)
    %gather3A = tpu.vector_load_idx %arg10[%while3A_62#1] : memref<16384xi32, #tpu.memory_space<vmem>>[vector<16xi32>], vector<16xi32>,
    %masked_sort3A = arith.constant dense<true> : vector<16xi1>
    %masked_sort3A_63 = arith.constant -2147483648 : i32
    %masked_sort3A_64 = vector.broadcast %masked_sort3A_63 : i32 to vector<16xi32>
    %masked_sort3A_65 = arith.xori %gather3A, %masked_sort3A_64 : vector<16xi32>
    %masked_sort3A_66, %masked_sort3A_67, %masked_sort3A_68 = tpu.sort %masked_sort3A_65, %gather3A masked %masked_sort3A : (vector<16xi32>, vector<16xi32>, vector<16xi1>) -> (vector<16xi1>, vector<16xi32>, vector<16xi32>)
    %masked_sort3A_69 = arith.xori %masked_sort3A_67, %masked_sort3A_64 : vector<16xi32>
    %swap3A = arith.constant 0 : index
    %swap3A_70 = tpu.vector_load %arg13[%swap3A] {strides = array<i32>} : memref<16xi32, #tpu.memory_space<vmem>>, vector<16xi32>,
    tpu.vector_store %arg13[%swap3A], %masked_sort3A_69 {strides = array<i32>} : memref<16xi32, #tpu.memory_space<vmem>>, vector<16xi32>,
    %sub3A_71 = arith.constant 1 : i32
    %sub3A_72 = vector.broadcast %sub3A_71 : i32 to vector<16xi32>
    %sub3A_73 = arith.subi %iota3A, %sub3A_72 : vector<16xi32>
    %max3A = arith.constant 0 : i32
    %max3A_74 = vector.broadcast %max3A : i32 to vector<16xi32>
    %max3A_75 = arith.maxsi %sub3A_73, %max3A_74 : vector<16xi32>
    %gather3A_76 = tpu.vector_load_idx %arg13[%max3A_75] : memref<16xi32, #tpu.memory_space<vmem>>[vector<16xi32>], vector<16xi32>,
    %add3A_77 = arith.constant 1 : i32
    %add3A_78 = vector.broadcast %add3A_77 : i32 to vector<16xi32>
    %add3A_79 = arith.addi %iota3A, %add3A_78 : vector<16xi32>
    %min3A = arith.constant 15 : i32
    %min3A_80 = vector.broadcast %min3A : i32 to vector<16xi32>
    %min3A_81 = arith.minsi %add3A_79, %min3A_80 : vector<16xi32>
    %gather3A_82 = tpu.vector_load_idx %arg13[%min3A_81] : memref<16xi32, #tpu.memory_space<vmem>>[vector<16xi32>], vector<16xi32>,
    %ne3A_83 = arith.cmpi ne, %masked_sort3A_69, %gather3A_76 : vector<16xi32>
    %eq3A = arith.constant 0 : i32
    %eq3A_84 = vector.broadcast %eq3A : i32 to vector<16xi32>
    %eq3A_85 = arith.cmpi eq, %iota3A, %eq3A_84 : vector<16xi32>
    %or3A = arith.ori %ne3A_83, %eq3A_85 : vector<16xi1>
    %ne3A_86 = arith.cmpi ne, %masked_sort3A_69, %gather3A_82 : vector<16xi32>
    %eq3A_87 = arith.constant 15 : i32
    %eq3A_88 = vector.broadcast %eq3A_87 : i32 to vector<16xi32>
    %eq3A_89 = arith.cmpi eq, %iota3A, %eq3A_88 : vector<16xi32>
    %or3A_90 = arith.ori %ne3A_86, %eq3A_89 : vector<16xi1>
    %jit3A_91 = arith.constant 0 : i32
    %broadcast_in_dim3A_92 = vector.broadcast %jit3A_91 : i32 to vector<16xi32>
    %select_n3A_93 = arith.select %or3A, %iota3A, %broadcast_in_dim3A_92 : vector<16xi1>, vector<16xi32>
    %broadcast_in_dim3A_94 = arith.constant true
    %broadcast_in_dim3A_95 = vector.broadcast %broadcast_in_dim3A_94 : i1 to vector<16xi1>
    %masked_cummax3A = arith.constant -2147483648 : i32
    %masked_cummax3A_96 = vector.broadcast %masked_cummax3A : i32 to vector<16xi32>
    %masked_cummax3A_97 = arith.xori %select_n3A_93, %masked_cummax3A_96 : vector<16xi32>
    %masked_cummax3A_98 = tpu.scan <max>, %masked_cummax3A_97 masked %broadcast_in_dim3A_95 : vector<16xi32>, vector<16xi1> -> vector<16xi32>
    %masked_cummax3A_99 = arith.xori %masked_cummax3A_98, %masked_cummax3A_96 : vector<16xi32>
    %convert_element_type3A = arith.extui %or3A_90 : vector<16xi1> to vector<16xi32>
    %rev3A = arith.constant 15 : i32
    %rev3A_100 = vector.broadcast %rev3A : i32 to vector<16xi32>
    %rev3A_101 = tpu.iota {dimensions = array<i32: 0>} : vector<16xi32>
    %rev3A_102 = arith.subi %rev3A_100, %rev3A_101 : vector<16xi32>
    %rev3A_103 = tpu.dynamic_gather %convert_element_type3A[%rev3A_102] in [0] : vector<16xi32>, vector<16xi32> -> vector<16xi32>
    %eq3A_104 = arith.constant 1 : i32
    %eq3A_105 = vector.broadcast %eq3A_104 : i32 to vector<16xi32>
    %eq3A_106 = arith.cmpi eq, %rev3A_103, %eq3A_105 : vector<16xi32>
    %jit3A_107 = arith.constant -1 : i32
    %broadcast_in_dim3A_108 = vector.broadcast %jit3A_107 : i32 to vector<16xi32>
    %select_n3A_109 = arith.select %eq3A_106, %iota3A, %broadcast_in_dim3A_108 : vector<16xi1>, vector<16xi32>
    %broadcast_in_dim3A_110 = arith.constant true
    %broadcast_in_dim3A_111 = vector.broadcast %broadcast_in_dim3A_110 : i1 to vector<16xi1>
    %masked_cummax3A_112 = arith.constant -2147483648 : i32
    %masked_cummax3A_113 = vector.broadcast %masked_cummax3A_112 : i32 to vector<16xi32>
    %masked_cummax3A_114 = arith.xori %select_n3A_109, %masked_cummax3A_113 : vector<16xi32>
    %masked_cummax3A_115 = tpu.scan <max>, %masked_cummax3A_114 masked %broadcast_in_dim3A_111 : vector<16xi32>, vector<16xi1> -> vector<16xi32>
    %masked_cummax3A_116 = arith.xori %masked_cummax3A_115, %masked_cummax3A_113 : vector<16xi32>
    %sub3A_117 = arith.constant 15 : i32
    %sub3A_118 = vector.broadcast %sub3A_117 : i32 to vector<16xi32>
    %sub3A_119 = arith.subi %sub3A_118, %masked_cummax3A_116 : vector<16xi32>
    %rev3A_120 = arith.constant 15 : i32
    %rev3A_121 = vector.broadcast %rev3A_120 : i32 to vector<16xi32>
    %rev3A_122 = tpu.iota {dimensions = array<i32: 0>} : vector<16xi32>
    %rev3A_123 = arith.subi %rev3A_121, %rev3A_122 : vector<16xi32>
    %rev3A_124 = tpu.dynamic_gather %sub3A_119[%rev3A_123] in [0] : vector<16xi32>, vector<16xi32> -> vector<16xi32>
    %sub3A_125 = arith.subi %rev3A_124, %masked_cummax3A_99 : vector<16xi32>
    %add3A_126 = arith.constant 1 : i32
    %add3A_127 = vector.broadcast %add3A_126 : i32 to vector<16xi32>
    %add3A_128 = arith.addi %sub3A_125, %add3A_127 : vector<16xi32>
    %mul3A_129 = arith.constant 1024 : i32
    %mul3A_130 = vector.broadcast %mul3A_129 : i32 to vector<16xi32>
    %mul3A_131 = arith.muli %add3A_128, %mul3A_130 : vector<16xi32>
    %sub3A_132 = arith.constant 1023 : i32
    %sub3A_133 = vector.broadcast %sub3A_132 : i32 to vector<16xi32>
    %sub3A_134 = arith.subi %sub3A_133, %masked_sort3A_69 : vector<16xi32>
    %add3A_135 = arith.addi %mul3A_131, %sub3A_134 : vector<16xi32>
    %reduce_max3A_136 = arith.constant true
    %reduce_max3A_137 = vector.broadcast %reduce_max3A_136 : i1 to vector<16xi1>
    %reduce_max3A_138 = arith.constant -2147483648 : i32
    %reduce_max3A_139 = vector.broadcast %reduce_max3A_138 : i32 to vector<16xi32>
    %reduce_max3A_140 = arith.xori %add3A_135, %reduce_max3A_139 : vector<16xi32>
    %reduce_max3A_141 = tpu.scan <max>, %reduce_max3A_140 masked %reduce_max3A_137 : vector<16xi32>, vector<16xi1> -> vector<16xi32>
    %reduce_max3A_142 = arith.xori %reduce_max3A_141, %reduce_max3A_139 : vector<16xi32>
    %reduce_max3A_143 = vector.extract %reduce_max3A_142[15] : i32 from vector<16xi32>
    %rem3A_144 = arith.constant 1024 : i32
    %rem3A_145 = arith.remsi %reduce_max3A_143, %rem3A_144 : i32
    %sub3A_146 = arith.constant 1023 : i32
    %sub3A_147 = arith.subi %sub3A_146, %rem3A_145 : i32
    %eq3A_148 = arith.constant 0 : i32
    %eq3A_149 = vector.broadcast %eq3A_148 : i32 to vector<16xi32>
    %eq3A_150 = arith.cmpi eq, %iota3A, %eq3A_149 : vector<16xi32>
    %broadcast_in_dim3A_151 = vector.broadcast %sub3A_147 : i32 to vector<16xi32>
    %select_n3A_152 = arith.select %eq3A_150, %broadcast_in_dim3A_151, %broadcast_in_dim3A_15 : vector<16xi1>, vector<16xi32>
    %get3A_153 = arith.constant 1 : i32
    %get3A_154 = arith.index_cast %get3A_153 : i32 to index
    %get3A_155 = arith.constant 0 : index
    %get3A_156 = tpu.vector_load %arg9[%get3A_154, %get3A_155] {strides = array<i32>} : memref<4x16xf32, #tpu.memory_space<vmem>>, vector<16xf32>,
    %broadcast_in_dim3A_157 = arith.constant 0 : i32
    %broadcast_in_dim3A_158 = vector.broadcast %broadcast_in_dim3A_157 : i32 to vector<16xi32>
    %scan3A_159 = arith.constant 0 : i32
    %scan3A_160 = arith.constant 16 : i32
    %scan3A_161 = arith.addi %scan3A_159, %scan3A_160 : i32
    %scan3A_162 = arith.constant 1 : i32
    %scan3A_163 = scf.for %scan3A_632 = %scan3A_159 to %scan3A_161 step %scan3A_162 iter_args(%scan3A_633 = %broadcast_in_dim3A_158) -> (vector<16xi32>)  : i32 {
      %add3A_634 = arith.constant 16 : i32
      %add3A_635 = arith.addi %add3A_634, %scan3A_632 : i32
      %get3A_636 = arith.index_cast %add3A_635 : i32 to index
      %get3A_637 = arith.constant 0 : index
      %get3A_638 = tpu.vector_load %arg8[%get3A_636, %get3A_637] {strides = array<i32>} : memref<64x16xi32, #tpu.memory_space<vmem>>, vector<16xi32>,
      %get3A_639 = arith.index_cast %add3A_635 : i32 to index
      %get3A_640 = arith.constant 0 : index
      %get3A_641 = tpu.vector_load %arg7[%get3A_639, %get3A_640] {strides = array<i32>} : memref<64x128xf32, #tpu.memory_space<vmem>>, vector<16xf32>,
      %add3A_642 = arith.constant 0 : i32
      %add3A_643 = vector.broadcast %add3A_642 : i32 to vector<16xi32>
      %add3A_644 = arith.addi %get3A_638, %add3A_643 : vector<16xi32>
      %le3A = arith.cmpf ole, %get3A_641, %get3A_156 : vector<16xf32>
      %convert_element_type3A_645 = arith.extui %le3A : vector<16xi1> to vector<16xi32>
      %broadcast_in_dim3A_646 = arith.constant true
      %broadcast_in_dim3A_647 = vector.broadcast %broadcast_in_dim3A_646 : i1 to vector<16xi1>
      %masked_cumsum3A = tpu.scan <sum>, %convert_element_type3A_645 masked %broadcast_in_dim3A_647 : vector<16xi32>, vector<16xi1> -> vector<16xi32>
      %add3A_648 = arith.addi %scan3A_633, %masked_cumsum3A : vector<16xi32>
      %sub3A_649 = arith.constant 1 : i32
      %sub3A_650 = vector.broadcast %sub3A_649 : i32 to vector<16xi32>
      %sub3A_651 = arith.subi %add3A_648, %sub3A_650 : vector<16xi32>
      tpu.vector_store_idx %arg11[%sub3A_651], %get3A_641 masked %le3A : memref<2064xf32, #tpu.memory_space<vmem>>[vector<16xi32>], vector<16xf32>, vector<16xi1>
      tpu.vector_store_idx %arg12[%sub3A_651], %add3A_644 masked %le3A : memref<2064xi32, #tpu.memory_space<vmem>>[vector<16xi32>], vector<16xi32>, vector<16xi1>
      %all_reduce_population_count3A = tpu.all_reduce %le3A {dim = 0 : i64, kind = #tpu.reduction_kind<sum>} : vector<16xi1> -> vector<16xi32>
      %add3A_652 = arith.addi %scan3A_633, %all_reduce_population_count3A : vector<16xi32>
      %get3A_653 = arith.index_cast %add3A_635 : i32 to index
      %get3A_654 = arith.constant 16 : index
      %get3A_655 = tpu.vector_load %arg7[%get3A_653, %get3A_654] {strides = array<i32>} : memref<64x128xf32, #tpu.memory_space<vmem>>, vector<16xf32>,
      %add3A_656 = arith.constant 16 : i32
      %add3A_657 = vector.broadcast %add3A_656 : i32 to vector<16xi32>
      %add3A_658 = arith.addi %get3A_638, %add3A_657 : vector<16xi32>
      %le3A_659 = arith.cmpf ole, %get3A_655, %get3A_156 : vector<16xf32>
      %convert_element_type3A_660 = arith.extui %le3A_659 : vector<16xi1> to vector<16xi32>
      %broadcast_in_dim3A_661 = arith.constant true
      %broadcast_in_dim3A_662 = vector.broadcast %broadcast_in_dim3A_661 : i1 to vector<16xi1>
      %masked_cumsum3A_663 = tpu.scan <sum>, %convert_element_type3A_660 masked %broadcast_in_dim3A_662 : vector<16xi32>, vector<16xi1> -> vector<16xi32>
      %add3A_664 = arith.addi %add3A_652, %masked_cumsum3A_663 : vector<16xi32>
      %sub3A_665 = arith.constant 1 : i32
      %sub3A_666 = vector.broadcast %sub3A_665 : i32 to vector<16xi32>
      %sub3A_667 = arith.subi %add3A_664, %sub3A_666 : vector<16xi32>
      tpu.vector_store_idx %arg11[%sub3A_667], %get3A_655 masked %le3A_659 : memref<2064xf32, #tpu.memory_space<vmem>>[vector<16xi32>], vector<16xf32>, vector<16xi1>
      tpu.vector_store_idx %arg12[%sub3A_667], %add3A_658 masked %le3A_659 : memref<2064xi32, #tpu.memory_space<vmem>>[vector<16xi32>], vector<16xi32>, vector<16xi1>
      %all_reduce_population_count3A_668 = tpu.all_reduce %le3A_659 {dim = 0 : i64, kind = #tpu.reduction_kind<sum>} : vector<16xi1> -> vector<16xi32>
      %add3A_669 = arith.addi %add3A_652, %all_reduce_population_count3A_668 : vector<16xi32>
      %get3A_670 = arith.index_cast %add3A_635 : i32 to index
      %get3A_671 = arith.constant 32 : index
      %get3A_672 = tpu.vector_load %arg7[%get3A_670, %get3A_671] {strides = array<i32>} : memref<64x128xf32, #tpu.memory_space<vmem>>, vector<16xf32>,
      %add3A_673 = arith.constant 32 : i32
      %add3A_674 = vector.broadcast %add3A_673 : i32 to vector<16xi32>
      %add3A_675 = arith.addi %get3A_638, %add3A_674 : vector<16xi32>
      %le3A_676 = arith.cmpf ole, %get3A_672, %get3A_156 : vector<16xf32>
      %convert_element_type3A_677 = arith.extui %le3A_676 : vector<16xi1> to vector<16xi32>
      %broadcast_in_dim3A_678 = arith.constant true
      %broadcast_in_dim3A_679 = vector.broadcast %broadcast_in_dim3A_678 : i1 to vector<16xi1>
      %masked_cumsum3A_680 = tpu.scan <sum>, %convert_element_type3A_677 masked %broadcast_in_dim3A_679 : vector<16xi32>, vector<16xi1> -> vector<16xi32>
      %add3A_681 = arith.addi %add3A_669, %masked_cumsum3A_680 : vector<16xi32>
      %sub3A_682 = arith.constant 1 : i32
      %sub3A_683 = vector.broadcast %sub3A_682 : i32 to vector<16xi32>
      %sub3A_684 = arith.subi %add3A_681, %sub3A_683 : vector<16xi32>
      tpu.vector_store_idx %arg11[%sub3A_684], %get3A_672 masked %le3A_676 : memref<2064xf32, #tpu.memory_space<vmem>>[vector<16xi32>], vector<16xf32>, vector<16xi1>
      tpu.vector_store_idx %arg12[%sub3A_684], %add3A_675 masked %le3A_676 : memref<2064xi32, #tpu.memory_space<vmem>>[vector<16xi32>], vector<16xi32>, vector<16xi1>
      %all_reduce_population_count3A_685 = tpu.all_reduce %le3A_676 {dim = 0 : i64, kind = #tpu.reduction_kind<sum>} : vector<16xi1> -> vector<16xi32>
      %add3A_686 = arith.addi %add3A_669, %all_reduce_population_count3A_685 : vector<16xi32>
      %get3A_687 = arith.index_cast %add3A_635 : i32 to index
      %get3A_688 = arith.constant 48 : index
      %get3A_689 = tpu.vector_load %arg7[%get3A_687, %get3A_688] {strides = array<i32>} : memref<64x128xf32, #tpu.memory_space<vmem>>, vector<16xf32>,
      %add3A_690 = arith.constant 48 : i32
      %add3A_691 = vector.broadcast %add3A_690 : i32 to vector<16xi32>
      %add3A_692 = arith.addi %get3A_638, %add3A_691 : vector<16xi32>
      %le3A_693 = arith.cmpf ole, %get3A_689, %get3A_156 : vector<16xf32>
      %convert_element_type3A_694 = arith.extui %le3A_693 : vector<16xi1> to vector<16xi32>
      %broadcast_in_dim3A_695 = arith.constant true
      %broadcast_in_dim3A_696 = vector.broadcast %broadcast_in_dim3A_695 : i1 to vector<16xi1>
      %masked_cumsum3A_697 = tpu.scan <sum>, %convert_element_type3A_694 masked %broadcast_in_dim3A_696 : vector<16xi32>, vector<16xi1> -> vector<16xi32>
      %add3A_698 = arith.addi %add3A_686, %masked_cumsum3A_697 : vector<16xi32>
      %sub3A_699 = arith.constant 1 : i32
      %sub3A_700 = vector.broadcast %sub3A_699 : i32 to vector<16xi32>
      %sub3A_701 = arith.subi %add3A_698, %sub3A_700 : vector<16xi32>
      tpu.vector_store_idx %arg11[%sub3A_701], %get3A_689 masked %le3A_693 : memref<2064xf32, #tpu.memory_space<vmem>>[vector<16xi32>], vector<16xf32>, vector<16xi1>
      tpu.vector_store_idx %arg12[%sub3A_701], %add3A_692 masked %le3A_693 : memref<2064xi32, #tpu.memory_space<vmem>>[vector<16xi32>], vector<16xi32>, vector<16xi1>
      %all_reduce_population_count3A_702 = tpu.all_reduce %le3A_693 {dim = 0 : i64, kind = #tpu.reduction_kind<sum>} : vector<16xi1> -> vector<16xi32>
      %add3A_703 = arith.addi %add3A_686, %all_reduce_population_count3A_702 : vector<16xi32>
      %get3A_704 = arith.index_cast %add3A_635 : i32 to index
      %get3A_705 = arith.constant 64 : index
      %get3A_706 = tpu.vector_load %arg7[%get3A_704, %get3A_705] {strides = array<i32>} : memref<64x128xf32, #tpu.memory_space<vmem>>, vector<16xf32>,
      %add3A_707 = arith.constant 64 : i32
      %add3A_708 = vector.broadcast %add3A_707 : i32 to vector<16xi32>
      %add3A_709 = arith.addi %get3A_638, %add3A_708 : vector<16xi32>
      %le3A_710 = arith.cmpf ole, %get3A_706, %get3A_156 : vector<16xf32>
      %convert_element_type3A_711 = arith.extui %le3A_710 : vector<16xi1> to vector<16xi32>
      %broadcast_in_dim3A_712 = arith.constant true
      %broadcast_in_dim3A_713 = vector.broadcast %broadcast_in_dim3A_712 : i1 to vector<16xi1>
      %masked_cumsum3A_714 = tpu.scan <sum>, %convert_element_type3A_711 masked %broadcast_in_dim3A_713 : vector<16xi32>, vector<16xi1> -> vector<16xi32>
      %add3A_715 = arith.addi %add3A_703, %masked_cumsum3A_714 : vector<16xi32>
      %sub3A_716 = arith.constant 1 : i32
      %sub3A_717 = vector.broadcast %sub3A_716 : i32 to vector<16xi32>
      %sub3A_718 = arith.subi %add3A_715, %sub3A_717 : vector<16xi32>
      tpu.vector_store_idx %arg11[%sub3A_718], %get3A_706 masked %le3A_710 : memref<2064xf32, #tpu.memory_space<vmem>>[vector<16xi32>], vector<16xf32>, vector<16xi1>
      tpu.vector_store_idx %arg12[%sub3A_718], %add3A_709 masked %le3A_710 : memref<2064xi32, #tpu.memory_space<vmem>>[vector<16xi32>], vector<16xi32>, vector<16xi1>
      %all_reduce_population_count3A_719 = tpu.all_reduce %le3A_710 {dim = 0 : i64, kind = #tpu.reduction_kind<sum>} : vector<16xi1> -> vector<16xi32>
      %add3A_720 = arith.addi %add3A_703, %all_reduce_population_count3A_719 : vector<16xi32>
      %get3A_721 = arith.index_cast %add3A_635 : i32 to index
      %get3A_722 = arith.constant 80 : index
      %get3A_723 = tpu.vector_load %arg7[%get3A_721, %get3A_722] {strides = array<i32>} : memref<64x128xf32, #tpu.memory_space<vmem>>, vector<16xf32>,
      %add3A_724 = arith.constant 80 : i32
      %add3A_725 = vector.broadcast %add3A_724 : i32 to vector<16xi32>
      %add3A_726 = arith.addi %get3A_638, %add3A_725 : vector<16xi32>
      %le3A_727 = arith.cmpf ole, %get3A_723, %get3A_156 : vector<16xf32>
      %convert_element_type3A_728 = arith.extui %le3A_727 : vector<16xi1> to vector<16xi32>
      %broadcast_in_dim3A_729 = arith.constant true
      %broadcast_in_dim3A_730 = vector.broadcast %broadcast_in_dim3A_729 : i1 to vector<16xi1>
      %masked_cumsum3A_731 = tpu.scan <sum>, %convert_element_type3A_728 masked %broadcast_in_dim3A_730 : vector<16xi32>, vector<16xi1> -> vector<16xi32>
      %add3A_732 = arith.addi %add3A_720, %masked_cumsum3A_731 : vector<16xi32>
      %sub3A_733 = arith.constant 1 : i32
      %sub3A_734 = vector.broadcast %sub3A_733 : i32 to vector<16xi32>
      %sub3A_735 = arith.subi %add3A_732, %sub3A_734 : vector<16xi32>
      tpu.vector_store_idx %arg11[%sub3A_735], %get3A_723 masked %le3A_727 : memref<2064xf32, #tpu.memory_space<vmem>>[vector<16xi32>], vector<16xf32>, vector<16xi1>
      tpu.vector_store_idx %arg12[%sub3A_735], %add3A_726 masked %le3A_727 : memref<2064xi32, #tpu.memory_space<vmem>>[vector<16xi32>], vector<16xi32>, vector<16xi1>
      %all_reduce_population_count3A_736 = tpu.all_reduce %le3A_727 {dim = 0 : i64, kind = #tpu.reduction_kind<sum>} : vector<16xi1> -> vector<16xi32>
      %add3A_737 = arith.addi %add3A_720, %all_reduce_population_count3A_736 : vector<16xi32>
      %get3A_738 = arith.index_cast %add3A_635 : i32 to index
      %get3A_739 = arith.constant 96 : index
      %get3A_740 = tpu.vector_load %arg7[%get3A_738, %get3A_739] {strides = array<i32>} : memref<64x128xf32, #tpu.memory_space<vmem>>, vector<16xf32>,
      %add3A_741 = arith.constant 96 : i32
      %add3A_742 = vector.broadcast %add3A_741 : i32 to vector<16xi32>
      %add3A_743 = arith.addi %get3A_638, %add3A_742 : vector<16xi32>
      %le3A_744 = arith.cmpf ole, %get3A_740, %get3A_156 : vector<16xf32>
      %convert_element_type3A_745 = arith.extui %le3A_744 : vector<16xi1> to vector<16xi32>
      %broadcast_in_dim3A_746 = arith.constant true
      %broadcast_in_dim3A_747 = vector.broadcast %broadcast_in_dim3A_746 : i1 to vector<16xi1>
      %masked_cumsum3A_748 = tpu.scan <sum>, %convert_element_type3A_745 masked %broadcast_in_dim3A_747 : vector<16xi32>, vector<16xi1> -> vector<16xi32>
      %add3A_749 = arith.addi %add3A_737, %masked_cumsum3A_748 : vector<16xi32>
      %sub3A_750 = arith.constant 1 : i32
      %sub3A_751 = vector.broadcast %sub3A_750 : i32 to vector<16xi32>
      %sub3A_752 = arith.subi %add3A_749, %sub3A_751 : vector<16xi32>
      tpu.vector_store_idx %arg11[%sub3A_752], %get3A_740 masked %le3A_744 : memref<2064xf32, #tpu.memory_space<vmem>>[vector<16xi32>], vector<16xf32>, vector<16xi1>
      tpu.vector_store_idx %arg12[%sub3A_752], %add3A_743 masked %le3A_744 : memref<2064xi32, #tpu.memory_space<vmem>>[vector<16xi32>], vector<16xi32>, vector<16xi1>
      %all_reduce_population_count3A_753 = tpu.all_reduce %le3A_744 {dim = 0 : i64, kind = #tpu.reduction_kind<sum>} : vector<16xi1> -> vector<16xi32>
      %add3A_754 = arith.addi %add3A_737, %all_reduce_population_count3A_753 : vector<16xi32>
      %get3A_755 = arith.index_cast %add3A_635 : i32 to index
      %get3A_756 = arith.constant 112 : index
      %get3A_757 = tpu.vector_load %arg7[%get3A_755, %get3A_756] {strides = array<i32>} : memref<64x128xf32, #tpu.memory_space<vmem>>, vector<16xf32>,
      %add3A_758 = arith.constant 112 : i32
      %add3A_759 = vector.broadcast %add3A_758 : i32 to vector<16xi32>
      %add3A_760 = arith.addi %get3A_638, %add3A_759 : vector<16xi32>
      %le3A_761 = arith.cmpf ole, %get3A_757, %get3A_156 : vector<16xf32>
      %convert_element_type3A_762 = arith.extui %le3A_761 : vector<16xi1> to vector<16xi32>
      %broadcast_in_dim3A_763 = arith.constant true
      %broadcast_in_dim3A_764 = vector.broadcast %broadcast_in_dim3A_763 : i1 to vector<16xi1>
      %masked_cumsum3A_765 = tpu.scan <sum>, %convert_element_type3A_762 masked %broadcast_in_dim3A_764 : vector<16xi32>, vector<16xi1> -> vector<16xi32>
      %add3A_766 = arith.addi %add3A_754, %masked_cumsum3A_765 : vector<16xi32>
      %sub3A_767 = arith.constant 1 : i32
      %sub3A_768 = vector.broadcast %sub3A_767 : i32 to vector<16xi32>
      %sub3A_769 = arith.subi %add3A_766, %sub3A_768 : vector<16xi32>
      tpu.vector_store_idx %arg11[%sub3A_769], %get3A_757 masked %le3A_761 : memref<2064xf32, #tpu.memory_space<vmem>>[vector<16xi32>], vector<16xf32>, vector<16xi1>
      tpu.vector_store_idx %arg12[%sub3A_769], %add3A_760 masked %le3A_761 : memref<2064xi32, #tpu.memory_space<vmem>>[vector<16xi32>], vector<16xi32>, vector<16xi1>
      %all_reduce_population_count3A_770 = tpu.all_reduce %le3A_761 {dim = 0 : i64, kind = #tpu.reduction_kind<sum>} : vector<16xi1> -> vector<16xi32>
      %add3A_771 = arith.addi %add3A_754, %all_reduce_population_count3A_770 : vector<16xi32>
      scf.yield %add3A_771 : vector<16xi32>
    }
    %scan3A_164 = arith.constant 16 : i32
    %add3A_165 = arith.addi %scan3A_163, %iota3A : vector<16xi32>
    tpu.vector_store_idx %arg11[%add3A_165], %broadcast_in_dim3A_11 : memref<2064xf32, #tpu.memory_space<vmem>>[vector<16xi32>], vector<16xf32>,
    %add3A_166 = arith.addi %scan3A_163, %iota3A : vector<16xi32>
    tpu.vector_store_idx %arg12[%add3A_166], %broadcast_in_dim3A_13 : memref<2064xi32, #tpu.memory_space<vmem>>[vector<16xi32>], vector<16xi32>,
    %reduce_max3A_167 = arith.constant true
    %reduce_max3A_168 = vector.broadcast %reduce_max3A_167 : i1 to vector<16xi1>
    %reduce_max3A_169 = arith.constant -2147483648 : i32
    %reduce_max3A_170 = vector.broadcast %reduce_max3A_169 : i32 to vector<16xi32>
    %reduce_max3A_171 = arith.xori %scan3A_163, %reduce_max3A_170 : vector<16xi32>
    %reduce_max3A_172 = tpu.scan <max>, %reduce_max3A_171 masked %reduce_max3A_168 : vector<16xi32>, vector<16xi1> -> vector<16xi32>
    %reduce_max3A_173 = arith.xori %reduce_max3A_172, %reduce_max3A_170 : vector<16xi32>
    %reduce_max3A_174 = vector.extract %reduce_max3A_173[15] : i32 from vector<16xi32>
    %add3A_175 = arith.constant 15 : i32
    %add3A_176 = arith.addi %reduce_max3A_174, %add3A_175 : i32
    %jit3A_177 = arith.constant 16 : i32
    %div3A_178 = arith.divsi %add3A_176, %jit3A_177 : i32
    %sign3A_179 = arith.constant 0 : i32
    %sign3A_180 = arith.cmpi sgt, %add3A_176, %sign3A_179 : i32
    %sign3A_181 = arith.extui %sign3A_180 : i1 to i32
    %sign3A_182 = arith.constant 0 : i32
    %sign3A_183 = arith.cmpi slt, %add3A_176, %sign3A_182 : i32
    %sign3A_184 = arith.extui %sign3A_183 : i1 to i32
    %sign3A_185 = arith.subi %sign3A_181, %sign3A_184 : i32
    %sign3A_186 = arith.constant 0 : i32
    %sign3A_187 = arith.cmpi sgt, %jit3A_177, %sign3A_186 : i32
    %sign3A_188 = arith.extui %sign3A_187 : i1 to i32
    %sign3A_189 = arith.constant 0 : i32
    %sign3A_190 = arith.cmpi slt, %jit3A_177, %sign3A_189 : i32
    %sign3A_191 = arith.extui %sign3A_190 : i1 to i32
    %sign3A_192 = arith.subi %sign3A_188, %sign3A_191 : i32
    %ne3A_193 = arith.cmpi ne, %sign3A_185, %sign3A_192 : i32
    %rem3A_194 = arith.remsi %add3A_176, %jit3A_177 : i32
    %ne3A_195 = arith.constant 0 : i32
    %ne3A_196 = arith.cmpi ne, %rem3A_194, %ne3A_195 : i32
    %and3A_197 = arith.andi %ne3A_193, %ne3A_196 : i1
    %sub3A_198 = arith.constant 1 : i32
    %sub3A_199 = arith.subi %div3A_178, %sub3A_198 : i32
    %select_n3A_200 = arith.select %and3A_197, %sub3A_199, %div3A_178 : i32
    %while3A_201 = arith.constant 0 : i32
    %while3A_202 = arith.subi %select_n3A_200, %while3A_201 : i32
    %while3A_203 = arith.addi %while3A_201, %while3A_202 : i32
    %while3A_204 = arith.constant 1 : i32
    %while3A_205 = arith.divsi %while3A_202, %while3A_204 : i32
    %while3A_206 = arith.muli %while3A_205, %while3A_204 : i32
    %while3A_207 = arith.addi %while3A_201, %while3A_206 : i32
    %while3A_208 = arith.constant 1 : i32
    %while3A_209:2 = scf.for %while3A_632 = %while3A_201 to %while3A_207 step %while3A_208 iter_args(%while3A_633 = %broadcast_in_dim3A_11, %while3A_634 = %broadcast_in_dim3A_13) -> (vector<16xf32>, vector<16xi32>)  : i32 {
      %mul3A_635 = arith.constant 16 : i32
      %mul3A_636 = arith.muli %while3A_632, %mul3A_635 : i32
      %get3A_637 = arith.index_cast %mul3A_636 : i32 to index
      %get3A_638 = tpu.vector_load %arg11[%get3A_637] {strides = array<i32>} : memref<2064xf32, #tpu.memory_space<vmem>>, vector<16xf32>,
      %mul3A_639 = arith.constant 16 : i32
      %mul3A_640 = arith.muli %while3A_632, %mul3A_639 : i32
      %get3A_641 = arith.index_cast %mul3A_640 : i32 to index
      %get3A_642 = tpu.vector_load %arg12[%get3A_641] {strides = array<i32>} : memref<2064xi32, #tpu.memory_space<vmem>>, vector<16xi32>,
      %masked_sort3A_643 = arith.constant dense<true> : vector<16xi1>
      %masked_sort3A_644, %masked_sort3A_645, %masked_sort3A_646 = tpu.sort %get3A_638, %get3A_642 masked %masked_sort3A_643 : (vector<16xf32>, vector<16xi32>, vector<16xi1>) -> (vector<16xi1>, vector<16xf32>, vector<16xi32>)
      %rev3A_647 = arith.constant 15 : i32
      %rev3A_648 = vector.broadcast %rev3A_647 : i32 to vector<16xi32>
      %rev3A_649 = tpu.iota {dimensions = array<i32: 0>} : vector<16xi32>
      %rev3A_650 = arith.subi %rev3A_648, %rev3A_649 : vector<16xi32>
      %rev3A_651 = tpu.dynamic_gather %masked_sort3A_645[%rev3A_650] in [0] : vector<16xf32>, vector<16xi32> -> vector<16xf32>
      %rev3A_652 = arith.constant 15 : i32
      %rev3A_653 = vector.broadcast %rev3A_652 : i32 to vector<16xi32>
      %rev3A_654 = tpu.iota {dimensions = array<i32: 0>} : vector<16xi32>
      %rev3A_655 = arith.subi %rev3A_653, %rev3A_654 : vector<16xi32>
      %rev3A_656 = tpu.dynamic_gather %masked_sort3A_646[%rev3A_655] in [0] : vector<16xi32>, vector<16xi32> -> vector<16xi32>
      %lt3A = arith.cmpf olt, %rev3A_651, %while3A_633 : vector<16xf32>
      %eq3A_657 = arith.cmpf oeq, %rev3A_651, %while3A_633 : vector<16xf32>
      %lt3A_658 = arith.cmpi slt, %rev3A_656, %while3A_634 : vector<16xi32>
      %and3A_659 = arith.andi %eq3A_657, %lt3A_658 : vector<16xi1>
      %or3A_660 = arith.ori %lt3A, %and3A_659 : vector<16xi1>
      %select_n3A_661 = arith.select %or3A_660, %rev3A_651, %while3A_633 : vector<16xi1>, vector<16xf32>
      %select_n3A_662 = arith.select %or3A_660, %rev3A_656, %while3A_634 : vector<16xi1>, vector<16xi32>
      %masked_sort3A_663 = arith.constant dense<true> : vector<16xi1>
      %masked_sort3A_664, %masked_sort3A_665, %masked_sort3A_666 = tpu.sort %select_n3A_661, %select_n3A_662 masked %masked_sort3A_663 : (vector<16xf32>, vector<16xi32>, vector<16xi1>) -> (vector<16xi1>, vector<16xf32>, vector<16xi32>)
      scf.yield %masked_sort3A_665, %masked_sort3A_666 : vector<16xf32>, vector<16xi32>
    }
    %while3A_210 = arith.constant 1 : i32
    %while3A_211:2 = scf.for %while3A_632 = %while3A_207 to %while3A_203 step %while3A_210 iter_args(%while3A_633 = %while3A_209#0, %while3A_634 = %while3A_209#1) -> (vector<16xf32>, vector<16xi32>)  : i32 {
      %mul3A_635 = arith.constant 16 : i32
      %mul3A_636 = arith.muli %while3A_632, %mul3A_635 : i32
      %get3A_637 = arith.index_cast %mul3A_636 : i32 to index
      %get3A_638 = tpu.vector_load %arg11[%get3A_637] {strides = array<i32>} : memref<2064xf32, #tpu.memory_space<vmem>>, vector<16xf32>,
      %mul3A_639 = arith.constant 16 : i32
      %mul3A_640 = arith.muli %while3A_632, %mul3A_639 : i32
      %get3A_641 = arith.index_cast %mul3A_640 : i32 to index
      %get3A_642 = tpu.vector_load %arg12[%get3A_641] {strides = array<i32>} : memref<2064xi32, #tpu.memory_space<vmem>>, vector<16xi32>,
      %masked_sort3A_643 = arith.constant dense<true> : vector<16xi1>
      %masked_sort3A_644, %masked_sort3A_645, %masked_sort3A_646 = tpu.sort %get3A_638, %get3A_642 masked %masked_sort3A_643 : (vector<16xf32>, vector<16xi32>, vector<16xi1>) -> (vector<16xi1>, vector<16xf32>, vector<16xi32>)
      %rev3A_647 = arith.constant 15 : i32
      %rev3A_648 = vector.broadcast %rev3A_647 : i32 to vector<16xi32>
      %rev3A_649 = tpu.iota {dimensions = array<i32: 0>} : vector<16xi32>
      %rev3A_650 = arith.subi %rev3A_648, %rev3A_649 : vector<16xi32>
      %rev3A_651 = tpu.dynamic_gather %masked_sort3A_645[%rev3A_650] in [0] : vector<16xf32>, vector<16xi32> -> vector<16xf32>
      %rev3A_652 = arith.constant 15 : i32
      %rev3A_653 = vector.broadcast %rev3A_652 : i32 to vector<16xi32>
      %rev3A_654 = tpu.iota {dimensions = array<i32: 0>} : vector<16xi32>
      %rev3A_655 = arith.subi %rev3A_653, %rev3A_654 : vector<16xi32>
      %rev3A_656 = tpu.dynamic_gather %masked_sort3A_646[%rev3A_655] in [0] : vector<16xi32>, vector<16xi32> -> vector<16xi32>
      %lt3A = arith.cmpf olt, %rev3A_651, %while3A_633 : vector<16xf32>
      %eq3A_657 = arith.cmpf oeq, %rev3A_651, %while3A_633 : vector<16xf32>
      %lt3A_658 = arith.cmpi slt, %rev3A_656, %while3A_634 : vector<16xi32>
      %and3A_659 = arith.andi %eq3A_657, %lt3A_658 : vector<16xi1>
      %or3A_660 = arith.ori %lt3A, %and3A_659 : vector<16xi1>
      %select_n3A_661 = arith.select %or3A_660, %rev3A_651, %while3A_633 : vector<16xi1>, vector<16xf32>
      %select_n3A_662 = arith.select %or3A_660, %rev3A_656, %while3A_634 : vector<16xi1>, vector<16xi32>
      %masked_sort3A_663 = arith.constant dense<true> : vector<16xi1>
      %masked_sort3A_664, %masked_sort3A_665, %masked_sort3A_666 = tpu.sort %select_n3A_661, %select_n3A_662 masked %masked_sort3A_663 : (vector<16xf32>, vector<16xi32>, vector<16xi1>) -> (vector<16xi1>, vector<16xf32>, vector<16xi32>)
      scf.yield %masked_sort3A_665, %masked_sort3A_666 : vector<16xf32>, vector<16xi32>
    }
    %gather3A_212 = tpu.vector_load_idx %arg10[%while3A_211#1] : memref<16384xi32, #tpu.memory_space<vmem>>[vector<16xi32>], vector<16xi32>,
    %masked_sort3A_213 = arith.constant dense<true> : vector<16xi1>
    %masked_sort3A_214 = arith.constant -2147483648 : i32
    %masked_sort3A_215 = vector.broadcast %masked_sort3A_214 : i32 to vector<16xi32>
    %masked_sort3A_216 = arith.xori %gather3A_212, %masked_sort3A_215 : vector<16xi32>
    %masked_sort3A_217, %masked_sort3A_218, %masked_sort3A_219 = tpu.sort %masked_sort3A_216, %gather3A_212 masked %masked_sort3A_213 : (vector<16xi32>, vector<16xi32>, vector<16xi1>) -> (vector<16xi1>, vector<16xi32>, vector<16xi32>)
    %masked_sort3A_220 = arith.xori %masked_sort3A_218, %masked_sort3A_215 : vector<16xi32>
    %swap3A_221 = arith.constant 0 : index
    %swap3A_222 = tpu.vector_load %arg13[%swap3A_221] {strides = array<i32>} : memref<16xi32, #tpu.memory_space<vmem>>, vector<16xi32>,
    tpu.vector_store %arg13[%swap3A_221], %masked_sort3A_220 {strides = array<i32>} : memref<16xi32, #tpu.memory_space<vmem>>, vector<16xi32>,
    %sub3A_223 = arith.constant 1 : i32
    %sub3A_224 = vector.broadcast %sub3A_223 : i32 to vector<16xi32>
    %sub3A_225 = arith.subi %iota3A, %sub3A_224 : vector<16xi32>
    %max3A_226 = arith.constant 0 : i32
    %max3A_227 = vector.broadcast %max3A_226 : i32 to vector<16xi32>
    %max3A_228 = arith.maxsi %sub3A_225, %max3A_227 : vector<16xi32>
    %gather3A_229 = tpu.vector_load_idx %arg13[%max3A_228] : memref<16xi32, #tpu.memory_space<vmem>>[vector<16xi32>], vector<16xi32>,
    %add3A_230 = arith.constant 1 : i32
    %add3A_231 = vector.broadcast %add3A_230 : i32 to vector<16xi32>
    %add3A_232 = arith.addi %iota3A, %add3A_231 : vector<16xi32>
    %min3A_233 = arith.constant 15 : i32
    %min3A_234 = vector.broadcast %min3A_233 : i32 to vector<16xi32>
    %min3A_235 = arith.minsi %add3A_232, %min3A_234 : vector<16xi32>
    %gather3A_236 = tpu.vector_load_idx %arg13[%min3A_235] : memref<16xi32, #tpu.memory_space<vmem>>[vector<16xi32>], vector<16xi32>,
    %ne3A_237 = arith.cmpi ne, %masked_sort3A_220, %gather3A_229 : vector<16xi32>
    %eq3A_238 = arith.constant 0 : i32
    %eq3A_239 = vector.broadcast %eq3A_238 : i32 to vector<16xi32>
    %eq3A_240 = arith.cmpi eq, %iota3A, %eq3A_239 : vector<16xi32>
    %or3A_241 = arith.ori %ne3A_237, %eq3A_240 : vector<16xi1>
    %ne3A_242 = arith.cmpi ne, %masked_sort3A_220, %gather3A_236 : vector<16xi32>
    %eq3A_243 = arith.constant 15 : i32
    %eq3A_244 = vector.broadcast %eq3A_243 : i32 to vector<16xi32>
    %eq3A_245 = arith.cmpi eq, %iota3A, %eq3A_244 : vector<16xi32>
    %or3A_246 = arith.ori %ne3A_242, %eq3A_245 : vector<16xi1>
    %jit3A_247 = arith.constant 0 : i32
    %broadcast_in_dim3A_248 = vector.broadcast %jit3A_247 : i32 to vector<16xi32>
    %select_n3A_249 = arith.select %or3A_241, %iota3A, %broadcast_in_dim3A_248 : vector<16xi1>, vector<16xi32>
    %broadcast_in_dim3A_250 = arith.constant true
    %broadcast_in_dim3A_251 = vector.broadcast %broadcast_in_dim3A_250 : i1 to vector<16xi1>
    %masked_cummax3A_252 = arith.constant -2147483648 : i32
    %masked_cummax3A_253 = vector.broadcast %masked_cummax3A_252 : i32 to vector<16xi32>
    %masked_cummax3A_254 = arith.xori %select_n3A_249, %masked_cummax3A_253 : vector<16xi32>
    %masked_cummax3A_255 = tpu.scan <max>, %masked_cummax3A_254 masked %broadcast_in_dim3A_251 : vector<16xi32>, vector<16xi1> -> vector<16xi32>
    %masked_cummax3A_256 = arith.xori %masked_cummax3A_255, %masked_cummax3A_253 : vector<16xi32>
    %convert_element_type3A_257 = arith.extui %or3A_246 : vector<16xi1> to vector<16xi32>
    %rev3A_258 = arith.constant 15 : i32
    %rev3A_259 = vector.broadcast %rev3A_258 : i32 to vector<16xi32>
    %rev3A_260 = tpu.iota {dimensions = array<i32: 0>} : vector<16xi32>
    %rev3A_261 = arith.subi %rev3A_259, %rev3A_260 : vector<16xi32>
    %rev3A_262 = tpu.dynamic_gather %convert_element_type3A_257[%rev3A_261] in [0] : vector<16xi32>, vector<16xi32> -> vector<16xi32>
    %eq3A_263 = arith.constant 1 : i32
    %eq3A_264 = vector.broadcast %eq3A_263 : i32 to vector<16xi32>
    %eq3A_265 = arith.cmpi eq, %rev3A_262, %eq3A_264 : vector<16xi32>
    %jit3A_266 = arith.constant -1 : i32
    %broadcast_in_dim3A_267 = vector.broadcast %jit3A_266 : i32 to vector<16xi32>
    %select_n3A_268 = arith.select %eq3A_265, %iota3A, %broadcast_in_dim3A_267 : vector<16xi1>, vector<16xi32>
    %broadcast_in_dim3A_269 = arith.constant true
    %broadcast_in_dim3A_270 = vector.broadcast %broadcast_in_dim3A_269 : i1 to vector<16xi1>
    %masked_cummax3A_271 = arith.constant -2147483648 : i32
    %masked_cummax3A_272 = vector.broadcast %masked_cummax3A_271 : i32 to vector<16xi32>
    %masked_cummax3A_273 = arith.xori %select_n3A_268, %masked_cummax3A_272 : vector<16xi32>
    %masked_cummax3A_274 = tpu.scan <max>, %masked_cummax3A_273 masked %broadcast_in_dim3A_270 : vector<16xi32>, vector<16xi1> -> vector<16xi32>
    %masked_cummax3A_275 = arith.xori %masked_cummax3A_274, %masked_cummax3A_272 : vector<16xi32>
    %sub3A_276 = arith.constant 15 : i32
    %sub3A_277 = vector.broadcast %sub3A_276 : i32 to vector<16xi32>
    %sub3A_278 = arith.subi %sub3A_277, %masked_cummax3A_275 : vector<16xi32>
    %rev3A_279 = arith.constant 15 : i32
    %rev3A_280 = vector.broadcast %rev3A_279 : i32 to vector<16xi32>
    %rev3A_281 = tpu.iota {dimensions = array<i32: 0>} : vector<16xi32>
    %rev3A_282 = arith.subi %rev3A_280, %rev3A_281 : vector<16xi32>
    %rev3A_283 = tpu.dynamic_gather %sub3A_278[%rev3A_282] in [0] : vector<16xi32>, vector<16xi32> -> vector<16xi32>
    %sub3A_284 = arith.subi %rev3A_283, %masked_cummax3A_256 : vector<16xi32>
    %add3A_285 = arith.constant 1 : i32
    %add3A_286 = vector.broadcast %add3A_285 : i32 to vector<16xi32>
    %add3A_287 = arith.addi %sub3A_284, %add3A_286 : vector<16xi32>
    %mul3A_288 = arith.constant 1024 : i32
    %mul3A_289 = vector.broadcast %mul3A_288 : i32 to vector<16xi32>
    %mul3A_290 = arith.muli %add3A_287, %mul3A_289 : vector<16xi32>
    %sub3A_291 = arith.constant 1023 : i32
    %sub3A_292 = vector.broadcast %sub3A_291 : i32 to vector<16xi32>
    %sub3A_293 = arith.subi %sub3A_292, %masked_sort3A_220 : vector<16xi32>
    %add3A_294 = arith.addi %mul3A_290, %sub3A_293 : vector<16xi32>
    %reduce_max3A_295 = arith.constant true
    %reduce_max3A_296 = vector.broadcast %reduce_max3A_295 : i1 to vector<16xi1>
    %reduce_max3A_297 = arith.constant -2147483648 : i32
    %reduce_max3A_298 = vector.broadcast %reduce_max3A_297 : i32 to vector<16xi32>
    %reduce_max3A_299 = arith.xori %add3A_294, %reduce_max3A_298 : vector<16xi32>
    %reduce_max3A_300 = tpu.scan <max>, %reduce_max3A_299 masked %reduce_max3A_296 : vector<16xi32>, vector<16xi1> -> vector<16xi32>
    %reduce_max3A_301 = arith.xori %reduce_max3A_300, %reduce_max3A_298 : vector<16xi32>
    %reduce_max3A_302 = vector.extract %reduce_max3A_301[15] : i32 from vector<16xi32>
    %rem3A_303 = arith.constant 1024 : i32
    %rem3A_304 = arith.remsi %reduce_max3A_302, %rem3A_303 : i32
    %sub3A_305 = arith.constant 1023 : i32
    %sub3A_306 = arith.subi %sub3A_305, %rem3A_304 : i32
    %eq3A_307 = arith.constant 1 : i32
    %eq3A_308 = vector.broadcast %eq3A_307 : i32 to vector<16xi32>
    %eq3A_309 = arith.cmpi eq, %iota3A, %eq3A_308 : vector<16xi32>
    %broadcast_in_dim3A_310 = vector.broadcast %sub3A_306 : i32 to vector<16xi32>
    %select_n3A_311 = arith.select %eq3A_309, %broadcast_in_dim3A_310, %select_n3A_152 : vector<16xi1>, vector<16xi32>
    %get3A_312 = arith.constant 2 : i32
    %get3A_313 = arith.index_cast %get3A_312 : i32 to index
    %get3A_314 = arith.constant 0 : index
    %get3A_315 = tpu.vector_load %arg9[%get3A_313, %get3A_314] {strides = array<i32>} : memref<4x16xf32, #tpu.memory_space<vmem>>, vector<16xf32>,
    %broadcast_in_dim3A_316 = arith.constant 0 : i32
    %broadcast_in_dim3A_317 = vector.broadcast %broadcast_in_dim3A_316 : i32 to vector<16xi32>
    %scan3A_318 = arith.constant 0 : i32
    %scan3A_319 = arith.constant 16 : i32
    %scan3A_320 = arith.addi %scan3A_318, %scan3A_319 : i32
    %scan3A_321 = arith.constant 1 : i32
    %scan3A_322 = scf.for %scan3A_632 = %scan3A_318 to %scan3A_320 step %scan3A_321 iter_args(%scan3A_633 = %broadcast_in_dim3A_317) -> (vector<16xi32>)  : i32 {
      %add3A_634 = arith.constant 32 : i32
      %add3A_635 = arith.addi %add3A_634, %scan3A_632 : i32
      %get3A_636 = arith.index_cast %add3A_635 : i32 to index
      %get3A_637 = arith.constant 0 : index
      %get3A_638 = tpu.vector_load %arg8[%get3A_636, %get3A_637] {strides = array<i32>} : memref<64x16xi32, #tpu.memory_space<vmem>>, vector<16xi32>,
      %get3A_639 = arith.index_cast %add3A_635 : i32 to index
      %get3A_640 = arith.constant 0 : index
      %get3A_641 = tpu.vector_load %arg7[%get3A_639, %get3A_640] {strides = array<i32>} : memref<64x128xf32, #tpu.memory_space<vmem>>, vector<16xf32>,
      %add3A_642 = arith.constant 0 : i32
      %add3A_643 = vector.broadcast %add3A_642 : i32 to vector<16xi32>
      %add3A_644 = arith.addi %get3A_638, %add3A_643 : vector<16xi32>
      %le3A = arith.cmpf ole, %get3A_641, %get3A_315 : vector<16xf32>
      %convert_element_type3A_645 = arith.extui %le3A : vector<16xi1> to vector<16xi32>
      %broadcast_in_dim3A_646 = arith.constant true
      %broadcast_in_dim3A_647 = vector.broadcast %broadcast_in_dim3A_646 : i1 to vector<16xi1>
      %masked_cumsum3A = tpu.scan <sum>, %convert_element_type3A_645 masked %broadcast_in_dim3A_647 : vector<16xi32>, vector<16xi1> -> vector<16xi32>
      %add3A_648 = arith.addi %scan3A_633, %masked_cumsum3A : vector<16xi32>
      %sub3A_649 = arith.constant 1 : i32
      %sub3A_650 = vector.broadcast %sub3A_649 : i32 to vector<16xi32>
      %sub3A_651 = arith.subi %add3A_648, %sub3A_650 : vector<16xi32>
      tpu.vector_store_idx %arg11[%sub3A_651], %get3A_641 masked %le3A : memref<2064xf32, #tpu.memory_space<vmem>>[vector<16xi32>], vector<16xf32>, vector<16xi1>
      tpu.vector_store_idx %arg12[%sub3A_651], %add3A_644 masked %le3A : memref<2064xi32, #tpu.memory_space<vmem>>[vector<16xi32>], vector<16xi32>, vector<16xi1>
      %all_reduce_population_count3A = tpu.all_reduce %le3A {dim = 0 : i64, kind = #tpu.reduction_kind<sum>} : vector<16xi1> -> vector<16xi32>
      %add3A_652 = arith.addi %scan3A_633, %all_reduce_population_count3A : vector<16xi32>
      %get3A_653 = arith.index_cast %add3A_635 : i32 to index
      %get3A_654 = arith.constant 16 : index
      %get3A_655 = tpu.vector_load %arg7[%get3A_653, %get3A_654] {strides = array<i32>} : memref<64x128xf32, #tpu.memory_space<vmem>>, vector<16xf32>,
      %add3A_656 = arith.constant 16 : i32
      %add3A_657 = vector.broadcast %add3A_656 : i32 to vector<16xi32>
      %add3A_658 = arith.addi %get3A_638, %add3A_657 : vector<16xi32>
      %le3A_659 = arith.cmpf ole, %get3A_655, %get3A_315 : vector<16xf32>
      %convert_element_type3A_660 = arith.extui %le3A_659 : vector<16xi1> to vector<16xi32>
      %broadcast_in_dim3A_661 = arith.constant true
      %broadcast_in_dim3A_662 = vector.broadcast %broadcast_in_dim3A_661 : i1 to vector<16xi1>
      %masked_cumsum3A_663 = tpu.scan <sum>, %convert_element_type3A_660 masked %broadcast_in_dim3A_662 : vector<16xi32>, vector<16xi1> -> vector<16xi32>
      %add3A_664 = arith.addi %add3A_652, %masked_cumsum3A_663 : vector<16xi32>
      %sub3A_665 = arith.constant 1 : i32
      %sub3A_666 = vector.broadcast %sub3A_665 : i32 to vector<16xi32>
      %sub3A_667 = arith.subi %add3A_664, %sub3A_666 : vector<16xi32>
      tpu.vector_store_idx %arg11[%sub3A_667], %get3A_655 masked %le3A_659 : memref<2064xf32, #tpu.memory_space<vmem>>[vector<16xi32>], vector<16xf32>, vector<16xi1>
      tpu.vector_store_idx %arg12[%sub3A_667], %add3A_658 masked %le3A_659 : memref<2064xi32, #tpu.memory_space<vmem>>[vector<16xi32>], vector<16xi32>, vector<16xi1>
      %all_reduce_population_count3A_668 = tpu.all_reduce %le3A_659 {dim = 0 : i64, kind = #tpu.reduction_kind<sum>} : vector<16xi1> -> vector<16xi32>
      %add3A_669 = arith.addi %add3A_652, %all_reduce_population_count3A_668 : vector<16xi32>
      %get3A_670 = arith.index_cast %add3A_635 : i32 to index
      %get3A_671 = arith.constant 32 : index
      %get3A_672 = tpu.vector_load %arg7[%get3A_670, %get3A_671] {strides = array<i32>} : memref<64x128xf32, #tpu.memory_space<vmem>>, vector<16xf32>,
      %add3A_673 = arith.constant 32 : i32
      %add3A_674 = vector.broadcast %add3A_673 : i32 to vector<16xi32>
      %add3A_675 = arith.addi %get3A_638, %add3A_674 : vector<16xi32>
      %le3A_676 = arith.cmpf ole, %get3A_672, %get3A_315 : vector<16xf32>
      %convert_element_type3A_677 = arith.extui %le3A_676 : vector<16xi1> to vector<16xi32>
      %broadcast_in_dim3A_678 = arith.constant true
      %broadcast_in_dim3A_679 = vector.broadcast %broadcast_in_dim3A_678 : i1 to vector<16xi1>
      %masked_cumsum3A_680 = tpu.scan <sum>, %convert_element_type3A_677 masked %broadcast_in_dim3A_679 : vector<16xi32>, vector<16xi1> -> vector<16xi32>
      %add3A_681 = arith.addi %add3A_669, %masked_cumsum3A_680 : vector<16xi32>
      %sub3A_682 = arith.constant 1 : i32
      %sub3A_683 = vector.broadcast %sub3A_682 : i32 to vector<16xi32>
      %sub3A_684 = arith.subi %add3A_681, %sub3A_683 : vector<16xi32>
      tpu.vector_store_idx %arg11[%sub3A_684], %get3A_672 masked %le3A_676 : memref<2064xf32, #tpu.memory_space<vmem>>[vector<16xi32>], vector<16xf32>, vector<16xi1>
      tpu.vector_store_idx %arg12[%sub3A_684], %add3A_675 masked %le3A_676 : memref<2064xi32, #tpu.memory_space<vmem>>[vector<16xi32>], vector<16xi32>, vector<16xi1>
      %all_reduce_population_count3A_685 = tpu.all_reduce %le3A_676 {dim = 0 : i64, kind = #tpu.reduction_kind<sum>} : vector<16xi1> -> vector<16xi32>
      %add3A_686 = arith.addi %add3A_669, %all_reduce_population_count3A_685 : vector<16xi32>
      %get3A_687 = arith.index_cast %add3A_635 : i32 to index
      %get3A_688 = arith.constant 48 : index
      %get3A_689 = tpu.vector_load %arg7[%get3A_687, %get3A_688] {strides = array<i32>} : memref<64x128xf32, #tpu.memory_space<vmem>>, vector<16xf32>,
      %add3A_690 = arith.constant 48 : i32
      %add3A_691 = vector.broadcast %add3A_690 : i32 to vector<16xi32>
      %add3A_692 = arith.addi %get3A_638, %add3A_691 : vector<16xi32>
      %le3A_693 = arith.cmpf ole, %get3A_689, %get3A_315 : vector<16xf32>
      %convert_element_type3A_694 = arith.extui %le3A_693 : vector<16xi1> to vector<16xi32>
      %broadcast_in_dim3A_695 = arith.constant true
      %broadcast_in_dim3A_696 = vector.broadcast %broadcast_in_dim3A_695 : i1 to vector<16xi1>
      %masked_cumsum3A_697 = tpu.scan <sum>, %convert_element_type3A_694 masked %broadcast_in_dim3A_696 : vector<16xi32>, vector<16xi1> -> vector<16xi32>
      %add3A_698 = arith.addi %add3A_686, %masked_cumsum3A_697 : vector<16xi32>
      %sub3A_699 = arith.constant 1 : i32
      %sub3A_700 = vector.broadcast %sub3A_699 : i32 to vector<16xi32>
      %sub3A_701 = arith.subi %add3A_698, %sub3A_700 : vector<16xi32>
      tpu.vector_store_idx %arg11[%sub3A_701], %get3A_689 masked %le3A_693 : memref<2064xf32, #tpu.memory_space<vmem>>[vector<16xi32>], vector<16xf32>, vector<16xi1>
      tpu.vector_store_idx %arg12[%sub3A_701], %add3A_692 masked %le3A_693 : memref<2064xi32, #tpu.memory_space<vmem>>[vector<16xi32>], vector<16xi32>, vector<16xi1>
      %all_reduce_population_count3A_702 = tpu.all_reduce %le3A_693 {dim = 0 : i64, kind = #tpu.reduction_kind<sum>} : vector<16xi1> -> vector<16xi32>
      %add3A_703 = arith.addi %add3A_686, %all_reduce_population_count3A_702 : vector<16xi32>
      %get3A_704 = arith.index_cast %add3A_635 : i32 to index
      %get3A_705 = arith.constant 64 : index
      %get3A_706 = tpu.vector_load %arg7[%get3A_704, %get3A_705] {strides = array<i32>} : memref<64x128xf32, #tpu.memory_space<vmem>>, vector<16xf32>,
      %add3A_707 = arith.constant 64 : i32
      %add3A_708 = vector.broadcast %add3A_707 : i32 to vector<16xi32>
      %add3A_709 = arith.addi %get3A_638, %add3A_708 : vector<16xi32>
      %le3A_710 = arith.cmpf ole, %get3A_706, %get3A_315 : vector<16xf32>
      %convert_element_type3A_711 = arith.extui %le3A_710 : vector<16xi1> to vector<16xi32>
      %broadcast_in_dim3A_712 = arith.constant true
      %broadcast_in_dim3A_713 = vector.broadcast %broadcast_in_dim3A_712 : i1 to vector<16xi1>
      %masked_cumsum3A_714 = tpu.scan <sum>, %convert_element_type3A_711 masked %broadcast_in_dim3A_713 : vector<16xi32>, vector<16xi1> -> vector<16xi32>
      %add3A_715 = arith.addi %add3A_703, %masked_cumsum3A_714 : vector<16xi32>
      %sub3A_716 = arith.constant 1 : i32
      %sub3A_717 = vector.broadcast %sub3A_716 : i32 to vector<16xi32>
      %sub3A_718 = arith.subi %add3A_715, %sub3A_717 : vector<16xi32>
      tpu.vector_store_idx %arg11[%sub3A_718], %get3A_706 masked %le3A_710 : memref<2064xf32, #tpu.memory_space<vmem>>[vector<16xi32>], vector<16xf32>, vector<16xi1>
      tpu.vector_store_idx %arg12[%sub3A_718], %add3A_709 masked %le3A_710 : memref<2064xi32, #tpu.memory_space<vmem>>[vector<16xi32>], vector<16xi32>, vector<16xi1>
      %all_reduce_population_count3A_719 = tpu.all_reduce %le3A_710 {dim = 0 : i64, kind = #tpu.reduction_kind<sum>} : vector<16xi1> -> vector<16xi32>
      %add3A_720 = arith.addi %add3A_703, %all_reduce_population_count3A_719 : vector<16xi32>
      %get3A_721 = arith.index_cast %add3A_635 : i32 to index
      %get3A_722 = arith.constant 80 : index
      %get3A_723 = tpu.vector_load %arg7[%get3A_721, %get3A_722] {strides = array<i32>} : memref<64x128xf32, #tpu.memory_space<vmem>>, vector<16xf32>,
      %add3A_724 = arith.constant 80 : i32
      %add3A_725 = vector.broadcast %add3A_724 : i32 to vector<16xi32>
      %add3A_726 = arith.addi %get3A_638, %add3A_725 : vector<16xi32>
      %le3A_727 = arith.cmpf ole, %get3A_723, %get3A_315 : vector<16xf32>
      %convert_element_type3A_728 = arith.extui %le3A_727 : vector<16xi1> to vector<16xi32>
      %broadcast_in_dim3A_729 = arith.constant true
      %broadcast_in_dim3A_730 = vector.broadcast %broadcast_in_dim3A_729 : i1 to vector<16xi1>
      %masked_cumsum3A_731 = tpu.scan <sum>, %convert_element_type3A_728 masked %broadcast_in_dim3A_730 : vector<16xi32>, vector<16xi1> -> vector<16xi32>
      %add3A_732 = arith.addi %add3A_720, %masked_cumsum3A_731 : vector<16xi32>
      %sub3A_733 = arith.constant 1 : i32
      %sub3A_734 = vector.broadcast %sub3A_733 : i32 to vector<16xi32>
      %sub3A_735 = arith.subi %add3A_732, %sub3A_734 : vector<16xi32>
      tpu.vector_store_idx %arg11[%sub3A_735], %get3A_723 masked %le3A_727 : memref<2064xf32, #tpu.memory_space<vmem>>[vector<16xi32>], vector<16xf32>, vector<16xi1>
      tpu.vector_store_idx %arg12[%sub3A_735], %add3A_726 masked %le3A_727 : memref<2064xi32, #tpu.memory_space<vmem>>[vector<16xi32>], vector<16xi32>, vector<16xi1>
      %all_reduce_population_count3A_736 = tpu.all_reduce %le3A_727 {dim = 0 : i64, kind = #tpu.reduction_kind<sum>} : vector<16xi1> -> vector<16xi32>
      %add3A_737 = arith.addi %add3A_720, %all_reduce_population_count3A_736 : vector<16xi32>
      %get3A_738 = arith.index_cast %add3A_635 : i32 to index
      %get3A_739 = arith.constant 96 : index
      %get3A_740 = tpu.vector_load %arg7[%get3A_738, %get3A_739] {strides = array<i32>} : memref<64x128xf32, #tpu.memory_space<vmem>>, vector<16xf32>,
      %add3A_741 = arith.constant 96 : i32
      %add3A_742 = vector.broadcast %add3A_741 : i32 to vector<16xi32>
      %add3A_743 = arith.addi %get3A_638, %add3A_742 : vector<16xi32>
      %le3A_744 = arith.cmpf ole, %get3A_740, %get3A_315 : vector<16xf32>
      %convert_element_type3A_745 = arith.extui %le3A_744 : vector<16xi1> to vector<16xi32>
      %broadcast_in_dim3A_746 = arith.constant true
      %broadcast_in_dim3A_747 = vector.broadcast %broadcast_in_dim3A_746 : i1 to vector<16xi1>
      %masked_cumsum3A_748 = tpu.scan <sum>, %convert_element_type3A_745 masked %broadcast_in_dim3A_747 : vector<16xi32>, vector<16xi1> -> vector<16xi32>
      %add3A_749 = arith.addi %add3A_737, %masked_cumsum3A_748 : vector<16xi32>
      %sub3A_750 = arith.constant 1 : i32
      %sub3A_751 = vector.broadcast %sub3A_750 : i32 to vector<16xi32>
      %sub3A_752 = arith.subi %add3A_749, %sub3A_751 : vector<16xi32>
      tpu.vector_store_idx %arg11[%sub3A_752], %get3A_740 masked %le3A_744 : memref<2064xf32, #tpu.memory_space<vmem>>[vector<16xi32>], vector<16xf32>, vector<16xi1>
      tpu.vector_store_idx %arg12[%sub3A_752], %add3A_743 masked %le3A_744 : memref<2064xi32, #tpu.memory_space<vmem>>[vector<16xi32>], vector<16xi32>, vector<16xi1>
      %all_reduce_population_count3A_753 = tpu.all_reduce %le3A_744 {dim = 0 : i64, kind = #tpu.reduction_kind<sum>} : vector<16xi1> -> vector<16xi32>
      %add3A_754 = arith.addi %add3A_737, %all_reduce_population_count3A_753 : vector<16xi32>
      %get3A_755 = arith.index_cast %add3A_635 : i32 to index
      %get3A_756 = arith.constant 112 : index
      %get3A_757 = tpu.vector_load %arg7[%get3A_755, %get3A_756] {strides = array<i32>} : memref<64x128xf32, #tpu.memory_space<vmem>>, vector<16xf32>,
      %add3A_758 = arith.constant 112 : i32
      %add3A_759 = vector.broadcast %add3A_758 : i32 to vector<16xi32>
      %add3A_760 = arith.addi %get3A_638, %add3A_759 : vector<16xi32>
      %le3A_761 = arith.cmpf ole, %get3A_757, %get3A_315 : vector<16xf32>
      %convert_element_type3A_762 = arith.extui %le3A_761 : vector<16xi1> to vector<16xi32>
      %broadcast_in_dim3A_763 = arith.constant true
      %broadcast_in_dim3A_764 = vector.broadcast %broadcast_in_dim3A_763 : i1 to vector<16xi1>
      %masked_cumsum3A_765 = tpu.scan <sum>, %convert_element_type3A_762 masked %broadcast_in_dim3A_764 : vector<16xi32>, vector<16xi1> -> vector<16xi32>
      %add3A_766 = arith.addi %add3A_754, %masked_cumsum3A_765 : vector<16xi32>
      %sub3A_767 = arith.constant 1 : i32
      %sub3A_768 = vector.broadcast %sub3A_767 : i32 to vector<16xi32>
      %sub3A_769 = arith.subi %add3A_766, %sub3A_768 : vector<16xi32>
      tpu.vector_store_idx %arg11[%sub3A_769], %get3A_757 masked %le3A_761 : memref<2064xf32, #tpu.memory_space<vmem>>[vector<16xi32>], vector<16xf32>, vector<16xi1>
      tpu.vector_store_idx %arg12[%sub3A_769], %add3A_760 masked %le3A_761 : memref<2064xi32, #tpu.memory_space<vmem>>[vector<16xi32>], vector<16xi32>, vector<16xi1>
      %all_reduce_population_count3A_770 = tpu.all_reduce %le3A_761 {dim = 0 : i64, kind = #tpu.reduction_kind<sum>} : vector<16xi1> -> vector<16xi32>
      %add3A_771 = arith.addi %add3A_754, %all_reduce_population_count3A_770 : vector<16xi32>
      scf.yield %add3A_771 : vector<16xi32>
    }
    %scan3A_323 = arith.constant 16 : i32
    %add3A_324 = arith.addi %scan3A_322, %iota3A : vector<16xi32>
    tpu.vector_store_idx %arg11[%add3A_324], %broadcast_in_dim3A_11 : memref<2064xf32, #tpu.memory_space<vmem>>[vector<16xi32>], vector<16xf32>,
    %add3A_325 = arith.addi %scan3A_322, %iota3A : vector<16xi32>
    tpu.vector_store_idx %arg12[%add3A_325], %broadcast_in_dim3A_13 : memref<2064xi32, #tpu.memory_space<vmem>>[vector<16xi32>], vector<16xi32>,
    %reduce_max3A_326 = arith.constant true
    %reduce_max3A_327 = vector.broadcast %reduce_max3A_326 : i1 to vector<16xi1>
    %reduce_max3A_328 = arith.constant -2147483648 : i32
    %reduce_max3A_329 = vector.broadcast %reduce_max3A_328 : i32 to vector<16xi32>
    %reduce_max3A_330 = arith.xori %scan3A_322, %reduce_max3A_329 : vector<16xi32>
    %reduce_max3A_331 = tpu.scan <max>, %reduce_max3A_330 masked %reduce_max3A_327 : vector<16xi32>, vector<16xi1> -> vector<16xi32>
    %reduce_max3A_332 = arith.xori %reduce_max3A_331, %reduce_max3A_329 : vector<16xi32>
    %reduce_max3A_333 = vector.extract %reduce_max3A_332[15] : i32 from vector<16xi32>
    %add3A_334 = arith.constant 15 : i32
    %add3A_335 = arith.addi %reduce_max3A_333, %add3A_334 : i32
    %jit3A_336 = arith.constant 16 : i32
    %div3A_337 = arith.divsi %add3A_335, %jit3A_336 : i32
    %sign3A_338 = arith.constant 0 : i32
    %sign3A_339 = arith.cmpi sgt, %add3A_335, %sign3A_338 : i32
    %sign3A_340 = arith.extui %sign3A_339 : i1 to i32
    %sign3A_341 = arith.constant 0 : i32
    %sign3A_342 = arith.cmpi slt, %add3A_335, %sign3A_341 : i32
    %sign3A_343 = arith.extui %sign3A_342 : i1 to i32
    %sign3A_344 = arith.subi %sign3A_340, %sign3A_343 : i32
    %sign3A_345 = arith.constant 0 : i32
    %sign3A_346 = arith.cmpi sgt, %jit3A_336, %sign3A_345 : i32
    %sign3A_347 = arith.extui %sign3A_346 : i1 to i32
    %sign3A_348 = arith.constant 0 : i32
    %sign3A_349 = arith.cmpi slt, %jit3A_336, %sign3A_348 : i32
    %sign3A_350 = arith.extui %sign3A_349 : i1 to i32
    %sign3A_351 = arith.subi %sign3A_347, %sign3A_350 : i32
    %ne3A_352 = arith.cmpi ne, %sign3A_344, %sign3A_351 : i32
    %rem3A_353 = arith.remsi %add3A_335, %jit3A_336 : i32
    %ne3A_354 = arith.constant 0 : i32
    %ne3A_355 = arith.cmpi ne, %rem3A_353, %ne3A_354 : i32
    %and3A_356 = arith.andi %ne3A_352, %ne3A_355 : i1
    %sub3A_357 = arith.constant 1 : i32
    %sub3A_358 = arith.subi %div3A_337, %sub3A_357 : i32
    %select_n3A_359 = arith.select %and3A_356, %sub3A_358, %div3A_337 : i32
    %while3A_360 = arith.constant 0 : i32
    %while3A_361 = arith.subi %select_n3A_359, %while3A_360 : i32
    %while3A_362 = arith.addi %while3A_360, %while3A_361 : i32
    %while3A_363 = arith.constant 1 : i32
    %while3A_364 = arith.divsi %while3A_361, %while3A_363 : i32
    %while3A_365 = arith.muli %while3A_364, %while3A_363 : i32
    %while3A_366 = arith.addi %while3A_360, %while3A_365 : i32
    %while3A_367 = arith.constant 1 : i32
    %while3A_368:2 = scf.for %while3A_632 = %while3A_360 to %while3A_366 step %while3A_367 iter_args(%while3A_633 = %broadcast_in_dim3A_11, %while3A_634 = %broadcast_in_dim3A_13) -> (vector<16xf32>, vector<16xi32>)  : i32 {
      %mul3A_635 = arith.constant 16 : i32
      %mul3A_636 = arith.muli %while3A_632, %mul3A_635 : i32
      %get3A_637 = arith.index_cast %mul3A_636 : i32 to index
      %get3A_638 = tpu.vector_load %arg11[%get3A_637] {strides = array<i32>} : memref<2064xf32, #tpu.memory_space<vmem>>, vector<16xf32>,
      %mul3A_639 = arith.constant 16 : i32
      %mul3A_640 = arith.muli %while3A_632, %mul3A_639 : i32
      %get3A_641 = arith.index_cast %mul3A_640 : i32 to index
      %get3A_642 = tpu.vector_load %arg12[%get3A_641] {strides = array<i32>} : memref<2064xi32, #tpu.memory_space<vmem>>, vector<16xi32>,
      %masked_sort3A_643 = arith.constant dense<true> : vector<16xi1>
      %masked_sort3A_644, %masked_sort3A_645, %masked_sort3A_646 = tpu.sort %get3A_638, %get3A_642 masked %masked_sort3A_643 : (vector<16xf32>, vector<16xi32>, vector<16xi1>) -> (vector<16xi1>, vector<16xf32>, vector<16xi32>)
      %rev3A_647 = arith.constant 15 : i32
      %rev3A_648 = vector.broadcast %rev3A_647 : i32 to vector<16xi32>
      %rev3A_649 = tpu.iota {dimensions = array<i32: 0>} : vector<16xi32>
      %rev3A_650 = arith.subi %rev3A_648, %rev3A_649 : vector<16xi32>
      %rev3A_651 = tpu.dynamic_gather %masked_sort3A_645[%rev3A_650] in [0] : vector<16xf32>, vector<16xi32> -> vector<16xf32>
      %rev3A_652 = arith.constant 15 : i32
      %rev3A_653 = vector.broadcast %rev3A_652 : i32 to vector<16xi32>
      %rev3A_654 = tpu.iota {dimensions = array<i32: 0>} : vector<16xi32>
      %rev3A_655 = arith.subi %rev3A_653, %rev3A_654 : vector<16xi32>
      %rev3A_656 = tpu.dynamic_gather %masked_sort3A_646[%rev3A_655] in [0] : vector<16xi32>, vector<16xi32> -> vector<16xi32>
      %lt3A = arith.cmpf olt, %rev3A_651, %while3A_633 : vector<16xf32>
      %eq3A_657 = arith.cmpf oeq, %rev3A_651, %while3A_633 : vector<16xf32>
      %lt3A_658 = arith.cmpi slt, %rev3A_656, %while3A_634 : vector<16xi32>
      %and3A_659 = arith.andi %eq3A_657, %lt3A_658 : vector<16xi1>
      %or3A_660 = arith.ori %lt3A, %and3A_659 : vector<16xi1>
      %select_n3A_661 = arith.select %or3A_660, %rev3A_651, %while3A_633 : vector<16xi1>, vector<16xf32>
      %select_n3A_662 = arith.select %or3A_660, %rev3A_656, %while3A_634 : vector<16xi1>, vector<16xi32>
      %masked_sort3A_663 = arith.constant dense<true> : vector<16xi1>
      %masked_sort3A_664, %masked_sort3A_665, %masked_sort3A_666 = tpu.sort %select_n3A_661, %select_n3A_662 masked %masked_sort3A_663 : (vector<16xf32>, vector<16xi32>, vector<16xi1>) -> (vector<16xi1>, vector<16xf32>, vector<16xi32>)
      scf.yield %masked_sort3A_665, %masked_sort3A_666 : vector<16xf32>, vector<16xi32>
    }
    %while3A_369 = arith.constant 1 : i32
    %while3A_370:2 = scf.for %while3A_632 = %while3A_366 to %while3A_362 step %while3A_369 iter_args(%while3A_633 = %while3A_368#0, %while3A_634 = %while3A_368#1) -> (vector<16xf32>, vector<16xi32>)  : i32 {
      %mul3A_635 = arith.constant 16 : i32
      %mul3A_636 = arith.muli %while3A_632, %mul3A_635 : i32
      %get3A_637 = arith.index_cast %mul3A_636 : i32 to index
      %get3A_638 = tpu.vector_load %arg11[%get3A_637] {strides = array<i32>} : memref<2064xf32, #tpu.memory_space<vmem>>, vector<16xf32>,
      %mul3A_639 = arith.constant 16 : i32
      %mul3A_640 = arith.muli %while3A_632, %mul3A_639 : i32
      %get3A_641 = arith.index_cast %mul3A_640 : i32 to index
      %get3A_642 = tpu.vector_load %arg12[%get3A_641] {strides = array<i32>} : memref<2064xi32, #tpu.memory_space<vmem>>, vector<16xi32>,
      %masked_sort3A_643 = arith.constant dense<true> : vector<16xi1>
      %masked_sort3A_644, %masked_sort3A_645, %masked_sort3A_646 = tpu.sort %get3A_638, %get3A_642 masked %masked_sort3A_643 : (vector<16xf32>, vector<16xi32>, vector<16xi1>) -> (vector<16xi1>, vector<16xf32>, vector<16xi32>)
      %rev3A_647 = arith.constant 15 : i32
      %rev3A_648 = vector.broadcast %rev3A_647 : i32 to vector<16xi32>
      %rev3A_649 = tpu.iota {dimensions = array<i32: 0>} : vector<16xi32>
      %rev3A_650 = arith.subi %rev3A_648, %rev3A_649 : vector<16xi32>
      %rev3A_651 = tpu.dynamic_gather %masked_sort3A_645[%rev3A_650] in [0] : vector<16xf32>, vector<16xi32> -> vector<16xf32>
      %rev3A_652 = arith.constant 15 : i32
      %rev3A_653 = vector.broadcast %rev3A_652 : i32 to vector<16xi32>
      %rev3A_654 = tpu.iota {dimensions = array<i32: 0>} : vector<16xi32>
      %rev3A_655 = arith.subi %rev3A_653, %rev3A_654 : vector<16xi32>
      %rev3A_656 = tpu.dynamic_gather %masked_sort3A_646[%rev3A_655] in [0] : vector<16xi32>, vector<16xi32> -> vector<16xi32>
      %lt3A = arith.cmpf olt, %rev3A_651, %while3A_633 : vector<16xf32>
      %eq3A_657 = arith.cmpf oeq, %rev3A_651, %while3A_633 : vector<16xf32>
      %lt3A_658 = arith.cmpi slt, %rev3A_656, %while3A_634 : vector<16xi32>
      %and3A_659 = arith.andi %eq3A_657, %lt3A_658 : vector<16xi1>
      %or3A_660 = arith.ori %lt3A, %and3A_659 : vector<16xi1>
      %select_n3A_661 = arith.select %or3A_660, %rev3A_651, %while3A_633 : vector<16xi1>, vector<16xf32>
      %select_n3A_662 = arith.select %or3A_660, %rev3A_656, %while3A_634 : vector<16xi1>, vector<16xi32>
      %masked_sort3A_663 = arith.constant dense<true> : vector<16xi1>
      %masked_sort3A_664, %masked_sort3A_665, %masked_sort3A_666 = tpu.sort %select_n3A_661, %select_n3A_662 masked %masked_sort3A_663 : (vector<16xf32>, vector<16xi32>, vector<16xi1>) -> (vector<16xi1>, vector<16xf32>, vector<16xi32>)
      scf.yield %masked_sort3A_665, %masked_sort3A_666 : vector<16xf32>, vector<16xi32>
    }
    %gather3A_371 = tpu.vector_load_idx %arg10[%while3A_370#1] : memref<16384xi32, #tpu.memory_space<vmem>>[vector<16xi32>], vector<16xi32>,
    %masked_sort3A_372 = arith.constant dense<true> : vector<16xi1>
    %masked_sort3A_373 = arith.constant -2147483648 : i32
    %masked_sort3A_374 = vector.broadcast %masked_sort3A_373 : i32 to vector<16xi32>
    %masked_sort3A_375 = arith.xori %gather3A_371, %masked_sort3A_374 : vector<16xi32>
    %masked_sort3A_376, %masked_sort3A_377, %masked_sort3A_378 = tpu.sort %masked_sort3A_375, %gather3A_371 masked %masked_sort3A_372 : (vector<16xi32>, vector<16xi32>, vector<16xi1>) -> (vector<16xi1>, vector<16xi32>, vector<16xi32>)
    %masked_sort3A_379 = arith.xori %masked_sort3A_377, %masked_sort3A_374 : vector<16xi32>
    %swap3A_380 = arith.constant 0 : index
    %swap3A_381 = tpu.vector_load %arg13[%swap3A_380] {strides = array<i32>} : memref<16xi32, #tpu.memory_space<vmem>>, vector<16xi32>,
    tpu.vector_store %arg13[%swap3A_380], %masked_sort3A_379 {strides = array<i32>} : memref<16xi32, #tpu.memory_space<vmem>>, vector<16xi32>,
    %sub3A_382 = arith.constant 1 : i32
    %sub3A_383 = vector.broadcast %sub3A_382 : i32 to vector<16xi32>
    %sub3A_384 = arith.subi %iota3A, %sub3A_383 : vector<16xi32>
    %max3A_385 = arith.constant 0 : i32
    %max3A_386 = vector.broadcast %max3A_385 : i32 to vector<16xi32>
    %max3A_387 = arith.maxsi %sub3A_384, %max3A_386 : vector<16xi32>
    %gather3A_388 = tpu.vector_load_idx %arg13[%max3A_387] : memref<16xi32, #tpu.memory_space<vmem>>[vector<16xi32>], vector<16xi32>,
    %add3A_389 = arith.constant 1 : i32
    %add3A_390 = vector.broadcast %add3A_389 : i32 to vector<16xi32>
    %add3A_391 = arith.addi %iota3A, %add3A_390 : vector<16xi32>
    %min3A_392 = arith.constant 15 : i32
    %min3A_393 = vector.broadcast %min3A_392 : i32 to vector<16xi32>
    %min3A_394 = arith.minsi %add3A_391, %min3A_393 : vector<16xi32>
    %gather3A_395 = tpu.vector_load_idx %arg13[%min3A_394] : memref<16xi32, #tpu.memory_space<vmem>>[vector<16xi32>], vector<16xi32>,
    %ne3A_396 = arith.cmpi ne, %masked_sort3A_379, %gather3A_388 : vector<16xi32>
    %eq3A_397 = arith.constant 0 : i32
    %eq3A_398 = vector.broadcast %eq3A_397 : i32 to vector<16xi32>
    %eq3A_399 = arith.cmpi eq, %iota3A, %eq3A_398 : vector<16xi32>
    %or3A_400 = arith.ori %ne3A_396, %eq3A_399 : vector<16xi1>
    %ne3A_401 = arith.cmpi ne, %masked_sort3A_379, %gather3A_395 : vector<16xi32>
    %eq3A_402 = arith.constant 15 : i32
    %eq3A_403 = vector.broadcast %eq3A_402 : i32 to vector<16xi32>
    %eq3A_404 = arith.cmpi eq, %iota3A, %eq3A_403 : vector<16xi32>
    %or3A_405 = arith.ori %ne3A_401, %eq3A_404 : vector<16xi1>
    %jit3A_406 = arith.constant 0 : i32
    %broadcast_in_dim3A_407 = vector.broadcast %jit3A_406 : i32 to vector<16xi32>
    %select_n3A_408 = arith.select %or3A_400, %iota3A, %broadcast_in_dim3A_407 : vector<16xi1>, vector<16xi32>
    %broadcast_in_dim3A_409 = arith.constant true
    %broadcast_in_dim3A_410 = vector.broadcast %broadcast_in_dim3A_409 : i1 to vector<16xi1>
    %masked_cummax3A_411 = arith.constant -2147483648 : i32
    %masked_cummax3A_412 = vector.broadcast %masked_cummax3A_411 : i32 to vector<16xi32>
    %masked_cummax3A_413 = arith.xori %select_n3A_408, %masked_cummax3A_412 : vector<16xi32>
    %masked_cummax3A_414 = tpu.scan <max>, %masked_cummax3A_413 masked %broadcast_in_dim3A_410 : vector<16xi32>, vector<16xi1> -> vector<16xi32>
    %masked_cummax3A_415 = arith.xori %masked_cummax3A_414, %masked_cummax3A_412 : vector<16xi32>
    %convert_element_type3A_416 = arith.extui %or3A_405 : vector<16xi1> to vector<16xi32>
    %rev3A_417 = arith.constant 15 : i32
    %rev3A_418 = vector.broadcast %rev3A_417 : i32 to vector<16xi32>
    %rev3A_419 = tpu.iota {dimensions = array<i32: 0>} : vector<16xi32>
    %rev3A_420 = arith.subi %rev3A_418, %rev3A_419 : vector<16xi32>
    %rev3A_421 = tpu.dynamic_gather %convert_element_type3A_416[%rev3A_420] in [0] : vector<16xi32>, vector<16xi32> -> vector<16xi32>
    %eq3A_422 = arith.constant 1 : i32
    %eq3A_423 = vector.broadcast %eq3A_422 : i32 to vector<16xi32>
    %eq3A_424 = arith.cmpi eq, %rev3A_421, %eq3A_423 : vector<16xi32>
    %jit3A_425 = arith.constant -1 : i32
    %broadcast_in_dim3A_426 = vector.broadcast %jit3A_425 : i32 to vector<16xi32>
    %select_n3A_427 = arith.select %eq3A_424, %iota3A, %broadcast_in_dim3A_426 : vector<16xi1>, vector<16xi32>
    %broadcast_in_dim3A_428 = arith.constant true
    %broadcast_in_dim3A_429 = vector.broadcast %broadcast_in_dim3A_428 : i1 to vector<16xi1>
    %masked_cummax3A_430 = arith.constant -2147483648 : i32
    %masked_cummax3A_431 = vector.broadcast %masked_cummax3A_430 : i32 to vector<16xi32>
    %masked_cummax3A_432 = arith.xori %select_n3A_427, %masked_cummax3A_431 : vector<16xi32>
    %masked_cummax3A_433 = tpu.scan <max>, %masked_cummax3A_432 masked %broadcast_in_dim3A_429 : vector<16xi32>, vector<16xi1> -> vector<16xi32>
    %masked_cummax3A_434 = arith.xori %masked_cummax3A_433, %masked_cummax3A_431 : vector<16xi32>
    %sub3A_435 = arith.constant 15 : i32
    %sub3A_436 = vector.broadcast %sub3A_435 : i32 to vector<16xi32>
    %sub3A_437 = arith.subi %sub3A_436, %masked_cummax3A_434 : vector<16xi32>
    %rev3A_438 = arith.constant 15 : i32
    %rev3A_439 = vector.broadcast %rev3A_438 : i32 to vector<16xi32>
    %rev3A_440 = tpu.iota {dimensions = array<i32: 0>} : vector<16xi32>
    %rev3A_441 = arith.subi %rev3A_439, %rev3A_440 : vector<16xi32>
    %rev3A_442 = tpu.dynamic_gather %sub3A_437[%rev3A_441] in [0] : vector<16xi32>, vector<16xi32> -> vector<16xi32>
    %sub3A_443 = arith.subi %rev3A_442, %masked_cummax3A_415 : vector<16xi32>
    %add3A_444 = arith.constant 1 : i32
    %add3A_445 = vector.broadcast %add3A_444 : i32 to vector<16xi32>
    %add3A_446 = arith.addi %sub3A_443, %add3A_445 : vector<16xi32>
    %mul3A_447 = arith.constant 1024 : i32
    %mul3A_448 = vector.broadcast %mul3A_447 : i32 to vector<16xi32>
    %mul3A_449 = arith.muli %add3A_446, %mul3A_448 : vector<16xi32>
    %sub3A_450 = arith.constant 1023 : i32
    %sub3A_451 = vector.broadcast %sub3A_450 : i32 to vector<16xi32>
    %sub3A_452 = arith.subi %sub3A_451, %masked_sort3A_379 : vector<16xi32>
    %add3A_453 = arith.addi %mul3A_449, %sub3A_452 : vector<16xi32>
    %reduce_max3A_454 = arith.constant true
    %reduce_max3A_455 = vector.broadcast %reduce_max3A_454 : i1 to vector<16xi1>
    %reduce_max3A_456 = arith.constant -2147483648 : i32
    %reduce_max3A_457 = vector.broadcast %reduce_max3A_456 : i32 to vector<16xi32>
    %reduce_max3A_458 = arith.xori %add3A_453, %reduce_max3A_457 : vector<16xi32>
    %reduce_max3A_459 = tpu.scan <max>, %reduce_max3A_458 masked %reduce_max3A_455 : vector<16xi32>, vector<16xi1> -> vector<16xi32>
    %reduce_max3A_460 = arith.xori %reduce_max3A_459, %reduce_max3A_457 : vector<16xi32>
    %reduce_max3A_461 = vector.extract %reduce_max3A_460[15] : i32 from vector<16xi32>
    %rem3A_462 = arith.constant 1024 : i32
    %rem3A_463 = arith.remsi %reduce_max3A_461, %rem3A_462 : i32
    %sub3A_464 = arith.constant 1023 : i32
    %sub3A_465 = arith.subi %sub3A_464, %rem3A_463 : i32
    %eq3A_466 = arith.constant 2 : i32
    %eq3A_467 = vector.broadcast %eq3A_466 : i32 to vector<16xi32>
    %eq3A_468 = arith.cmpi eq, %iota3A, %eq3A_467 : vector<16xi32>
    %broadcast_in_dim3A_469 = vector.broadcast %sub3A_465 : i32 to vector<16xi32>
    %select_n3A_470 = arith.select %eq3A_468, %broadcast_in_dim3A_469, %select_n3A_311 : vector<16xi1>, vector<16xi32>
    %get3A_471 = arith.constant 3 : i32
    %get3A_472 = arith.index_cast %get3A_471 : i32 to index
    %get3A_473 = arith.constant 0 : index
    %get3A_474 = tpu.vector_load %arg9[%get3A_472, %get3A_473] {strides = array<i32>} : memref<4x16xf32, #tpu.memory_space<vmem>>, vector<16xf32>,
    %broadcast_in_dim3A_475 = arith.constant 0 : i32
    %broadcast_in_dim3A_476 = vector.broadcast %broadcast_in_dim3A_475 : i32 to vector<16xi32>
    %scan3A_477 = arith.constant 0 : i32
    %scan3A_478 = arith.constant 16 : i32
    %scan3A_479 = arith.addi %scan3A_477, %scan3A_478 : i32
    %scan3A_480 = arith.constant 1 : i32
    %scan3A_481 = scf.for %scan3A_632 = %scan3A_477 to %scan3A_479 step %scan3A_480 iter_args(%scan3A_633 = %broadcast_in_dim3A_476) -> (vector<16xi32>)  : i32 {
      %add3A_634 = arith.constant 48 : i32
      %add3A_635 = arith.addi %add3A_634, %scan3A_632 : i32
      %get3A_636 = arith.index_cast %add3A_635 : i32 to index
      %get3A_637 = arith.constant 0 : index
      %get3A_638 = tpu.vector_load %arg8[%get3A_636, %get3A_637] {strides = array<i32>} : memref<64x16xi32, #tpu.memory_space<vmem>>, vector<16xi32>,
      %get3A_639 = arith.index_cast %add3A_635 : i32 to index
      %get3A_640 = arith.constant 0 : index
      %get3A_641 = tpu.vector_load %arg7[%get3A_639, %get3A_640] {strides = array<i32>} : memref<64x128xf32, #tpu.memory_space<vmem>>, vector<16xf32>,
      %add3A_642 = arith.constant 0 : i32
      %add3A_643 = vector.broadcast %add3A_642 : i32 to vector<16xi32>
      %add3A_644 = arith.addi %get3A_638, %add3A_643 : vector<16xi32>
      %le3A = arith.cmpf ole, %get3A_641, %get3A_474 : vector<16xf32>
      %convert_element_type3A_645 = arith.extui %le3A : vector<16xi1> to vector<16xi32>
      %broadcast_in_dim3A_646 = arith.constant true
      %broadcast_in_dim3A_647 = vector.broadcast %broadcast_in_dim3A_646 : i1 to vector<16xi1>
      %masked_cumsum3A = tpu.scan <sum>, %convert_element_type3A_645 masked %broadcast_in_dim3A_647 : vector<16xi32>, vector<16xi1> -> vector<16xi32>
      %add3A_648 = arith.addi %scan3A_633, %masked_cumsum3A : vector<16xi32>
      %sub3A_649 = arith.constant 1 : i32
      %sub3A_650 = vector.broadcast %sub3A_649 : i32 to vector<16xi32>
      %sub3A_651 = arith.subi %add3A_648, %sub3A_650 : vector<16xi32>
      tpu.vector_store_idx %arg11[%sub3A_651], %get3A_641 masked %le3A : memref<2064xf32, #tpu.memory_space<vmem>>[vector<16xi32>], vector<16xf32>, vector<16xi1>
      tpu.vector_store_idx %arg12[%sub3A_651], %add3A_644 masked %le3A : memref<2064xi32, #tpu.memory_space<vmem>>[vector<16xi32>], vector<16xi32>, vector<16xi1>
      %all_reduce_population_count3A = tpu.all_reduce %le3A {dim = 0 : i64, kind = #tpu.reduction_kind<sum>} : vector<16xi1> -> vector<16xi32>
      %add3A_652 = arith.addi %scan3A_633, %all_reduce_population_count3A : vector<16xi32>
      %get3A_653 = arith.index_cast %add3A_635 : i32 to index
      %get3A_654 = arith.constant 16 : index
      %get3A_655 = tpu.vector_load %arg7[%get3A_653, %get3A_654] {strides = array<i32>} : memref<64x128xf32, #tpu.memory_space<vmem>>, vector<16xf32>,
      %add3A_656 = arith.constant 16 : i32
      %add3A_657 = vector.broadcast %add3A_656 : i32 to vector<16xi32>
      %add3A_658 = arith.addi %get3A_638, %add3A_657 : vector<16xi32>
      %le3A_659 = arith.cmpf ole, %get3A_655, %get3A_474 : vector<16xf32>
      %convert_element_type3A_660 = arith.extui %le3A_659 : vector<16xi1> to vector<16xi32>
      %broadcast_in_dim3A_661 = arith.constant true
      %broadcast_in_dim3A_662 = vector.broadcast %broadcast_in_dim3A_661 : i1 to vector<16xi1>
      %masked_cumsum3A_663 = tpu.scan <sum>, %convert_element_type3A_660 masked %broadcast_in_dim3A_662 : vector<16xi32>, vector<16xi1> -> vector<16xi32>
      %add3A_664 = arith.addi %add3A_652, %masked_cumsum3A_663 : vector<16xi32>
      %sub3A_665 = arith.constant 1 : i32
      %sub3A_666 = vector.broadcast %sub3A_665 : i32 to vector<16xi32>
      %sub3A_667 = arith.subi %add3A_664, %sub3A_666 : vector<16xi32>
      tpu.vector_store_idx %arg11[%sub3A_667], %get3A_655 masked %le3A_659 : memref<2064xf32, #tpu.memory_space<vmem>>[vector<16xi32>], vector<16xf32>, vector<16xi1>
      tpu.vector_store_idx %arg12[%sub3A_667], %add3A_658 masked %le3A_659 : memref<2064xi32, #tpu.memory_space<vmem>>[vector<16xi32>], vector<16xi32>, vector<16xi1>
      %all_reduce_population_count3A_668 = tpu.all_reduce %le3A_659 {dim = 0 : i64, kind = #tpu.reduction_kind<sum>} : vector<16xi1> -> vector<16xi32>
      %add3A_669 = arith.addi %add3A_652, %all_reduce_population_count3A_668 : vector<16xi32>
      %get3A_670 = arith.index_cast %add3A_635 : i32 to index
      %get3A_671 = arith.constant 32 : index
      %get3A_672 = tpu.vector_load %arg7[%get3A_670, %get3A_671] {strides = array<i32>} : memref<64x128xf32, #tpu.memory_space<vmem>>, vector<16xf32>,
      %add3A_673 = arith.constant 32 : i32
      %add3A_674 = vector.broadcast %add3A_673 : i32 to vector<16xi32>
      %add3A_675 = arith.addi %get3A_638, %add3A_674 : vector<16xi32>
      %le3A_676 = arith.cmpf ole, %get3A_672, %get3A_474 : vector<16xf32>
      %convert_element_type3A_677 = arith.extui %le3A_676 : vector<16xi1> to vector<16xi32>
      %broadcast_in_dim3A_678 = arith.constant true
      %broadcast_in_dim3A_679 = vector.broadcast %broadcast_in_dim3A_678 : i1 to vector<16xi1>
      %masked_cumsum3A_680 = tpu.scan <sum>, %convert_element_type3A_677 masked %broadcast_in_dim3A_679 : vector<16xi32>, vector<16xi1> -> vector<16xi32>
      %add3A_681 = arith.addi %add3A_669, %masked_cumsum3A_680 : vector<16xi32>
      %sub3A_682 = arith.constant 1 : i32
      %sub3A_683 = vector.broadcast %sub3A_682 : i32 to vector<16xi32>
      %sub3A_684 = arith.subi %add3A_681, %sub3A_683 : vector<16xi32>
      tpu.vector_store_idx %arg11[%sub3A_684], %get3A_672 masked %le3A_676 : memref<2064xf32, #tpu.memory_space<vmem>>[vector<16xi32>], vector<16xf32>, vector<16xi1>
      tpu.vector_store_idx %arg12[%sub3A_684], %add3A_675 masked %le3A_676 : memref<2064xi32, #tpu.memory_space<vmem>>[vector<16xi32>], vector<16xi32>, vector<16xi1>
      %all_reduce_population_count3A_685 = tpu.all_reduce %le3A_676 {dim = 0 : i64, kind = #tpu.reduction_kind<sum>} : vector<16xi1> -> vector<16xi32>
      %add3A_686 = arith.addi %add3A_669, %all_reduce_population_count3A_685 : vector<16xi32>
      %get3A_687 = arith.index_cast %add3A_635 : i32 to index
      %get3A_688 = arith.constant 48 : index
      %get3A_689 = tpu.vector_load %arg7[%get3A_687, %get3A_688] {strides = array<i32>} : memref<64x128xf32, #tpu.memory_space<vmem>>, vector<16xf32>,
      %add3A_690 = arith.constant 48 : i32
      %add3A_691 = vector.broadcast %add3A_690 : i32 to vector<16xi32>
      %add3A_692 = arith.addi %get3A_638, %add3A_691 : vector<16xi32>
      %le3A_693 = arith.cmpf ole, %get3A_689, %get3A_474 : vector<16xf32>
      %convert_element_type3A_694 = arith.extui %le3A_693 : vector<16xi1> to vector<16xi32>
      %broadcast_in_dim3A_695 = arith.constant true
      %broadcast_in_dim3A_696 = vector.broadcast %broadcast_in_dim3A_695 : i1 to vector<16xi1>
      %masked_cumsum3A_697 = tpu.scan <sum>, %convert_element_type3A_694 masked %broadcast_in_dim3A_696 : vector<16xi32>, vector<16xi1> -> vector<16xi32>
      %add3A_698 = arith.addi %add3A_686, %masked_cumsum3A_697 : vector<16xi32>
      %sub3A_699 = arith.constant 1 : i32
      %sub3A_700 = vector.broadcast %sub3A_699 : i32 to vector<16xi32>
      %sub3A_701 = arith.subi %add3A_698, %sub3A_700 : vector<16xi32>
      tpu.vector_store_idx %arg11[%sub3A_701], %get3A_689 masked %le3A_693 : memref<2064xf32, #tpu.memory_space<vmem>>[vector<16xi32>], vector<16xf32>, vector<16xi1>
      tpu.vector_store_idx %arg12[%sub3A_701], %add3A_692 masked %le3A_693 : memref<2064xi32, #tpu.memory_space<vmem>>[vector<16xi32>], vector<16xi32>, vector<16xi1>
      %all_reduce_population_count3A_702 = tpu.all_reduce %le3A_693 {dim = 0 : i64, kind = #tpu.reduction_kind<sum>} : vector<16xi1> -> vector<16xi32>
      %add3A_703 = arith.addi %add3A_686, %all_reduce_population_count3A_702 : vector<16xi32>
      %get3A_704 = arith.index_cast %add3A_635 : i32 to index
      %get3A_705 = arith.constant 64 : index
      %get3A_706 = tpu.vector_load %arg7[%get3A_704, %get3A_705] {strides = array<i32>} : memref<64x128xf32, #tpu.memory_space<vmem>>, vector<16xf32>,
      %add3A_707 = arith.constant 64 : i32
      %add3A_708 = vector.broadcast %add3A_707 : i32 to vector<16xi32>
      %add3A_709 = arith.addi %get3A_638, %add3A_708 : vector<16xi32>
      %le3A_710 = arith.cmpf ole, %get3A_706, %get3A_474 : vector<16xf32>
      %convert_element_type3A_711 = arith.extui %le3A_710 : vector<16xi1> to vector<16xi32>
      %broadcast_in_dim3A_712 = arith.constant true
      %broadcast_in_dim3A_713 = vector.broadcast %broadcast_in_dim3A_712 : i1 to vector<16xi1>
      %masked_cumsum3A_714 = tpu.scan <sum>, %convert_element_type3A_711 masked %broadcast_in_dim3A_713 : vector<16xi32>, vector<16xi1> -> vector<16xi32>
      %add3A_715 = arith.addi %add3A_703, %masked_cumsum3A_714 : vector<16xi32>
      %sub3A_716 = arith.constant 1 : i32
      %sub3A_717 = vector.broadcast %sub3A_716 : i32 to vector<16xi32>
      %sub3A_718 = arith.subi %add3A_715, %sub3A_717 : vector<16xi32>
      tpu.vector_store_idx %arg11[%sub3A_718], %get3A_706 masked %le3A_710 : memref<2064xf32, #tpu.memory_space<vmem>>[vector<16xi32>], vector<16xf32>, vector<16xi1>
      tpu.vector_store_idx %arg12[%sub3A_718], %add3A_709 masked %le3A_710 : memref<2064xi32, #tpu.memory_space<vmem>>[vector<16xi32>], vector<16xi32>, vector<16xi1>
      %all_reduce_population_count3A_719 = tpu.all_reduce %le3A_710 {dim = 0 : i64, kind = #tpu.reduction_kind<sum>} : vector<16xi1> -> vector<16xi32>
      %add3A_720 = arith.addi %add3A_703, %all_reduce_population_count3A_719 : vector<16xi32>
      %get3A_721 = arith.index_cast %add3A_635 : i32 to index
      %get3A_722 = arith.constant 80 : index
      %get3A_723 = tpu.vector_load %arg7[%get3A_721, %get3A_722] {strides = array<i32>} : memref<64x128xf32, #tpu.memory_space<vmem>>, vector<16xf32>,
      %add3A_724 = arith.constant 80 : i32
      %add3A_725 = vector.broadcast %add3A_724 : i32 to vector<16xi32>
      %add3A_726 = arith.addi %get3A_638, %add3A_725 : vector<16xi32>
      %le3A_727 = arith.cmpf ole, %get3A_723, %get3A_474 : vector<16xf32>
      %convert_element_type3A_728 = arith.extui %le3A_727 : vector<16xi1> to vector<16xi32>
      %broadcast_in_dim3A_729 = arith.constant true
      %broadcast_in_dim3A_730 = vector.broadcast %broadcast_in_dim3A_729 : i1 to vector<16xi1>
      %masked_cumsum3A_731 = tpu.scan <sum>, %convert_element_type3A_728 masked %broadcast_in_dim3A_730 : vector<16xi32>, vector<16xi1> -> vector<16xi32>
      %add3A_732 = arith.addi %add3A_720, %masked_cumsum3A_731 : vector<16xi32>
      %sub3A_733 = arith.constant 1 : i32
      %sub3A_734 = vector.broadcast %sub3A_733 : i32 to vector<16xi32>
      %sub3A_735 = arith.subi %add3A_732, %sub3A_734 : vector<16xi32>
      tpu.vector_store_idx %arg11[%sub3A_735], %get3A_723 masked %le3A_727 : memref<2064xf32, #tpu.memory_space<vmem>>[vector<16xi32>], vector<16xf32>, vector<16xi1>
      tpu.vector_store_idx %arg12[%sub3A_735], %add3A_726 masked %le3A_727 : memref<2064xi32, #tpu.memory_space<vmem>>[vector<16xi32>], vector<16xi32>, vector<16xi1>
      %all_reduce_population_count3A_736 = tpu.all_reduce %le3A_727 {dim = 0 : i64, kind = #tpu.reduction_kind<sum>} : vector<16xi1> -> vector<16xi32>
      %add3A_737 = arith.addi %add3A_720, %all_reduce_population_count3A_736 : vector<16xi32>
      %get3A_738 = arith.index_cast %add3A_635 : i32 to index
      %get3A_739 = arith.constant 96 : index
      %get3A_740 = tpu.vector_load %arg7[%get3A_738, %get3A_739] {strides = array<i32>} : memref<64x128xf32, #tpu.memory_space<vmem>>, vector<16xf32>,
      %add3A_741 = arith.constant 96 : i32
      %add3A_742 = vector.broadcast %add3A_741 : i32 to vector<16xi32>
      %add3A_743 = arith.addi %get3A_638, %add3A_742 : vector<16xi32>
      %le3A_744 = arith.cmpf ole, %get3A_740, %get3A_474 : vector<16xf32>
      %convert_element_type3A_745 = arith.extui %le3A_744 : vector<16xi1> to vector<16xi32>
      %broadcast_in_dim3A_746 = arith.constant true
      %broadcast_in_dim3A_747 = vector.broadcast %broadcast_in_dim3A_746 : i1 to vector<16xi1>
      %masked_cumsum3A_748 = tpu.scan <sum>, %convert_element_type3A_745 masked %broadcast_in_dim3A_747 : vector<16xi32>, vector<16xi1> -> vector<16xi32>
      %add3A_749 = arith.addi %add3A_737, %masked_cumsum3A_748 : vector<16xi32>
      %sub3A_750 = arith.constant 1 : i32
      %sub3A_751 = vector.broadcast %sub3A_750 : i32 to vector<16xi32>
      %sub3A_752 = arith.subi %add3A_749, %sub3A_751 : vector<16xi32>
      tpu.vector_store_idx %arg11[%sub3A_752], %get3A_740 masked %le3A_744 : memref<2064xf32, #tpu.memory_space<vmem>>[vector<16xi32>], vector<16xf32>, vector<16xi1>
      tpu.vector_store_idx %arg12[%sub3A_752], %add3A_743 masked %le3A_744 : memref<2064xi32, #tpu.memory_space<vmem>>[vector<16xi32>], vector<16xi32>, vector<16xi1>
      %all_reduce_population_count3A_753 = tpu.all_reduce %le3A_744 {dim = 0 : i64, kind = #tpu.reduction_kind<sum>} : vector<16xi1> -> vector<16xi32>
      %add3A_754 = arith.addi %add3A_737, %all_reduce_population_count3A_753 : vector<16xi32>
      %get3A_755 = arith.index_cast %add3A_635 : i32 to index
      %get3A_756 = arith.constant 112 : index
      %get3A_757 = tpu.vector_load %arg7[%get3A_755, %get3A_756] {strides = array<i32>} : memref<64x128xf32, #tpu.memory_space<vmem>>, vector<16xf32>,
      %add3A_758 = arith.constant 112 : i32
      %add3A_759 = vector.broadcast %add3A_758 : i32 to vector<16xi32>
      %add3A_760 = arith.addi %get3A_638, %add3A_759 : vector<16xi32>
      %le3A_761 = arith.cmpf ole, %get3A_757, %get3A_474 : vector<16xf32>
      %convert_element_type3A_762 = arith.extui %le3A_761 : vector<16xi1> to vector<16xi32>
      %broadcast_in_dim3A_763 = arith.constant true
      %broadcast_in_dim3A_764 = vector.broadcast %broadcast_in_dim3A_763 : i1 to vector<16xi1>
      %masked_cumsum3A_765 = tpu.scan <sum>, %convert_element_type3A_762 masked %broadcast_in_dim3A_764 : vector<16xi32>, vector<16xi1> -> vector<16xi32>
      %add3A_766 = arith.addi %add3A_754, %masked_cumsum3A_765 : vector<16xi32>
      %sub3A_767 = arith.constant 1 : i32
      %sub3A_768 = vector.broadcast %sub3A_767 : i32 to vector<16xi32>
      %sub3A_769 = arith.subi %add3A_766, %sub3A_768 : vector<16xi32>
      tpu.vector_store_idx %arg11[%sub3A_769], %get3A_757 masked %le3A_761 : memref<2064xf32, #tpu.memory_space<vmem>>[vector<16xi32>], vector<16xf32>, vector<16xi1>
      tpu.vector_store_idx %arg12[%sub3A_769], %add3A_760 masked %le3A_761 : memref<2064xi32, #tpu.memory_space<vmem>>[vector<16xi32>], vector<16xi32>, vector<16xi1>
      %all_reduce_population_count3A_770 = tpu.all_reduce %le3A_761 {dim = 0 : i64, kind = #tpu.reduction_kind<sum>} : vector<16xi1> -> vector<16xi32>
      %add3A_771 = arith.addi %add3A_754, %all_reduce_population_count3A_770 : vector<16xi32>
      scf.yield %add3A_771 : vector<16xi32>
    }
    %scan3A_482 = arith.constant 16 : i32
    %add3A_483 = arith.addi %scan3A_481, %iota3A : vector<16xi32>
    tpu.vector_store_idx %arg11[%add3A_483], %broadcast_in_dim3A_11 : memref<2064xf32, #tpu.memory_space<vmem>>[vector<16xi32>], vector<16xf32>,
    %add3A_484 = arith.addi %scan3A_481, %iota3A : vector<16xi32>
    tpu.vector_store_idx %arg12[%add3A_484], %broadcast_in_dim3A_13 : memref<2064xi32, #tpu.memory_space<vmem>>[vector<16xi32>], vector<16xi32>,
    %reduce_max3A_485 = arith.constant true
    %reduce_max3A_486 = vector.broadcast %reduce_max3A_485 : i1 to vector<16xi1>
    %reduce_max3A_487 = arith.constant -2147483648 : i32
    %reduce_max3A_488 = vector.broadcast %reduce_max3A_487 : i32 to vector<16xi32>
    %reduce_max3A_489 = arith.xori %scan3A_481, %reduce_max3A_488 : vector<16xi32>
    %reduce_max3A_490 = tpu.scan <max>, %reduce_max3A_489 masked %reduce_max3A_486 : vector<16xi32>, vector<16xi1> -> vector<16xi32>
    %reduce_max3A_491 = arith.xori %reduce_max3A_490, %reduce_max3A_488 : vector<16xi32>
    %reduce_max3A_492 = vector.extract %reduce_max3A_491[15] : i32 from vector<16xi32>
    %add3A_493 = arith.constant 15 : i32
    %add3A_494 = arith.addi %reduce_max3A_492, %add3A_493 : i32
    %jit3A_495 = arith.constant 16 : i32
    %div3A_496 = arith.divsi %add3A_494, %jit3A_495 : i32
    %sign3A_497 = arith.constant 0 : i32
    %sign3A_498 = arith.cmpi sgt, %add3A_494, %sign3A_497 : i32
    %sign3A_499 = arith.extui %sign3A_498 : i1 to i32
    %sign3A_500 = arith.constant 0 : i32
    %sign3A_501 = arith.cmpi slt, %add3A_494, %sign3A_500 : i32
    %sign3A_502 = arith.extui %sign3A_501 : i1 to i32
    %sign3A_503 = arith.subi %sign3A_499, %sign3A_502 : i32
    %sign3A_504 = arith.constant 0 : i32
    %sign3A_505 = arith.cmpi sgt, %jit3A_495, %sign3A_504 : i32
    %sign3A_506 = arith.extui %sign3A_505 : i1 to i32
    %sign3A_507 = arith.constant 0 : i32
    %sign3A_508 = arith.cmpi slt, %jit3A_495, %sign3A_507 : i32
    %sign3A_509 = arith.extui %sign3A_508 : i1 to i32
    %sign3A_510 = arith.subi %sign3A_506, %sign3A_509 : i32
    %ne3A_511 = arith.cmpi ne, %sign3A_503, %sign3A_510 : i32
    %rem3A_512 = arith.remsi %add3A_494, %jit3A_495 : i32
    %ne3A_513 = arith.constant 0 : i32
    %ne3A_514 = arith.cmpi ne, %rem3A_512, %ne3A_513 : i32
    %and3A_515 = arith.andi %ne3A_511, %ne3A_514 : i1
    %sub3A_516 = arith.constant 1 : i32
    %sub3A_517 = arith.subi %div3A_496, %sub3A_516 : i32
    %select_n3A_518 = arith.select %and3A_515, %sub3A_517, %div3A_496 : i32
    %while3A_519 = arith.constant 0 : i32
    %while3A_520 = arith.subi %select_n3A_518, %while3A_519 : i32
    %while3A_521 = arith.addi %while3A_519, %while3A_520 : i32
    %while3A_522 = arith.constant 1 : i32
    %while3A_523 = arith.divsi %while3A_520, %while3A_522 : i32
    %while3A_524 = arith.muli %while3A_523, %while3A_522 : i32
    %while3A_525 = arith.addi %while3A_519, %while3A_524 : i32
    %while3A_526 = arith.constant 1 : i32
    %while3A_527:2 = scf.for %while3A_632 = %while3A_519 to %while3A_525 step %while3A_526 iter_args(%while3A_633 = %broadcast_in_dim3A_11, %while3A_634 = %broadcast_in_dim3A_13) -> (vector<16xf32>, vector<16xi32>)  : i32 {
      %mul3A_635 = arith.constant 16 : i32
      %mul3A_636 = arith.muli %while3A_632, %mul3A_635 : i32
      %get3A_637 = arith.index_cast %mul3A_636 : i32 to index
      %get3A_638 = tpu.vector_load %arg11[%get3A_637] {strides = array<i32>} : memref<2064xf32, #tpu.memory_space<vmem>>, vector<16xf32>,
      %mul3A_639 = arith.constant 16 : i32
      %mul3A_640 = arith.muli %while3A_632, %mul3A_639 : i32
      %get3A_641 = arith.index_cast %mul3A_640 : i32 to index
      %get3A_642 = tpu.vector_load %arg12[%get3A_641] {strides = array<i32>} : memref<2064xi32, #tpu.memory_space<vmem>>, vector<16xi32>,
      %masked_sort3A_643 = arith.constant dense<true> : vector<16xi1>
      %masked_sort3A_644, %masked_sort3A_645, %masked_sort3A_646 = tpu.sort %get3A_638, %get3A_642 masked %masked_sort3A_643 : (vector<16xf32>, vector<16xi32>, vector<16xi1>) -> (vector<16xi1>, vector<16xf32>, vector<16xi32>)
      %rev3A_647 = arith.constant 15 : i32
      %rev3A_648 = vector.broadcast %rev3A_647 : i32 to vector<16xi32>
      %rev3A_649 = tpu.iota {dimensions = array<i32: 0>} : vector<16xi32>
      %rev3A_650 = arith.subi %rev3A_648, %rev3A_649 : vector<16xi32>
      %rev3A_651 = tpu.dynamic_gather %masked_sort3A_645[%rev3A_650] in [0] : vector<16xf32>, vector<16xi32> -> vector<16xf32>
      %rev3A_652 = arith.constant 15 : i32
      %rev3A_653 = vector.broadcast %rev3A_652 : i32 to vector<16xi32>
      %rev3A_654 = tpu.iota {dimensions = array<i32: 0>} : vector<16xi32>
      %rev3A_655 = arith.subi %rev3A_653, %rev3A_654 : vector<16xi32>
      %rev3A_656 = tpu.dynamic_gather %masked_sort3A_646[%rev3A_655] in [0] : vector<16xi32>, vector<16xi32> -> vector<16xi32>
      %lt3A = arith.cmpf olt, %rev3A_651, %while3A_633 : vector<16xf32>
      %eq3A_657 = arith.cmpf oeq, %rev3A_651, %while3A_633 : vector<16xf32>
      %lt3A_658 = arith.cmpi slt, %rev3A_656, %while3A_634 : vector<16xi32>
      %and3A_659 = arith.andi %eq3A_657, %lt3A_658 : vector<16xi1>
      %or3A_660 = arith.ori %lt3A, %and3A_659 : vector<16xi1>
      %select_n3A_661 = arith.select %or3A_660, %rev3A_651, %while3A_633 : vector<16xi1>, vector<16xf32>
      %select_n3A_662 = arith.select %or3A_660, %rev3A_656, %while3A_634 : vector<16xi1>, vector<16xi32>
      %masked_sort3A_663 = arith.constant dense<true> : vector<16xi1>
      %masked_sort3A_664, %masked_sort3A_665, %masked_sort3A_666 = tpu.sort %select_n3A_661, %select_n3A_662 masked %masked_sort3A_663 : (vector<16xf32>, vector<16xi32>, vector<16xi1>) -> (vector<16xi1>, vector<16xf32>, vector<16xi32>)
      scf.yield %masked_sort3A_665, %masked_sort3A_666 : vector<16xf32>, vector<16xi32>
    }
    %while3A_528 = arith.constant 1 : i32
    %while3A_529:2 = scf.for %while3A_632 = %while3A_525 to %while3A_521 step %while3A_528 iter_args(%while3A_633 = %while3A_527#0, %while3A_634 = %while3A_527#1) -> (vector<16xf32>, vector<16xi32>)  : i32 {
      %mul3A_635 = arith.constant 16 : i32
      %mul3A_636 = arith.muli %while3A_632, %mul3A_635 : i32
      %get3A_637 = arith.index_cast %mul3A_636 : i32 to index
      %get3A_638 = tpu.vector_load %arg11[%get3A_637] {strides = array<i32>} : memref<2064xf32, #tpu.memory_space<vmem>>, vector<16xf32>,
      %mul3A_639 = arith.constant 16 : i32
      %mul3A_640 = arith.muli %while3A_632, %mul3A_639 : i32
      %get3A_641 = arith.index_cast %mul3A_640 : i32 to index
      %get3A_642 = tpu.vector_load %arg12[%get3A_641] {strides = array<i32>} : memref<2064xi32, #tpu.memory_space<vmem>>, vector<16xi32>,
      %masked_sort3A_643 = arith.constant dense<true> : vector<16xi1>
      %masked_sort3A_644, %masked_sort3A_645, %masked_sort3A_646 = tpu.sort %get3A_638, %get3A_642 masked %masked_sort3A_643 : (vector<16xf32>, vector<16xi32>, vector<16xi1>) -> (vector<16xi1>, vector<16xf32>, vector<16xi32>)
      %rev3A_647 = arith.constant 15 : i32
      %rev3A_648 = vector.broadcast %rev3A_647 : i32 to vector<16xi32>
      %rev3A_649 = tpu.iota {dimensions = array<i32: 0>} : vector<16xi32>
      %rev3A_650 = arith.subi %rev3A_648, %rev3A_649 : vector<16xi32>
      %rev3A_651 = tpu.dynamic_gather %masked_sort3A_645[%rev3A_650] in [0] : vector<16xf32>, vector<16xi32> -> vector<16xf32>
      %rev3A_652 = arith.constant 15 : i32
      %rev3A_653 = vector.broadcast %rev3A_652 : i32 to vector<16xi32>
      %rev3A_654 = tpu.iota {dimensions = array<i32: 0>} : vector<16xi32>
      %rev3A_655 = arith.subi %rev3A_653, %rev3A_654 : vector<16xi32>
      %rev3A_656 = tpu.dynamic_gather %masked_sort3A_646[%rev3A_655] in [0] : vector<16xi32>, vector<16xi32> -> vector<16xi32>
      %lt3A = arith.cmpf olt, %rev3A_651, %while3A_633 : vector<16xf32>
      %eq3A_657 = arith.cmpf oeq, %rev3A_651, %while3A_633 : vector<16xf32>
      %lt3A_658 = arith.cmpi slt, %rev3A_656, %while3A_634 : vector<16xi32>
      %and3A_659 = arith.andi %eq3A_657, %lt3A_658 : vector<16xi1>
      %or3A_660 = arith.ori %lt3A, %and3A_659 : vector<16xi1>
      %select_n3A_661 = arith.select %or3A_660, %rev3A_651, %while3A_633 : vector<16xi1>, vector<16xf32>
      %select_n3A_662 = arith.select %or3A_660, %rev3A_656, %while3A_634 : vector<16xi1>, vector<16xi32>
      %masked_sort3A_663 = arith.constant dense<true> : vector<16xi1>
      %masked_sort3A_664, %masked_sort3A_665, %masked_sort3A_666 = tpu.sort %select_n3A_661, %select_n3A_662 masked %masked_sort3A_663 : (vector<16xf32>, vector<16xi32>, vector<16xi1>) -> (vector<16xi1>, vector<16xf32>, vector<16xi32>)
      scf.yield %masked_sort3A_665, %masked_sort3A_666 : vector<16xf32>, vector<16xi32>
    }
    %gather3A_530 = tpu.vector_load_idx %arg10[%while3A_529#1] : memref<16384xi32, #tpu.memory_space<vmem>>[vector<16xi32>], vector<16xi32>,
    %masked_sort3A_531 = arith.constant dense<true> : vector<16xi1>
    %masked_sort3A_532 = arith.constant -2147483648 : i32
    %masked_sort3A_533 = vector.broadcast %masked_sort3A_532 : i32 to vector<16xi32>
    %masked_sort3A_534 = arith.xori %gather3A_530, %masked_sort3A_533 : vector<16xi32>
    %masked_sort3A_535, %masked_sort3A_536, %masked_sort3A_537 = tpu.sort %masked_sort3A_534, %gather3A_530 masked %masked_sort3A_531 : (vector<16xi32>, vector<16xi32>, vector<16xi1>) -> (vector<16xi1>, vector<16xi32>, vector<16xi32>)
    %masked_sort3A_538 = arith.xori %masked_sort3A_536, %masked_sort3A_533 : vector<16xi32>
    %swap3A_539 = arith.constant 0 : index
    %swap3A_540 = tpu.vector_load %arg13[%swap3A_539] {strides = array<i32>} : memref<16xi32, #tpu.memory_space<vmem>>, vector<16xi32>,
    tpu.vector_store %arg13[%swap3A_539], %masked_sort3A_538 {strides = array<i32>} : memref<16xi32, #tpu.memory_space<vmem>>, vector<16xi32>,
    %sub3A_541 = arith.constant 1 : i32
    %sub3A_542 = vector.broadcast %sub3A_541 : i32 to vector<16xi32>
    %sub3A_543 = arith.subi %iota3A, %sub3A_542 : vector<16xi32>
    %max3A_544 = arith.constant 0 : i32
    %max3A_545 = vector.broadcast %max3A_544 : i32 to vector<16xi32>
    %max3A_546 = arith.maxsi %sub3A_543, %max3A_545 : vector<16xi32>
    %gather3A_547 = tpu.vector_load_idx %arg13[%max3A_546] : memref<16xi32, #tpu.memory_space<vmem>>[vector<16xi32>], vector<16xi32>,
    %add3A_548 = arith.constant 1 : i32
    %add3A_549 = vector.broadcast %add3A_548 : i32 to vector<16xi32>
    %add3A_550 = arith.addi %iota3A, %add3A_549 : vector<16xi32>
    %min3A_551 = arith.constant 15 : i32
    %min3A_552 = vector.broadcast %min3A_551 : i32 to vector<16xi32>
    %min3A_553 = arith.minsi %add3A_550, %min3A_552 : vector<16xi32>
    %gather3A_554 = tpu.vector_load_idx %arg13[%min3A_553] : memref<16xi32, #tpu.memory_space<vmem>>[vector<16xi32>], vector<16xi32>,
    %ne3A_555 = arith.cmpi ne, %masked_sort3A_538, %gather3A_547 : vector<16xi32>
    %eq3A_556 = arith.constant 0 : i32
    %eq3A_557 = vector.broadcast %eq3A_556 : i32 to vector<16xi32>
    %eq3A_558 = arith.cmpi eq, %iota3A, %eq3A_557 : vector<16xi32>
    %or3A_559 = arith.ori %ne3A_555, %eq3A_558 : vector<16xi1>
    %ne3A_560 = arith.cmpi ne, %masked_sort3A_538, %gather3A_554 : vector<16xi32>
    %eq3A_561 = arith.constant 15 : i32
    %eq3A_562 = vector.broadcast %eq3A_561 : i32 to vector<16xi32>
    %eq3A_563 = arith.cmpi eq, %iota3A, %eq3A_562 : vector<16xi32>
    %or3A_564 = arith.ori %ne3A_560, %eq3A_563 : vector<16xi1>
    %jit3A_565 = arith.constant 0 : i32
    %broadcast_in_dim3A_566 = vector.broadcast %jit3A_565 : i32 to vector<16xi32>
    %select_n3A_567 = arith.select %or3A_559, %iota3A, %broadcast_in_dim3A_566 : vector<16xi1>, vector<16xi32>
    %broadcast_in_dim3A_568 = arith.constant true
    %broadcast_in_dim3A_569 = vector.broadcast %broadcast_in_dim3A_568 : i1 to vector<16xi1>
    %masked_cummax3A_570 = arith.constant -2147483648 : i32
    %masked_cummax3A_571 = vector.broadcast %masked_cummax3A_570 : i32 to vector<16xi32>
    %masked_cummax3A_572 = arith.xori %select_n3A_567, %masked_cummax3A_571 : vector<16xi32>
    %masked_cummax3A_573 = tpu.scan <max>, %masked_cummax3A_572 masked %broadcast_in_dim3A_569 : vector<16xi32>, vector<16xi1> -> vector<16xi32>
    %masked_cummax3A_574 = arith.xori %masked_cummax3A_573, %masked_cummax3A_571 : vector<16xi32>
    %convert_element_type3A_575 = arith.extui %or3A_564 : vector<16xi1> to vector<16xi32>
    %rev3A_576 = arith.constant 15 : i32
    %rev3A_577 = vector.broadcast %rev3A_576 : i32 to vector<16xi32>
    %rev3A_578 = tpu.iota {dimensions = array<i32: 0>} : vector<16xi32>
    %rev3A_579 = arith.subi %rev3A_577, %rev3A_578 : vector<16xi32>
    %rev3A_580 = tpu.dynamic_gather %convert_element_type3A_575[%rev3A_579] in [0] : vector<16xi32>, vector<16xi32> -> vector<16xi32>
    %eq3A_581 = arith.constant 1 : i32
    %eq3A_582 = vector.broadcast %eq3A_581 : i32 to vector<16xi32>
    %eq3A_583 = arith.cmpi eq, %rev3A_580, %eq3A_582 : vector<16xi32>
    %jit3A_584 = arith.constant -1 : i32
    %broadcast_in_dim3A_585 = vector.broadcast %jit3A_584 : i32 to vector<16xi32>
    %select_n3A_586 = arith.select %eq3A_583, %iota3A, %broadcast_in_dim3A_585 : vector<16xi1>, vector<16xi32>
    %broadcast_in_dim3A_587 = arith.constant true
    %broadcast_in_dim3A_588 = vector.broadcast %broadcast_in_dim3A_587 : i1 to vector<16xi1>
    %masked_cummax3A_589 = arith.constant -2147483648 : i32
    %masked_cummax3A_590 = vector.broadcast %masked_cummax3A_589 : i32 to vector<16xi32>
    %masked_cummax3A_591 = arith.xori %select_n3A_586, %masked_cummax3A_590 : vector<16xi32>
    %masked_cummax3A_592 = tpu.scan <max>, %masked_cummax3A_591 masked %broadcast_in_dim3A_588 : vector<16xi32>, vector<16xi1> -> vector<16xi32>
    %masked_cummax3A_593 = arith.xori %masked_cummax3A_592, %masked_cummax3A_590 : vector<16xi32>
    %sub3A_594 = arith.constant 15 : i32
    %sub3A_595 = vector.broadcast %sub3A_594 : i32 to vector<16xi32>
    %sub3A_596 = arith.subi %sub3A_595, %masked_cummax3A_593 : vector<16xi32>
    %rev3A_597 = arith.constant 15 : i32
    %rev3A_598 = vector.broadcast %rev3A_597 : i32 to vector<16xi32>
    %rev3A_599 = tpu.iota {dimensions = array<i32: 0>} : vector<16xi32>
    %rev3A_600 = arith.subi %rev3A_598, %rev3A_599 : vector<16xi32>
    %rev3A_601 = tpu.dynamic_gather %sub3A_596[%rev3A_600] in [0] : vector<16xi32>, vector<16xi32> -> vector<16xi32>
    %sub3A_602 = arith.subi %rev3A_601, %masked_cummax3A_574 : vector<16xi32>
    %add3A_603 = arith.constant 1 : i32
    %add3A_604 = vector.broadcast %add3A_603 : i32 to vector<16xi32>
    %add3A_605 = arith.addi %sub3A_602, %add3A_604 : vector<16xi32>
    %mul3A_606 = arith.constant 1024 : i32
    %mul3A_607 = vector.broadcast %mul3A_606 : i32 to vector<16xi32>
    %mul3A_608 = arith.muli %add3A_605, %mul3A_607 : vector<16xi32>
    %sub3A_609 = arith.constant 1023 : i32
    %sub3A_610 = vector.broadcast %sub3A_609 : i32 to vector<16xi32>
    %sub3A_611 = arith.subi %sub3A_610, %masked_sort3A_538 : vector<16xi32>
    %add3A_612 = arith.addi %mul3A_608, %sub3A_611 : vector<16xi32>
    %reduce_max3A_613 = arith.constant true
    %reduce_max3A_614 = vector.broadcast %reduce_max3A_613 : i1 to vector<16xi1>
    %reduce_max3A_615 = arith.constant -2147483648 : i32
    %reduce_max3A_616 = vector.broadcast %reduce_max3A_615 : i32 to vector<16xi32>
    %reduce_max3A_617 = arith.xori %add3A_612, %reduce_max3A_616 : vector<16xi32>
    %reduce_max3A_618 = tpu.scan <max>, %reduce_max3A_617 masked %reduce_max3A_614 : vector<16xi32>, vector<16xi1> -> vector<16xi32>
    %reduce_max3A_619 = arith.xori %reduce_max3A_618, %reduce_max3A_616 : vector<16xi32>
    %reduce_max3A_620 = vector.extract %reduce_max3A_619[15] : i32 from vector<16xi32>
    %rem3A_621 = arith.constant 1024 : i32
    %rem3A_622 = arith.remsi %reduce_max3A_620, %rem3A_621 : i32
    %sub3A_623 = arith.constant 1023 : i32
    %sub3A_624 = arith.subi %sub3A_623, %rem3A_622 : i32
    %eq3A_625 = arith.constant 3 : i32
    %eq3A_626 = vector.broadcast %eq3A_625 : i32 to vector<16xi32>
    %eq3A_627 = arith.cmpi eq, %iota3A, %eq3A_626 : vector<16xi32>
    %broadcast_in_dim3A_628 = vector.broadcast %sub3A_624 : i32 to vector<16xi32>
    %select_n3A_629 = arith.select %eq3A_627, %broadcast_in_dim3A_628, %select_n3A_470 : vector<16xi1>, vector<16xi32>
    %swap3A_630 = arith.constant 0 : index
    %swap3A_631 = tpu.vector_load %arg14[%swap3A_630] {strides = array<i32>} : memref<16xi32, #tpu.memory_space<vmem>>, vector<16xi32>,
    tpu.vector_store %arg14[%swap3A_630], %select_n3A_629 {strides = array<i32>} : memref<16xi32, #tpu.memory_space<vmem>>, vector<16xi32>,
    "tpu.region"() ({
      %run_scoped3A = tpu.sem_alloc : memref<!tpu.dma_semaphore, #tpu.memory_space<semaphore_mem>>
      %dma_start3A_632 = arith.constant 0 : i32
      %dma_start3A_633 = tpu.memref_slice %arg6[%add3A, %dma_start3A_632] : memref<32x16xi32, #tpu.memory_space<hbm>> -> memref<1x16xi32, #tpu.memory_space<hbm>>
      %dma_start3A_634 = tpu.memref_squeeze %dma_start3A_633 : memref<1x16xi32, #tpu.memory_space<hbm>> -> memref<16xi32, #tpu.memory_space<hbm>>
      %dma_start3A_635 = arith.constant 0 : i32
      %dma_start3A_636 = tpu.memref_slice %arg6[%add3A, %dma_start3A_635] : memref<32x16xi32, #tpu.memory_space<hbm>> -> memref<1x16xi32, #tpu.memory_space<hbm>>
      %dma_start3A_637 = tpu.memref_squeeze %dma_start3A_636 : memref<1x16xi32, #tpu.memory_space<hbm>> -> memref<16xi32, #tpu.memory_space<hbm>>
      tpu.enqueue_dma source(%arg14 : memref<16xi32, #tpu.memory_space<vmem>>) target(%dma_start3A_637 : memref<16xi32, #tpu.memory_space<hbm>>) target_semaphore(%run_scoped3A : memref<!tpu.dma_semaphore, #tpu.memory_space<semaphore_mem>>)
      %dma_wait3A_638 = arith.constant 0 : i32
      %dma_wait3A_639 = tpu.memref_slice %arg6[%add3A, %dma_wait3A_638] : memref<32x16xi32, #tpu.memory_space<hbm>> -> memref<1x16xi32, #tpu.memory_space<hbm>>
      %dma_wait3A_640 = tpu.memref_squeeze %dma_wait3A_639 : memref<1x16xi32, #tpu.memory_space<hbm>> -> memref<16xi32, #tpu.memory_space<hbm>>
      %dma_wait3A_641 = arith.constant 0 : i32
      %dma_wait3A_642 = tpu.memref_slice %arg6[%add3A, %dma_wait3A_641] : memref<32x16xi32, #tpu.memory_space<hbm>> -> memref<1x16xi32, #tpu.memory_space<hbm>>
      %dma_wait3A_643 = tpu.memref_squeeze %dma_wait3A_642 : memref<1x16xi32, #tpu.memory_space<hbm>> -> memref<16xi32, #tpu.memory_space<hbm>>
      tpu.wait_dma2 semaphore(%run_scoped3A : memref<!tpu.dma_semaphore, #tpu.memory_space<semaphore_mem>>) src(%arg14 : memref<16xi32, #tpu.memory_space<vmem>>) dst(%dma_wait3A_643 : memref<16xi32, #tpu.memory_space<hbm>>)
      tpu.yield
    }) : () -> ()
    return
  }
}

module attributes {stable_mosaic.version = 14 : i64} {
  func.func @_score_body(%arg0: memref<128x64xf32, #tpu.memory_space<vmem>>, %arg1: memref<64x16384xf32, #tpu.memory_space<vmem>>, %arg2: memref<2048x128xf32, #tpu.memory_space<vmem>>, %arg3: memref<128x16xi32, #tpu.memory_space<vmem>>, %arg4: memref<128x16xf32, #tpu.memory_space<vmem>>) attributes {dimension_semantics = [], scalar_prefetch = 0 : i64, scratch_operands = 0 : i64, tpu.core_type = #tpu.core_type<tc>} {
    %get3A = arith.constant 0 : index
    %get3A_0 = arith.constant 0 : index
    %get3A_1 = vector.load %arg0[%get3A, %get3A_0] : memref<128x64xf32, #tpu.memory_space<vmem>>, vector<128x64xf32>
    %get3A_2 = arith.constant 0 : index
    %get3A_3 = arith.constant 0 : index
    %get3A_4 = vector.load %arg1[%get3A_2, %get3A_3] : memref<64x16384xf32, #tpu.memory_space<vmem>>, vector<64x16384xf32>
    %mul3A = arith.mulf %get3A_4, %get3A_4 : vector<64x16384xf32>
    %reduce_sum3A = arith.constant dense<0.000000e+00> : vector<16384xf32>
    %reduce_sum3A_5 = vector.multi_reduction <add>, %mul3A, %reduce_sum3A [0] : vector<64x16384xf32> to vector<16384xf32>
    %broadcast_in_dim3A = vector.shape_cast %reduce_sum3A_5 : vector<16384xf32> to vector<1x16384xf32>
    %dot_general3A = arith.constant dense<0.000000e+00> : vector<128x16384xf32>
    %dot_general3A_6 = tpu.matmul %get3A_1, %get3A_4, %dot_general3A {dimension_numbers = #tpu.dot_dimension_numbers<[1], [0], [0], [1], [0, 0, 1, 1], [], []>, precision = #tpu.contract_precision<fp32>, transpose_lhs_hint = false} : vector<128x64xf32>, vector<64x16384xf32>, vector<128x16384xf32> -> vector<128x16384xf32>
    %mul3A_7 = arith.constant 2.000000e+00 : f32
    %mul3A_8 = vector.broadcast %mul3A_7 : f32 to vector<128x16384xf32>
    %mul3A_9 = arith.mulf %mul3A_8, %dot_general3A_6 : vector<128x16384xf32>
    %sub3A = vector.broadcast %broadcast_in_dim3A : vector<1x16384xf32> to vector<128x16384xf32>
    %sub3A_10 = arith.subf %sub3A, %mul3A_9 : vector<128x16384xf32>
    %reshape3A = vector.shape_cast %sub3A_10 : vector<128x16384xf32> to vector<128x128x128xf32>
    %reduce_min3A = arith.constant dense<0x7F800000> : vector<128x128xf32>
    %reduce_min3A_11 = vector.multi_reduction <minimumf>, %reshape3A, %reduce_min3A [2] : vector<128x128x128xf32> to vector<128x128xf32>
    %iota3A = tpu.iota {dimensions = array<i32: 1>} : vector<128x128xi32>
    %reduce_min3A_12 = arith.constant dense<0x7F800000> : vector<128xf32>
    %reduce_min3A_13 = vector.multi_reduction <minimumf>, %reduce_min3A_11, %reduce_min3A_12 [1] : vector<128x128xf32> to vector<128xf32>
    %broadcast_in_dim3A_14 = vector.shape_cast %reduce_min3A_13 : vector<128xf32> to vector<128x1xf32>
    %eq3A = vector.broadcast %broadcast_in_dim3A_14 : vector<128x1xf32> to vector<128x128xf32>
    %eq3A_15 = arith.cmpf oeq, %reduce_min3A_11, %eq3A : vector<128x128xf32>
    %jit3A = arith.constant 128 : i32
    %broadcast_in_dim3A_16 = vector.broadcast %jit3A : i32 to vector<128x128xi32>
    %select_n3A = arith.select %eq3A_15, %iota3A, %broadcast_in_dim3A_16 : vector<128x128xi1>, vector<128x128xi32>
    %reduce_min3A_17 = arith.constant dense<2147483647> : vector<128xi32>
    %reduce_min3A_18 = vector.multi_reduction <minsi>, %select_n3A, %reduce_min3A_17 [1] : vector<128x128xi32> to vector<128xi32>
    %broadcast_in_dim3A_19 = vector.shape_cast %reduce_min3A_18 : vector<128xi32> to vector<128x1xi32>
    %eq3A_20 = vector.broadcast %broadcast_in_dim3A_19 : vector<128x1xi32> to vector<128x128xi32>
    %eq3A_21 = arith.cmpi eq, %iota3A, %eq3A_20 : vector<128x128xi32>
    %jit3A_22 = arith.constant 0x7F800000 : f32
    %broadcast_in_dim3A_23 = vector.broadcast %jit3A_22 : f32 to vector<128x128xf32>
    %select_n3A_24 = arith.select %eq3A_21, %broadcast_in_dim3A_23, %reduce_min3A_11 : vector<128x128xi1>, vector<128x128xf32>
    %reduce_min3A_25 = arith.constant dense<0x7F800000> : vector<128xf32>
    %reduce_min3A_26 = vector.multi_reduction <minimumf>, %select_n3A_24, %reduce_min3A_25 [1] : vector<128x128xf32> to vector<128xf32>
    %broadcast_in_dim3A_27 = vector.shape_cast %reduce_min3A_26 : vector<128xf32> to vector<128x1xf32>
    %eq3A_28 = vector.broadcast %broadcast_in_dim3A_27 : vector<128x1xf32> to vector<128x128xf32>
    %eq3A_29 = arith.cmpf oeq, %select_n3A_24, %eq3A_28 : vector<128x128xf32>
    %jit3A_30 = arith.constant 128 : i32
    %broadcast_in_dim3A_31 = vector.broadcast %jit3A_30 : i32 to vector<128x128xi32>
    %select_n3A_32 = arith.select %eq3A_29, %iota3A, %broadcast_in_dim3A_31 : vector<128x128xi1>, vector<128x128xi32>
    %reduce_min3A_33 = arith.constant dense<2147483647> : vector<128xi32>
    %reduce_min3A_34 = vector.multi_reduction <minsi>, %select_n3A_32, %reduce_min3A_33 [1] : vector<128x128xi32> to vector<128xi32>
    %broadcast_in_dim3A_35 = vector.shape_cast %reduce_min3A_34 : vector<128xi32> to vector<128x1xi32>
    %eq3A_36 = vector.broadcast %broadcast_in_dim3A_35 : vector<128x1xi32> to vector<128x128xi32>
    %eq3A_37 = arith.cmpi eq, %iota3A, %eq3A_36 : vector<128x128xi32>
    %jit3A_38 = arith.constant 0x7F800000 : f32
    %broadcast_in_dim3A_39 = vector.broadcast %jit3A_38 : f32 to vector<128x128xf32>
    %select_n3A_40 = arith.select %eq3A_37, %broadcast_in_dim3A_39, %select_n3A_24 : vector<128x128xi1>, vector<128x128xf32>
    %reduce_min3A_41 = arith.constant dense<0x7F800000> : vector<128xf32>
    %reduce_min3A_42 = vector.multi_reduction <minimumf>, %select_n3A_40, %reduce_min3A_41 [1] : vector<128x128xf32> to vector<128xf32>
    %broadcast_in_dim3A_43 = vector.shape_cast %reduce_min3A_42 : vector<128xf32> to vector<128x1xf32>
    %eq3A_44 = vector.broadcast %broadcast_in_dim3A_43 : vector<128x1xf32> to vector<128x128xf32>
    %eq3A_45 = arith.cmpf oeq, %select_n3A_40, %eq3A_44 : vector<128x128xf32>
    %jit3A_46 = arith.constant 128 : i32
    %broadcast_in_dim3A_47 = vector.broadcast %jit3A_46 : i32 to vector<128x128xi32>
    %select_n3A_48 = arith.select %eq3A_45, %iota3A, %broadcast_in_dim3A_47 : vector<128x128xi1>, vector<128x128xi32>
    %reduce_min3A_49 = arith.constant dense<2147483647> : vector<128xi32>
    %reduce_min3A_50 = vector.multi_reduction <minsi>, %select_n3A_48, %reduce_min3A_49 [1] : vector<128x128xi32> to vector<128xi32>
    %broadcast_in_dim3A_51 = vector.shape_cast %reduce_min3A_50 : vector<128xi32> to vector<128x1xi32>
    %eq3A_52 = vector.broadcast %broadcast_in_dim3A_51 : vector<128x1xi32> to vector<128x128xi32>
    %eq3A_53 = arith.cmpi eq, %iota3A, %eq3A_52 : vector<128x128xi32>
    %jit3A_54 = arith.constant 0x7F800000 : f32
    %broadcast_in_dim3A_55 = vector.broadcast %jit3A_54 : f32 to vector<128x128xf32>
    %select_n3A_56 = arith.select %eq3A_53, %broadcast_in_dim3A_55, %select_n3A_40 : vector<128x128xi1>, vector<128x128xf32>
    %reduce_min3A_57 = arith.constant dense<0x7F800000> : vector<128xf32>
    %reduce_min3A_58 = vector.multi_reduction <minimumf>, %select_n3A_56, %reduce_min3A_57 [1] : vector<128x128xf32> to vector<128xf32>
    %broadcast_in_dim3A_59 = vector.shape_cast %reduce_min3A_58 : vector<128xf32> to vector<128x1xf32>
    %eq3A_60 = vector.broadcast %broadcast_in_dim3A_59 : vector<128x1xf32> to vector<128x128xf32>
    %eq3A_61 = arith.cmpf oeq, %select_n3A_56, %eq3A_60 : vector<128x128xf32>
    %jit3A_62 = arith.constant 128 : i32
    %broadcast_in_dim3A_63 = vector.broadcast %jit3A_62 : i32 to vector<128x128xi32>
    %select_n3A_64 = arith.select %eq3A_61, %iota3A, %broadcast_in_dim3A_63 : vector<128x128xi1>, vector<128x128xi32>
    %reduce_min3A_65 = arith.constant dense<2147483647> : vector<128xi32>
    %reduce_min3A_66 = vector.multi_reduction <minsi>, %select_n3A_64, %reduce_min3A_65 [1] : vector<128x128xi32> to vector<128xi32>
    %broadcast_in_dim3A_67 = vector.shape_cast %reduce_min3A_66 : vector<128xi32> to vector<128x1xi32>
    %eq3A_68 = vector.broadcast %broadcast_in_dim3A_67 : vector<128x1xi32> to vector<128x128xi32>
    %eq3A_69 = arith.cmpi eq, %iota3A, %eq3A_68 : vector<128x128xi32>
    %jit3A_70 = arith.constant 0x7F800000 : f32
    %broadcast_in_dim3A_71 = vector.broadcast %jit3A_70 : f32 to vector<128x128xf32>
    %select_n3A_72 = arith.select %eq3A_69, %broadcast_in_dim3A_71, %select_n3A_56 : vector<128x128xi1>, vector<128x128xf32>
    %reduce_min3A_73 = arith.constant dense<0x7F800000> : vector<128xf32>
    %reduce_min3A_74 = vector.multi_reduction <minimumf>, %select_n3A_72, %reduce_min3A_73 [1] : vector<128x128xf32> to vector<128xf32>
    %broadcast_in_dim3A_75 = vector.shape_cast %reduce_min3A_74 : vector<128xf32> to vector<128x1xf32>
    %eq3A_76 = vector.broadcast %broadcast_in_dim3A_75 : vector<128x1xf32> to vector<128x128xf32>
    %eq3A_77 = arith.cmpf oeq, %select_n3A_72, %eq3A_76 : vector<128x128xf32>
    %jit3A_78 = arith.constant 128 : i32
    %broadcast_in_dim3A_79 = vector.broadcast %jit3A_78 : i32 to vector<128x128xi32>
    %select_n3A_80 = arith.select %eq3A_77, %iota3A, %broadcast_in_dim3A_79 : vector<128x128xi1>, vector<128x128xi32>
    %reduce_min3A_81 = arith.constant dense<2147483647> : vector<128xi32>
    %reduce_min3A_82 = vector.multi_reduction <minsi>, %select_n3A_80, %reduce_min3A_81 [1] : vector<128x128xi32> to vector<128xi32>
    %broadcast_in_dim3A_83 = vector.shape_cast %reduce_min3A_82 : vector<128xi32> to vector<128x1xi32>
    %eq3A_84 = vector.broadcast %broadcast_in_dim3A_83 : vector<128x1xi32> to vector<128x128xi32>
    %eq3A_85 = arith.cmpi eq, %iota3A, %eq3A_84 : vector<128x128xi32>
    %jit3A_86 = arith.constant 0x7F800000 : f32
    %broadcast_in_dim3A_87 = vector.broadcast %jit3A_86 : f32 to vector<128x128xf32>
    %select_n3A_88 = arith.select %eq3A_85, %broadcast_in_dim3A_87, %select_n3A_72 : vector<128x128xi1>, vector<128x128xf32>
    %reduce_min3A_89 = arith.constant dense<0x7F800000> : vector<128xf32>
    %reduce_min3A_90 = vector.multi_reduction <minimumf>, %select_n3A_88, %reduce_min3A_89 [1] : vector<128x128xf32> to vector<128xf32>
    %broadcast_in_dim3A_91 = vector.shape_cast %reduce_min3A_90 : vector<128xf32> to vector<128x1xf32>
    %eq3A_92 = vector.broadcast %broadcast_in_dim3A_91 : vector<128x1xf32> to vector<128x128xf32>
    %eq3A_93 = arith.cmpf oeq, %select_n3A_88, %eq3A_92 : vector<128x128xf32>
    %jit3A_94 = arith.constant 128 : i32
    %broadcast_in_dim3A_95 = vector.broadcast %jit3A_94 : i32 to vector<128x128xi32>
    %select_n3A_96 = arith.select %eq3A_93, %iota3A, %broadcast_in_dim3A_95 : vector<128x128xi1>, vector<128x128xi32>
    %reduce_min3A_97 = arith.constant dense<2147483647> : vector<128xi32>
    %reduce_min3A_98 = vector.multi_reduction <minsi>, %select_n3A_96, %reduce_min3A_97 [1] : vector<128x128xi32> to vector<128xi32>
    %broadcast_in_dim3A_99 = vector.shape_cast %reduce_min3A_98 : vector<128xi32> to vector<128x1xi32>
    %eq3A_100 = vector.broadcast %broadcast_in_dim3A_99 : vector<128x1xi32> to vector<128x128xi32>
    %eq3A_101 = arith.cmpi eq, %iota3A, %eq3A_100 : vector<128x128xi32>
    %jit3A_102 = arith.constant 0x7F800000 : f32
    %broadcast_in_dim3A_103 = vector.broadcast %jit3A_102 : f32 to vector<128x128xf32>
    %select_n3A_104 = arith.select %eq3A_101, %broadcast_in_dim3A_103, %select_n3A_88 : vector<128x128xi1>, vector<128x128xf32>
    %reduce_min3A_105 = arith.constant dense<0x7F800000> : vector<128xf32>
    %reduce_min3A_106 = vector.multi_reduction <minimumf>, %select_n3A_104, %reduce_min3A_105 [1] : vector<128x128xf32> to vector<128xf32>
    %broadcast_in_dim3A_107 = vector.shape_cast %reduce_min3A_106 : vector<128xf32> to vector<128x1xf32>
    %eq3A_108 = vector.broadcast %broadcast_in_dim3A_107 : vector<128x1xf32> to vector<128x128xf32>
    %eq3A_109 = arith.cmpf oeq, %select_n3A_104, %eq3A_108 : vector<128x128xf32>
    %jit3A_110 = arith.constant 128 : i32
    %broadcast_in_dim3A_111 = vector.broadcast %jit3A_110 : i32 to vector<128x128xi32>
    %select_n3A_112 = arith.select %eq3A_109, %iota3A, %broadcast_in_dim3A_111 : vector<128x128xi1>, vector<128x128xi32>
    %reduce_min3A_113 = arith.constant dense<2147483647> : vector<128xi32>
    %reduce_min3A_114 = vector.multi_reduction <minsi>, %select_n3A_112, %reduce_min3A_113 [1] : vector<128x128xi32> to vector<128xi32>
    %broadcast_in_dim3A_115 = vector.shape_cast %reduce_min3A_114 : vector<128xi32> to vector<128x1xi32>
    %eq3A_116 = vector.broadcast %broadcast_in_dim3A_115 : vector<128x1xi32> to vector<128x128xi32>
    %eq3A_117 = arith.cmpi eq, %iota3A, %eq3A_116 : vector<128x128xi32>
    %jit3A_118 = arith.constant 0x7F800000 : f32
    %broadcast_in_dim3A_119 = vector.broadcast %jit3A_118 : f32 to vector<128x128xf32>
    %select_n3A_120 = arith.select %eq3A_117, %broadcast_in_dim3A_119, %select_n3A_104 : vector<128x128xi1>, vector<128x128xf32>
    %reduce_min3A_121 = arith.constant dense<0x7F800000> : vector<128xf32>
    %reduce_min3A_122 = vector.multi_reduction <minimumf>, %select_n3A_120, %reduce_min3A_121 [1] : vector<128x128xf32> to vector<128xf32>
    %broadcast_in_dim3A_123 = vector.shape_cast %reduce_min3A_122 : vector<128xf32> to vector<128x1xf32>
    %eq3A_124 = vector.broadcast %broadcast_in_dim3A_123 : vector<128x1xf32> to vector<128x128xf32>
    %eq3A_125 = arith.cmpf oeq, %select_n3A_120, %eq3A_124 : vector<128x128xf32>
    %jit3A_126 = arith.constant 128 : i32
    %broadcast_in_dim3A_127 = vector.broadcast %jit3A_126 : i32 to vector<128x128xi32>
    %select_n3A_128 = arith.select %eq3A_125, %iota3A, %broadcast_in_dim3A_127 : vector<128x128xi1>, vector<128x128xi32>
    %reduce_min3A_129 = arith.constant dense<2147483647> : vector<128xi32>
    %reduce_min3A_130 = vector.multi_reduction <minsi>, %select_n3A_128, %reduce_min3A_129 [1] : vector<128x128xi32> to vector<128xi32>
    %broadcast_in_dim3A_131 = vector.shape_cast %reduce_min3A_130 : vector<128xi32> to vector<128x1xi32>
    %eq3A_132 = vector.broadcast %broadcast_in_dim3A_131 : vector<128x1xi32> to vector<128x128xi32>
    %eq3A_133 = arith.cmpi eq, %iota3A, %eq3A_132 : vector<128x128xi32>
    %jit3A_134 = arith.constant 0x7F800000 : f32
    %broadcast_in_dim3A_135 = vector.broadcast %jit3A_134 : f32 to vector<128x128xf32>
    %select_n3A_136 = arith.select %eq3A_133, %broadcast_in_dim3A_135, %select_n3A_120 : vector<128x128xi1>, vector<128x128xf32>
    %reduce_min3A_137 = arith.constant dense<0x7F800000> : vector<128xf32>
    %reduce_min3A_138 = vector.multi_reduction <minimumf>, %select_n3A_136, %reduce_min3A_137 [1] : vector<128x128xf32> to vector<128xf32>
    %broadcast_in_dim3A_139 = vector.shape_cast %reduce_min3A_138 : vector<128xf32> to vector<128x1xf32>
    %eq3A_140 = vector.broadcast %broadcast_in_dim3A_139 : vector<128x1xf32> to vector<128x128xf32>
    %eq3A_141 = arith.cmpf oeq, %select_n3A_136, %eq3A_140 : vector<128x128xf32>
    %jit3A_142 = arith.constant 128 : i32
    %broadcast_in_dim3A_143 = vector.broadcast %jit3A_142 : i32 to vector<128x128xi32>
    %select_n3A_144 = arith.select %eq3A_141, %iota3A, %broadcast_in_dim3A_143 : vector<128x128xi1>, vector<128x128xi32>
    %reduce_min3A_145 = arith.constant dense<2147483647> : vector<128xi32>
    %reduce_min3A_146 = vector.multi_reduction <minsi>, %select_n3A_144, %reduce_min3A_145 [1] : vector<128x128xi32> to vector<128xi32>
    %broadcast_in_dim3A_147 = vector.shape_cast %reduce_min3A_146 : vector<128xi32> to vector<128x1xi32>
    %eq3A_148 = vector.broadcast %broadcast_in_dim3A_147 : vector<128x1xi32> to vector<128x128xi32>
    %eq3A_149 = arith.cmpi eq, %iota3A, %eq3A_148 : vector<128x128xi32>
    %jit3A_150 = arith.constant 0x7F800000 : f32
    %broadcast_in_dim3A_151 = vector.broadcast %jit3A_150 : f32 to vector<128x128xf32>
    %select_n3A_152 = arith.select %eq3A_149, %broadcast_in_dim3A_151, %select_n3A_136 : vector<128x128xi1>, vector<128x128xf32>
    %reduce_min3A_153 = arith.constant dense<0x7F800000> : vector<128xf32>
    %reduce_min3A_154 = vector.multi_reduction <minimumf>, %select_n3A_152, %reduce_min3A_153 [1] : vector<128x128xf32> to vector<128xf32>
    %broadcast_in_dim3A_155 = vector.shape_cast %reduce_min3A_154 : vector<128xf32> to vector<128x1xf32>
    %eq3A_156 = vector.broadcast %broadcast_in_dim3A_155 : vector<128x1xf32> to vector<128x128xf32>
    %eq3A_157 = arith.cmpf oeq, %select_n3A_152, %eq3A_156 : vector<128x128xf32>
    %jit3A_158 = arith.constant 128 : i32
    %broadcast_in_dim3A_159 = vector.broadcast %jit3A_158 : i32 to vector<128x128xi32>
    %select_n3A_160 = arith.select %eq3A_157, %iota3A, %broadcast_in_dim3A_159 : vector<128x128xi1>, vector<128x128xi32>
    %reduce_min3A_161 = arith.constant dense<2147483647> : vector<128xi32>
    %reduce_min3A_162 = vector.multi_reduction <minsi>, %select_n3A_160, %reduce_min3A_161 [1] : vector<128x128xi32> to vector<128xi32>
    %broadcast_in_dim3A_163 = vector.shape_cast %reduce_min3A_162 : vector<128xi32> to vector<128x1xi32>
    %eq3A_164 = vector.broadcast %broadcast_in_dim3A_163 : vector<128x1xi32> to vector<128x128xi32>
    %eq3A_165 = arith.cmpi eq, %iota3A, %eq3A_164 : vector<128x128xi32>
    %jit3A_166 = arith.constant 0x7F800000 : f32
    %broadcast_in_dim3A_167 = vector.broadcast %jit3A_166 : f32 to vector<128x128xf32>
    %select_n3A_168 = arith.select %eq3A_165, %broadcast_in_dim3A_167, %select_n3A_152 : vector<128x128xi1>, vector<128x128xf32>
    %reduce_min3A_169 = arith.constant dense<0x7F800000> : vector<128xf32>
    %reduce_min3A_170 = vector.multi_reduction <minimumf>, %select_n3A_168, %reduce_min3A_169 [1] : vector<128x128xf32> to vector<128xf32>
    %broadcast_in_dim3A_171 = vector.shape_cast %reduce_min3A_170 : vector<128xf32> to vector<128x1xf32>
    %eq3A_172 = vector.broadcast %broadcast_in_dim3A_171 : vector<128x1xf32> to vector<128x128xf32>
    %eq3A_173 = arith.cmpf oeq, %select_n3A_168, %eq3A_172 : vector<128x128xf32>
    %jit3A_174 = arith.constant 128 : i32
    %broadcast_in_dim3A_175 = vector.broadcast %jit3A_174 : i32 to vector<128x128xi32>
    %select_n3A_176 = arith.select %eq3A_173, %iota3A, %broadcast_in_dim3A_175 : vector<128x128xi1>, vector<128x128xi32>
    %reduce_min3A_177 = arith.constant dense<2147483647> : vector<128xi32>
    %reduce_min3A_178 = vector.multi_reduction <minsi>, %select_n3A_176, %reduce_min3A_177 [1] : vector<128x128xi32> to vector<128xi32>
    %broadcast_in_dim3A_179 = vector.shape_cast %reduce_min3A_178 : vector<128xi32> to vector<128x1xi32>
    %eq3A_180 = vector.broadcast %broadcast_in_dim3A_179 : vector<128x1xi32> to vector<128x128xi32>
    %eq3A_181 = arith.cmpi eq, %iota3A, %eq3A_180 : vector<128x128xi32>
    %jit3A_182 = arith.constant 0x7F800000 : f32
    %broadcast_in_dim3A_183 = vector.broadcast %jit3A_182 : f32 to vector<128x128xf32>
    %select_n3A_184 = arith.select %eq3A_181, %broadcast_in_dim3A_183, %select_n3A_168 : vector<128x128xi1>, vector<128x128xf32>
    %reduce_min3A_185 = arith.constant dense<0x7F800000> : vector<128xf32>
    %reduce_min3A_186 = vector.multi_reduction <minimumf>, %select_n3A_184, %reduce_min3A_185 [1] : vector<128x128xf32> to vector<128xf32>
    %broadcast_in_dim3A_187 = vector.shape_cast %reduce_min3A_186 : vector<128xf32> to vector<128x1xf32>
    %eq3A_188 = vector.broadcast %broadcast_in_dim3A_187 : vector<128x1xf32> to vector<128x128xf32>
    %eq3A_189 = arith.cmpf oeq, %select_n3A_184, %eq3A_188 : vector<128x128xf32>
    %jit3A_190 = arith.constant 128 : i32
    %broadcast_in_dim3A_191 = vector.broadcast %jit3A_190 : i32 to vector<128x128xi32>
    %select_n3A_192 = arith.select %eq3A_189, %iota3A, %broadcast_in_dim3A_191 : vector<128x128xi1>, vector<128x128xi32>
    %reduce_min3A_193 = arith.constant dense<2147483647> : vector<128xi32>
    %reduce_min3A_194 = vector.multi_reduction <minsi>, %select_n3A_192, %reduce_min3A_193 [1] : vector<128x128xi32> to vector<128xi32>
    %broadcast_in_dim3A_195 = vector.shape_cast %reduce_min3A_194 : vector<128xi32> to vector<128x1xi32>
    %eq3A_196 = vector.broadcast %broadcast_in_dim3A_195 : vector<128x1xi32> to vector<128x128xi32>
    %eq3A_197 = arith.cmpi eq, %iota3A, %eq3A_196 : vector<128x128xi32>
    %jit3A_198 = arith.constant 0x7F800000 : f32
    %broadcast_in_dim3A_199 = vector.broadcast %jit3A_198 : f32 to vector<128x128xf32>
    %select_n3A_200 = arith.select %eq3A_197, %broadcast_in_dim3A_199, %select_n3A_184 : vector<128x128xi1>, vector<128x128xf32>
    %reduce_min3A_201 = arith.constant dense<0x7F800000> : vector<128xf32>
    %reduce_min3A_202 = vector.multi_reduction <minimumf>, %select_n3A_200, %reduce_min3A_201 [1] : vector<128x128xf32> to vector<128xf32>
    %broadcast_in_dim3A_203 = vector.shape_cast %reduce_min3A_202 : vector<128xf32> to vector<128x1xf32>
    %eq3A_204 = vector.broadcast %broadcast_in_dim3A_203 : vector<128x1xf32> to vector<128x128xf32>
    %eq3A_205 = arith.cmpf oeq, %select_n3A_200, %eq3A_204 : vector<128x128xf32>
    %jit3A_206 = arith.constant 128 : i32
    %broadcast_in_dim3A_207 = vector.broadcast %jit3A_206 : i32 to vector<128x128xi32>
    %select_n3A_208 = arith.select %eq3A_205, %iota3A, %broadcast_in_dim3A_207 : vector<128x128xi1>, vector<128x128xi32>
    %reduce_min3A_209 = arith.constant dense<2147483647> : vector<128xi32>
    %reduce_min3A_210 = vector.multi_reduction <minsi>, %select_n3A_208, %reduce_min3A_209 [1] : vector<128x128xi32> to vector<128xi32>
    %broadcast_in_dim3A_211 = vector.shape_cast %reduce_min3A_210 : vector<128xi32> to vector<128x1xi32>
    %eq3A_212 = vector.broadcast %broadcast_in_dim3A_211 : vector<128x1xi32> to vector<128x128xi32>
    %eq3A_213 = arith.cmpi eq, %iota3A, %eq3A_212 : vector<128x128xi32>
    %jit3A_214 = arith.constant 0x7F800000 : f32
    %broadcast_in_dim3A_215 = vector.broadcast %jit3A_214 : f32 to vector<128x128xf32>
    %select_n3A_216 = arith.select %eq3A_213, %broadcast_in_dim3A_215, %select_n3A_200 : vector<128x128xi1>, vector<128x128xf32>
    %reduce_min3A_217 = arith.constant dense<0x7F800000> : vector<128xf32>
    %reduce_min3A_218 = vector.multi_reduction <minimumf>, %select_n3A_216, %reduce_min3A_217 [1] : vector<128x128xf32> to vector<128xf32>
    %broadcast_in_dim3A_219 = vector.shape_cast %reduce_min3A_218 : vector<128xf32> to vector<128x1xf32>
    %eq3A_220 = vector.broadcast %broadcast_in_dim3A_219 : vector<128x1xf32> to vector<128x128xf32>
    %eq3A_221 = arith.cmpf oeq, %select_n3A_216, %eq3A_220 : vector<128x128xf32>
    %jit3A_222 = arith.constant 128 : i32
    %broadcast_in_dim3A_223 = vector.broadcast %jit3A_222 : i32 to vector<128x128xi32>
    %select_n3A_224 = arith.select %eq3A_221, %iota3A, %broadcast_in_dim3A_223 : vector<128x128xi1>, vector<128x128xi32>
    %reduce_min3A_225 = arith.constant dense<2147483647> : vector<128xi32>
    %reduce_min3A_226 = vector.multi_reduction <minsi>, %select_n3A_224, %reduce_min3A_225 [1] : vector<128x128xi32> to vector<128xi32>
    %broadcast_in_dim3A_227 = vector.shape_cast %reduce_min3A_226 : vector<128xi32> to vector<128x1xi32>
    %eq3A_228 = vector.broadcast %broadcast_in_dim3A_227 : vector<128x1xi32> to vector<128x128xi32>
    %eq3A_229 = arith.cmpi eq, %iota3A, %eq3A_228 : vector<128x128xi32>
    %jit3A_230 = arith.constant 0x7F800000 : f32
    %broadcast_in_dim3A_231 = vector.broadcast %jit3A_230 : f32 to vector<128x128xf32>
    %select_n3A_232 = arith.select %eq3A_229, %broadcast_in_dim3A_231, %select_n3A_216 : vector<128x128xi1>, vector<128x128xf32>
    %reduce_min3A_233 = arith.constant dense<0x7F800000> : vector<128xf32>
    %reduce_min3A_234 = vector.multi_reduction <minimumf>, %select_n3A_232, %reduce_min3A_233 [1] : vector<128x128xf32> to vector<128xf32>
    %broadcast_in_dim3A_235 = vector.shape_cast %reduce_min3A_234 : vector<128xf32> to vector<128x1xf32>
    %eq3A_236 = vector.broadcast %broadcast_in_dim3A_235 : vector<128x1xf32> to vector<128x128xf32>
    %eq3A_237 = arith.cmpf oeq, %select_n3A_232, %eq3A_236 : vector<128x128xf32>
    %jit3A_238 = arith.constant 128 : i32
    %broadcast_in_dim3A_239 = vector.broadcast %jit3A_238 : i32 to vector<128x128xi32>
    %select_n3A_240 = arith.select %eq3A_237, %iota3A, %broadcast_in_dim3A_239 : vector<128x128xi1>, vector<128x128xi32>
    %reduce_min3A_241 = arith.constant dense<2147483647> : vector<128xi32>
    %reduce_min3A_242 = vector.multi_reduction <minsi>, %select_n3A_240, %reduce_min3A_241 [1] : vector<128x128xi32> to vector<128xi32>
    %broadcast_in_dim3A_243 = vector.shape_cast %reduce_min3A_242 : vector<128xi32> to vector<128x1xi32>
    %eq3A_244 = vector.broadcast %broadcast_in_dim3A_243 : vector<128x1xi32> to vector<128x128xi32>
    %eq3A_245 = arith.cmpi eq, %iota3A, %eq3A_244 : vector<128x128xi32>
    %jit3A_246 = arith.constant 0x7F800000 : f32
    %broadcast_in_dim3A_247 = vector.broadcast %jit3A_246 : f32 to vector<128x128xf32>
    %select_n3A_248 = arith.select %eq3A_245, %broadcast_in_dim3A_247, %select_n3A_232 : vector<128x128xi1>, vector<128x128xf32>
    %reduce_min3A_249 = arith.constant dense<0x7F800000> : vector<128xf32>
    %reduce_min3A_250 = vector.multi_reduction <minimumf>, %select_n3A_248, %reduce_min3A_249 [1] : vector<128x128xf32> to vector<128xf32>
    %broadcast_in_dim3A_251 = vector.shape_cast %reduce_min3A_250 : vector<128xf32> to vector<128x1xf32>
    %eq3A_252 = vector.broadcast %broadcast_in_dim3A_251 : vector<128x1xf32> to vector<128x128xf32>
    %eq3A_253 = arith.cmpf oeq, %select_n3A_248, %eq3A_252 : vector<128x128xf32>
    %jit3A_254 = arith.constant 128 : i32
    %broadcast_in_dim3A_255 = vector.broadcast %jit3A_254 : i32 to vector<128x128xi32>
    %select_n3A_256 = arith.select %eq3A_253, %iota3A, %broadcast_in_dim3A_255 : vector<128x128xi1>, vector<128x128xi32>
    %reduce_min3A_257 = arith.constant dense<2147483647> : vector<128xi32>
    %reduce_min3A_258 = vector.multi_reduction <minsi>, %select_n3A_256, %reduce_min3A_257 [1] : vector<128x128xi32> to vector<128xi32>
    %broadcast_in_dim3A_259 = vector.shape_cast %reduce_min3A_258 : vector<128xi32> to vector<128x1xi32>
    %concatenate3A = tpu.concatenate %broadcast_in_dim3A_19, %broadcast_in_dim3A_35, %broadcast_in_dim3A_51, %broadcast_in_dim3A_67, %broadcast_in_dim3A_83, %broadcast_in_dim3A_99, %broadcast_in_dim3A_115, %broadcast_in_dim3A_131, %broadcast_in_dim3A_147, %broadcast_in_dim3A_163, %broadcast_in_dim3A_179, %broadcast_in_dim3A_195, %broadcast_in_dim3A_211, %broadcast_in_dim3A_227, %broadcast_in_dim3A_243, %broadcast_in_dim3A_259 in 1 : vector<128x1xi32>, vector<128x1xi32>, vector<128x1xi32>, vector<128x1xi32>, vector<128x1xi32>, vector<128x1xi32>, vector<128x1xi32>, vector<128x1xi32>, vector<128x1xi32>, vector<128x1xi32>, vector<128x1xi32>, vector<128x1xi32>, vector<128x1xi32>, vector<128x1xi32>, vector<128x1xi32>, vector<128x1xi32> -> vector<128x16xi32>
    %broadcast_in_dim3A_260 = vector.shape_cast %concatenate3A : vector<128x16xi32> to vector<128x16x1xi32>
    %iota3A_261 = tpu.iota {dimensions = array<i32: 2>} : vector<128x16x128xi32>
    %eq3A_262 = vector.broadcast %broadcast_in_dim3A_260 : vector<128x16x1xi32> to vector<128x16x128xi32>
    %eq3A_263 = arith.cmpi eq, %eq3A_262, %iota3A_261 : vector<128x16x128xi32>
    %convert_element_type3A = arith.extui %eq3A_263 : vector<128x16x128xi1> to vector<128x16x128xi32>
    %convert_element_type3A_264 = arith.sitofp %convert_element_type3A : vector<128x16x128xi32> to vector<128x16x128xf32>
    %dot_general3A_265 = arith.constant dense<0.000000e+00> : vector<128x16x128xf32>
    %dot_general3A_266 = tpu.matmul %convert_element_type3A_264, %reshape3A, %dot_general3A_265 {dimension_numbers = #tpu.dot_dimension_numbers<[2], [1], [1], [2], [0, 0, 0, 1, 1, 2], [0], [0]>, precision = #tpu.contract_precision<fp32>, transpose_lhs_hint = false} : vector<128x16x128xf32>, vector<128x128x128xf32>, vector<128x16x128xf32> -> vector<128x16x128xf32>
    %reshape3A_267 = vector.shape_cast %dot_general3A_266 : vector<128x16x128xf32> to vector<2048x128xf32>
    %swap3A = arith.constant 0 : index
    %swap3A_268 = arith.constant 0 : index
    %swap3A_269 = vector.load %arg2[%swap3A, %swap3A_268] : memref<2048x128xf32, #tpu.memory_space<vmem>>, vector<2048x128xf32>
    tpu.vector_store %arg2[%swap3A, %swap3A_268], %reshape3A_267 {strides = array<i32>} : memref<2048x128xf32, #tpu.memory_space<vmem>>, vector<2048x128xf32>,
    %swap3A_270 = arith.constant 0 : index
    %swap3A_271 = arith.constant 0 : index
    %swap3A_272 = vector.load %arg3[%swap3A_270, %swap3A_271] : memref<128x16xi32, #tpu.memory_space<vmem>>, vector<128x16xi32>
    tpu.vector_store %arg3[%swap3A_270, %swap3A_271], %concatenate3A {strides = array<i32>} : memref<128x16xi32, #tpu.memory_space<vmem>>, vector<128x16xi32>,
    %broadcast_in_dim3A_273 = vector.shape_cast %broadcast_in_dim3A_251 : vector<128x1xf32> to vector<128x1xf32>
    %broadcast_in_dim3A_274 = vector.broadcast %broadcast_in_dim3A_273 : vector<128x1xf32> to vector<128x16xf32>
    %swap3A_275 = arith.constant 0 : index
    %swap3A_276 = arith.constant 0 : index
    %swap3A_277 = vector.load %arg4[%swap3A_275, %swap3A_276] : memref<128x16xf32, #tpu.memory_space<vmem>>, vector<128x16xf32>
    tpu.vector_store %arg4[%swap3A_275, %swap3A_276], %broadcast_in_dim3A_274 {strides = array<i32>} : memref<128x16xf32, #tpu.memory_space<vmem>>, vector<128x16xf32>,
    return
  }
}

</mosaic_0001>

<sc_bundles>
// kernel: kernel.4.cloned.1.call-start
scs
__scs_entry_jumppad:
0x0: {  	(pc) =	sbr.rel $0x88, $3  }
0x1: {  	(tag) =	ssettag $0x0;
	lr =	simm.s32 $0x1  }
0x2: {  	[smem:$0x3F9E] =	sst lr;
	_ =	strace $0xD0000000  }
0x3: {  	_ = 	snop  }
0x4: {  	_ = 	snop  }
0x5: {  	_ = 	snop  }
0x6: {  	_ = 	snop  }
0x7: {  	_ = 	snop  }
__scs_overlays_trampoline_lowered:
0x8: {  	[smem:$0x3FAD] =	sst s0  }
0x9: {  	[smem:$0x3FAE] =	sst s1  }
0xa: {  	[smem:$0x3FAF] =	sst s2  }
0xb: {  	[smem:$0x3FB0] =	sst s3  }
0xc: {  	[smem:$0x3FB1] =	sst s4  }
0xd: {  	[smem:$0x3FB2] =	sst s5  }
0xe: {  	[smem:$0x3FB3] =	sst s6  }
0xf: {  	[smem:$0x3FB4] =	sst s7  }
0x10: {  	[smem:$0x3FB5] =	sst s8  }
0x11: {  	[smem:$0x3FB6] =	sst s9;
	s0 =	simm.s32 @!p0 $0x0  }
0x12: {  	s1 =	sld [smem:$0x3F9C];
	s0 =	simm.s32 @p0 $0x1  }
0x13: {  	[smem:$0x3FB7] =	sst s0;
	s0 =	simm.s32 @!p1 $0x0  }
0x14: {  	s2 =	sld [smem:$0x3F9B];
	s0 =	simm.s32 @p1 $0x1  }
0x15: {  	[smem:$0x3FB8] =	sst s0;
	s0 =	simm.s32 @!p2 $0x0  }
0x16: {  	s3 =	sld [smem:$0x3FDB];
	s0 =	simm.s32 @p2 $0x1  }
0x17: {  	s4 =	simm.s32 $0x1BF5;
	[smem:$0x3FBA] =	sst s0  }
0x18: {  	s0 =	sld [smem:$0x3F9D];
	_ =	swait.ge [sflag:s4], $0x0  }
0x19: {  	s7 =	sld [smem:$0x3F9E]  }
0x1a: {  	s8 =	sadd.s32 $0xFFFFE003, lr  }
0x1b: {  	s9 =	sadd.s32 $0xFFFFFEF7, lr;
	s5 =	simm.s32 $0xFFFFFFFF;
	p2 =	slt.u32 s8, $0xFFFFF086  }
0x1c: {  	p1 =	slt.u32 s9, $0xF7A;
	s5 =	simm.s32 @!p2 $0x0  }
0x1d: {  	s5 =	simm.s32 @p1 $0x1;
	p0 =	seq.s32 s7, s2  }
0x1e: {  	s7 =	smul.u32 @!p0 $0xF7A, s2;
	p2 =	seq.s32 @!p0 s5, $0x0  }
0x1f: {  	s9 =	smul.u32 $0xF7A, s1;
	s8 =	simm.s32 @!p0 $0x1BF5;
	p2 =	por !p2, p0  }
0x20: {  	[sflag:s8] =	ssyncset.s32 @!p0 $0xFFFFF086;
	s6 =	sadd.s32 @!p0 s3, s7;
	s7 =	simm.s32 @!p0 $0x108  }
0x21: {  	s3 =	sadd.s32 s3, s9;
	s6 =	sadd.s32 @!p0 $0x88, s6;
	s7 =	simm.s32 @p2 $0x1082  }
0x22: {  	[simem:s7], [sflag:s8] =	dma.local @!p0 [hbm:s6], $0xF7A  }
0x23: {  	s9 =	sor.u32 $0xD0000000, s2;
	s6 =	simm.s32 $0x108;
	_ =	swait.ge @!p0 [sflag:s8], $0x0  }
0x24: {  	s3 =	sadd.s32 $0x88, s3;
	s6 =	simm.s32 @!p1 $0x1082;
	[sflag:s4] =	ssyncset.s32 $0xFFFFF086  }
0x25: {  	[simem:s6], [sflag:s4] =	dma.local [hbm:s3], $0xF7A  }
0x26: {  	[smem:$0x3F9E] =	sst s1;
	(tag) =	ssettag s2;
	_ =	strace s9  }
0x27: {  	s1 =	sld [smem:$0x3FAE]  }
0x28: {  	s2 =	sld [smem:$0x3FAF]  }
0x29: {  	s4 =	sld [smem:$0x3FB1]  }
0x2a: {  	p0 =	seq.s32 s5, $0x0;
	s5 =	sld [smem:$0x3FB2]  }
0x2b: {  	s6 =	sld [smem:$0x3FB3]  }
0x2c: {  	s7 =	sld [smem:$0x3FB4]  }
0x2d: {  	s3 =	simm.s32 $0x108;
	s8 =	sld [smem:$0x3FB5]  }
0x2e: {  	s3 =	simm.s32 @!p0 $0x1082;
	s9 =	sld [smem:$0x3FB6]  }
0x2f: {  	lr =	sadd.s32 s0, s3;
	s0 =	sld [smem:$0x3FAD]  }
0x30: {  	s3 =	sld [smem:$0x3FB0]  }
0x31: {  	[smem:$0x3FB9] =	sst s10  }
0x32: {  	s10 =	sld [smem:$0x3FB7];
	_ =	sdelay $0x3  }
0x33: {  	p0 =	seq.s32 s10, $0x1;
	s10 =	sld [smem:$0x3FB9];
	_ =	sdelay $0x3  }
0x34: {  	[smem:$0x3FB9] =	sst s10  }
0x35: {  	s10 =	sld [smem:$0x3FB8];
	_ =	sdelay $0x3  }
0x36: {  	p1 =	seq.s32 s10, $0x1;
	s10 =	sld [smem:$0x3FB9];
	_ =	sdelay $0x3  }
0x37: {  	[smem:$0x3FB9] =	sst s10  }
0x38: {  	s10 =	sld [smem:$0x3FBA]  }
0x39: {  	_ = 	snop;
	(pc) =	sbr.ind lr, $3  }
0x3a: {  	_ = 	snop  }
0x3b: {  	_ = 	snop  }
0x3c: {  	p2 =	seq.s32 s10, $0x1;
	s10 =	sld [smem:$0x3FB9]  }
0x3d: {  	_ =	shalt  }
0x3e: {  	_ =	shalt  }
0x3f: {  	_ =	shalt  }
0x40: {  	_ =	shalt  }
0x41: {  	_ =	shalt  }
0x42: {  	_ =	shalt  }
0x43: {  	_ =	shalt  }
0x44: {  	_ =	shalt  }
0x45: {  	_ =	shalt  }
0x46: {  	_ =	shalt  }
0x47: {  	_ =	shalt  }
0x48: {  	_ =	shalt  }
0x49: {  	_ =	shalt  }
0x4a: {  	_ =	shalt  }
0x4b: {  	_ =	shalt  }
0x4c: {  	_ =	shalt  }
0x4d: {  	_ =	shalt  }
0x4e: {  	_ =	shalt  }
0x4f: {  	_ =	shalt  }
0x50: {  	_ =	shalt  }
0x51: {  	_ =	shalt  }
0x52: {  	_ =	shalt  }
0x53: {  	_ =	shalt  }
0x54: {  	_ =	shalt  }
0x55: {  	_ =	shalt  }
0x56: {  	_ =	shalt  }
0x57: {  	_ =	shalt  }
0x58: {  	_ =	shalt  }
0x59: {  	_ =	shalt  }
0x5a: {  	_ =	shalt  }
0x5b: {  	_ =	shalt  }
0x5c: {  	_ =	shalt  }
0x5d: {  	_ =	shalt  }
0x5e: {  	_ =	shalt  }
0x5f: {  	_ =	shalt  }
0x60: {  	_ =	shalt  }
0x61: {  	_ =	shalt  }
0x62: {  	_ =	shalt  }
0x63: {  	_ =	shalt  }
0x64: {  	_ =	shalt  }
0x65: {  	_ =	shalt  }
0x66: {  	_ =	shalt  }
0x67: {  	_ =	shalt  }
0x68: {  	_ =	shalt  }
0x69: {  	_ =	shalt  }
0x6a: {  	_ =	shalt  }
0x6b: {  	_ =	shalt  }
0x6c: {  	_ =	shalt  }
0x6d: {  	_ =	shalt  }
0x6e: {  	_ =	shalt  }
0x6f: {  	_ =	shalt  }
0x70: {  	_ =	shalt  }
0x71: {  	_ =	shalt  }
0x72: {  	_ =	shalt  }
0x73: {  	_ =	shalt  }
0x74: {  	_ =	shalt  }
0x75: {  	_ =	shalt  }
0x76: {  	_ =	shalt  }
0x77: {  	_ =	shalt  }
0x78: {  	_ =	shalt  }
0x79: {  	_ =	shalt  }
0x7a: {  	_ =	shalt  }
0x7b: {  	_ =	shalt  }
0x7c: {  	_ =	shalt  }
0x7d: {  	_ =	shalt  }
0x7e: {  	_ =	shalt  }
0x7f: {  	_ =	shalt  }
0x80: {  	_ =	shalt  }
0x81: {  	_ =	shalt  }
0x82: {  	_ =	shalt  }
0x83: {  	_ =	shalt  }
0x84: {  	_ =	shalt  }
0x85: {  	_ =	shalt  }
0x86: {  	_ =	shalt  }
0x87: {  	_ =	shalt  }
.Lfunc_end0:
.L_simem_size_0:
called_computation_lowered:
.L_overlay_start_0:
0x88: {  	s2 =	sld [smem:$0x3FD9]  }
0x89: {  	s3 =	sld [smem:$0x3FFE];
	_ =	sdelay $0x1  }
0x8a: {  	s1 =	srdreg.scid  }
0x8b: {  	s0 =	sand.u32 $0x1, s1  }
0x8c: {  	s17 =	sshll.u32 s0, $0xA;
	s2 =	sadd.s32 s3, s2  }
0x8d: {  	s2 =	sadd.s32 s2, s17  }
0x8e: {  	[smem:$0x3FC5] =	sst s2  }
0x8f: {  	_ = 	snop  }
0x90: {  	s2 =	sld [smem:$0x3FC7];
	(tm) =	ssettm $0x1  }
0x91: {  	s18 =	sld [smem:$0x3FFB];
	_ =	sdelay $0x3  }
0x92: {  	_ =	strace s18  }
0x93: {  	s3 =	sld [smem:$0x3FFC];
	_ =	sdelay $0x3  }
0x94: {  	_ =	strace s3  }
0x95: {  	s3 =	sld [smem:$0x3FFD];
	_ =	sdelay $0x3  }
0x96: {  	_ =	strace s3  }
0x97: {  	_ =	strace $0x8FFFFFFF  }
0x98: {  	s19 =	sld [smem:$0x3FDB];
	_ =	sdelay $0x1  }
0x99: {  	s4 =	simm.s32 $_scs_section_size  }
0x9a: {  	s5 =	simm.s32 $_size__tile_overlayer_lowered;
	s6 =	simm.s32 $_tile_overlayer_lowered  }
0x9b: {  	s22 =	simm.s32 $0x1BFF;
	s21 =	sshll.u32 s6, $0x1;
	s3 =	sadd.s32 s4, s19  }
0x9c: {  	s7 =	simm.s32 $0x0;
	s20 =	sshll.u32 s5, $0x1;
	s5 =	sadd.s32 s21, s3  }
0x9d: {  	[timem:s7], [sflag:s22] =	dma.local [hbm:s5], s20  }
0x9e: {  	_ =	swait.ge [sflag:s22], s20  }
0x9f: {  	s4 =	ssub.s32 $0x0, s20;
	[sflag:s22] =	ssyncset.done $0x0  }
0xa0: {  	[sflag:s22] =	ssyncadd.s32 s4;
	_ =	sdelay $0x1  }
0xa1: {  	s23 =	simm.s32 $0x1B8B  }
0xa2: {  	_ =	swait.ge [sflag:s23], $0x1  }
0xa3: {  	[sflag:s23] =	ssyncset.done $0x0  }
0xa4: {  	s25 =	simm.s32 $0x1B8E;
	s24 =	sld [smem:$0x3FFE];
	[sflag:s23] =	ssyncadd.s32 $0xFFFFFFFF  }
0xa5: {  	s26 =	simm.s32 $execute0_lowered;
	[smem:$0x3FD2] =	sst s25  }
0xa6: {  	s5 =	sshll.u32 s26, $0x1;
	_ =	strace $0x80000046;
	[dreg:$0x1] =	wrdreg $0xFFFFFFFF  }
0xa7: {  	s28 =	simm.s32 $_size_execute0_lowered;
	s3 =	sadd.s32 s3, s5;
	[dreg:$0x0] =	wrdreg $0x0  }
0xa8: {  	s5 =	sshll.u32 s28, $0x1;
	[dreg:$0x2] =	wrdreg s3  }
0xa9: {  	[dreg:$0x3] =	wrdreg s5  }
0xaa: {  	[dreg:$0x4] =	wrdreg $0xC0  }
0xab: {  	_ =	task [dreg:s7], $0x5FFFF  }
0xac: {  	[dreg:$0x1] =	wrdreg $0xFFFFFFFF  }
0xad: {  	[dreg:$0x0] =	wrdreg $0x60  }
0xae: {  	[dreg:$0x2] =	wrdreg s24  }
0xaf: {  	[dreg:$0x3] =	wrdreg s2  }
0xb0: {  	[dreg:$0x4] =	wrdreg $0x9  }
0xb1: {  	_ =	task.clear_ibuf [dreg:s7], $0x5FFFF;
	_ =	strace $0x90000046  }
0xb2: {  	s29 =	simm.s32 $0x9;
	_ =	strace $0x80000048  }
0xb3: {  	_ =	swait.ge [sflag:s29], $0x1  }
0xb4: {  	[sflag:s29] =	ssyncadd.s32 $0xFFFFFFFF  }
0xb5: {  	_ =	strace $0x90000048  }
0xb6: {  	_ =	sfence  }
0xb7: {  	s30 =	sld [smem:$0x0];
	_ =	sdelay $0x2  }
0xb8: {  	s31 =	sshll.u32 s1, $0xD;
	s1 =	sshrl.u32 s1, $0x2  }
0xb9: {  	s3 =	sand.u32 $0x4000, s31;
	s1 =	sadd.s32 s1, s30  }
0xba: {  	s0 =	sor.u32 s3, s0;
	s1 =	sshll.u32 s1, $0x11  }
0xbb: {  	s0 =	sor.u32 s1, s0  }
0xbc: {  	s0 =	sadd.s32 $0x8F2B, s0  }
0xbd: {  	[sflag:s0] =	ssyncadd.remote.s32 $0x1  }
0xbe: {  	_ =	sfence.sel $0xFFFF  }
0xbf: {  	[dreg:$0x0] =	wrdreg $0xFFFFFFFF;
	(pc) =	sbr.abs _section_cstart, $3  }
0xc0: {  	[dreg:$0x1] =	wrdreg $0xFFFFFFFF  }
0xc1: {  	_ =	task.clear_ibuf [dreg:s7], $0x2FFFF;
	_ =	strace $0x9FFFFFFF  }
0xc2: {  	(tm) =	ssettm $0x7FFFFFFF  }
0xc3: {  	_ =	shalt  }
tec
execute0_lowered:
.L_overlay_start_1:
0x0: {  	(tag) =	ssettag $0x1  }
0x1: {  	s4 =	rddreg [dreg:$0x0]  }
0x2: {  	s1 =	srdreg.scid;
	s0 =	stileid.u32  }
0x3: {  	s2 =	rddreg [dreg:$0x1];
	s3 =	simm.s32 $0x0;
	s11 =	simm.s32 $0x3  }
0x4: {  	s12 =	simm.s32 $0x4000;
	s13 =	simm.s32 $0x1;
	s14 =	simm.s32 $0x8200  }
0x5: {  	s15 =	simm.s32 $0x8A80;
	s16 =	simm.s32 $0x2;
	s17 =	simm.s32 $0x9300  }
0x6: {  	v0 =	vimm.s32 $0xFFEDCBA9;
	s18 =	simm.s32 $0x9380;
	s5 =	sand.u32 $0x1, s1;
	s1 =	rddreg [dreg:$0x2]  }
0x7: {  	v1 =	vimm.s32 $0x87654321;
	v2 =	vimm.s32 $0xEDCBA987;
	s19 =	simm.s32 $0x0;
	s6 =	sshll.u32 s0, $0x1;
	[smem:$0x7FF] =	sst s3  }
0x8: {  	v3 =	vimm.s32 $0x65432100;
	v0 =	vunpack.c.l.s4.s8 v0;
	v1 =	vunpack.c.l.s4.s8 v1;
	s31 =	sshll.u32 s0, $0x7;
	s6 =	sor.u32 s5, s6;
	_ =	strace $0x80000047  }
0x9: {  	v2 =	vunpack.c.l.s4.s8 v2;
	v3 =	vunpack.c.l.s4.s8 v3;
	s8 =	sshll.u32 s5, $0x6;
	s5 =	ssub.s32 $0x2, s5;
	s7 =	sshll.u32 s6, $0xA  }
.Ltmp0:
0xa: {  	s8 =	sadd.s32 s8, s4;
	s6 =	sshll.u32 s6, $0x4;
	v4 =	vunpack.c.0.s8.s32 v0;
	v1 =	vunpack.c.0.s8.s32 v1;
	v0 =	vlaneseq.u32;
	(pc) =	sbr.rel .LBB2_1-.Ltmp0, $4  }
0xb: {  	vm0 =	vcmask $0x3F3C;
	s30 =	sshrl.u32 s5, $0x1;
	v2 =	vunpack.c.0.s8.s32 v2;
	s7 =	sadd.s32 s7, s4;
	s9 =	sadd.s32 s6, s4;
	v5 =	vmul.u32 $0xFFFFFFFF, v0  }
0xc: {  	vm1 =	vcmask $0x300;
	v3 =	vunpack.c.0.s8.s32 v3;
	s10 =	ssub.s32 s5, s30;
	s6 =	sadd.s32 s31, s8;
	s4 =	sadd.s32 $0xC00, s7;
	v4 =	vcombine.low v1, v4  }
0xd: {  	s5 =	sadd.s32 $0x9400, s7;
	s6 =	sadd.s32 $0x8C00, s6;
	s7 =	sadd.s32 $0x11400, s9;
	v1 =	vimm.s32 $0x0;
	v6 =	vand.u32 $0xF, v2;
	v2 =	vadd.s32 $0xF, v5  }
0xe: {  	s8 =	smax.u32 s10, $0x1;
	s9 =	simm.s32 $0x4200;
	s10 =	simm.s32 $0x2000;
	v3 =	vcombine.low v3, v6;
	v5 =	vor.u32 $0x80000000, v0;
	v4 =	vand.u32 $0xF, v4  }
.LBB2_35:
0xf: {  	_ = 	snop  }
.LBB2_40:
0x10: {  	v12 =	vperm.xlane @p0 v12, v2;
	v11 =	vperm.xlane @p0 v11, v2;
	v13, v14, _ =	vpop @p1 (xrf1)  }
0x11: {  	v13 =	vpsel p1, v13, v8;
	v14 =	vpsel p1, v14, v7  }
0x12: {  	vm2 =	veq.f32 @p0 v12, v13;
	vm3 =	vlt.s32 @p0 v11, v14  }
0x13: {  	vm4 =	vlt.f32 @p0 v12, v13;
	vm2 =	vmand @p0 vm2, vm3  }
0x14: {  	vm2 =	vmor @p0 vm4, vm2  }
0x15: {  	(xrf1) =	vsort.ascd.msk.f32 $0xffff, v9, v10;
	v9 =	vsel @p0 vm2, v12, v13;
	v10 =	vsel @p0 vm2, v11, v14  }
0x16: {  	(xrf1) =	vsort.ascd.msk.f32 @p0 $0xffff, v9, v10;
	_ =	sdelay $0xc  }
0x17: {  	v9, v10, _ =	vpop (xrf1)  }
0x18: {  	v9 =	vperm.xlane v9, v2;
	v10 =	vperm.xlane v10, v2;
	v11, v12, _ =	vpop @p0 (xrf1)  }
0x19: {  	v8 =	vpsel p0, v11, v8;
	v7 =	vpsel p0, v12, v7  }
0x1a: {  	vm2 =	veq.f32 v9, v8;
	vm3 =	vlt.s32 v10, v7  }
0x1b: {  	vm15 =	vlt.f32 v9, v8;
	vm2 =	vmand vm2, vm3  }
0x1c: {  	vm2 =	vmor vm15, vm2  }
0x1d: {  	v8 =	vsel vm2, v9, v8;
	v7 =	vsel vm2, v10, v7  }
0x1e: {  	(xrf1) =	vsort.ascd.msk.f32 $0xffff, v8, v7;
	_ =	sdelay $0xd  }
0x1f: {  	v8, v7, _ =	vpop (xrf1)  }
.LBB2_41:
0x20: {  	_ =	sdelay $0x3  }
0x21: {  	v7 =	vld.idx.msk [tilespmem:v7+s9+$0x0], $0xffff;
	_ =	sdelay $0x4  }
0x22: {  	v8 =	vxor.u32 $0x80000000, v7  }
0x23: {  	(xrf1) =	vsort.ascd.msk.u32 $0xffff, v8, v7;
	_ =	sdelay $0xd  }
0x24: {  	v7, _, _ =	vpop (xrf1)  }
0x25: {  	v7 =	vxor.u32 $0x80000000, v7  }
0x26: {  	[tilespmem:$0x9300] =	vst v7  }
0x27: {  	v60 =	vld.idx.msk [tilespmem:v4+s17+$0x0], $0xffff;
	_ =	sdelay $0x3  }
0x28: {  	v9 =	vld.idx.msk [tilespmem:v3+s17+$0x0], $0xffff  }
0x29: {  	vm2 =	vne.s32 v7, v60  }
0x2a: {  	vm2 =	vmor vm2, vm0  }
0x2b: {  	v61 =	vsel vm2, $0x1, v1  }
0x2c: {  	v8 =	vperm.xlane v61, v2  }
0x2d: {  	vm2 =	veq.s32 v7, v9  }
0x2e: {  	v9 =	vsel vm2, $0x80000000, v5;
	vm2 =	veq.s32 v8, $0x1  }
0x2f: {  	(xrf0) =	vmax.scan.msk.u32 $0xffff, v9;
	v8 =	vnsel vm2, $0x7FFFFFFF, v5  }
0x30: {  	(xrf0) =	vmax.scan.msk.u32 $0xffff, v8;
	_ =	sdelay $0x4  }
0x31: {  	v62, _, _ =	vpop (xrf0)  }
0x32: {  	v63, _, _ =	vpop (xrf0)  }
0x33: {  	v9 =	vxor.u32 $0x80000000, v63  }
0x34: {  	v9 =	vsub.s32 $0xF, v9  }
0x35: {  	v9 =	vperm.xlane v9, v2;
	_ =	sdelay $0x1  }
0x36: {  	v8 =	vsub.s32 v9, v62  }
0x37: {  	v8 =	vshll.u32 v8, $0xA  }
0x38: {  	v7 =	vsub.s32 v8, v7  }
0x39: {  	v7 =	vadd.s32 $0x800007FF, v7  }
0x3a: {  	(xrf0) =	vmax.scan.msk.u32 $0xffff, v7;
	_ =	sdelay $0x5  }
0x3b: {  	v7, _, _ =	vpop (xrf0)  }
0x3c: {  	(v2sf) =	vpush v7, $0xF;
	_ =	sdelay $0xe  }
0x3d: {  	s20 =	sxor.u32 $0x80000000, s20;
	s21 =	spop (v2sf)  }
0x3e: {  	s22 =	sshra.s32 s20, $0x1F;
	s21 =	sxor.u32 $0x80000000, s21  }
0x3f: {  	s22 =	sshrl.u32 s22, $0x16;
	s23 =	sshra.s32 s21, $0x1F  }
0x40: {  	s22 =	sadd.s32 s22, s20;
	s23 =	sshrl.u32 s23, $0x16  }
0x41: {  	s22 =	sand.u32 $0xFFFFFC00, s22;
	s23 =	sadd.s32 s23, s21  }
0x42: {  	s20 =	ssub.s32 s22, s20;
	s30 =	sand.u32 $0xFFFFFC00, s23  }
0x43: {  	s20 =	sadd.s32 $0x3FF, s20;
	vm2 =	veq.s32 v0, $0x2;
	s21 =	ssub.s32 s30, s21  }
0x44: {  	s19 =	sadd.s32 $0x1, s19;
	v6 =	vsel vm2, s20, v6;
	vm2 =	veq.s32 v0, $0x3;
	s31 =	sadd.s32 $0x3FF, s21  }
0x45: {  	p0 =	sne.s32 s19, s8;
	v6 =	vsel vm2, s31, v6  }
.Ltmp1:
0x46: {  	[tilespmem:$0x9380] =	vst v6;
	(pc) =	sbr.rel @!p0 .LBB2_42-.Ltmp1, $4  }
0x47: {  	[hbm4b:s7+s3] =	stream.linear.scatter [tilespmem:s18], [sflag:$0x3], $0x80, $0x38;
	[tilespmem:$0x9400] =	vst v63  }
0x48: {  	_ =	swait.ge [sflag:s11], $0x80  }
0x49: {  	[sflag:s11] =	ssyncset.done $0x0  }
0x4a: {  	[sflag:s11] =	ssyncadd.s32 $0xFFFFFF80  }
.LBB2_1:
0x4b: {  	[tilespmem:s3], [sflag:$0x1] =	stream.linear.gather [hbm4b:s4+s3], $0x2000, $0x38;
	[tilespmem:$0x9400] =	vst v63  }
0x4c: {  	_ = 	snop  }
0x4d: {  	[tilespmem:s9], [sflag:$0x2] =	stream.linear.gather [hbm4b:s2+s3], $0x4000, $0x38;
	[tilespmem:$0x9400] =	vst v63  }
0x4e: {  	_ = 	snop  }
0x4f: {  	[tilespmem:s10], [sflag:$0x3] =	stream.linear.gather [hbm4b:s5+s3], $0x2000, $0x38;
	[tilespmem:$0x9400] =	vst v63  }
0x50: {  	_ =	swait.ge [sflag:s11], $0x2000  }
0x51: {  	[sflag:s11] =	ssyncset.done $0x0  }
0x52: {  	[sflag:s11] =	ssyncadd.s32 $0xFFFFE000  }
0x53: {  	[tilespmem:s12], [sflag:$0x3] =	stream.linear.gather [hbm4b:s6+s3], $0x200, $0x38;
	[tilespmem:$0x9400] =	vst v63  }
0x54: {  	_ =	swait.ge [sflag:s11], $0x200  }
0x55: {  	[sflag:s11] =	ssyncset.done $0x0  }
0x56: {  	[sflag:s11] =	ssyncadd.s32 $0xFFFFFE00  }
0x57: {  	_ =	swait.ge [sflag:s13], $0x2000  }
0x58: {  	[sflag:s13] =	ssyncset.done $0x0  }
0x59: {  	[sflag:s13] =	ssyncadd.s32 $0xFFFFE000  }
0x5a: {  	s20 =	simm.s32 $0x0;
	v7 =	vimm.s32 $0x0;
	v6 =	vld [tilespmem:$0x4000]  }
.LBB2_2:
0x5b: {  	s21 =	sshra.s32 s20, $0x2  }
0x5c: {  	v8 =	vld [tilespmem:s21+$0x0];
	_ =	sdelay $0x4  }
0x5d: {  	vm2 =	vle.f32 v8, v6  }
0x5e: {  	v9 =	vsel vm2, $0x1, v1  }
0x5f: {  	(xrf0) =	vadd.scan.msk.s32 $0xffff, v9;
	_ =	sdelay $0x5  }
0x60: {  	v9, _, _ =	vpop (xrf0)  }
0x61: {  	v9 =	vadd.s32 v9, v7  }
0x62: {  	v9 =	vadd.s32 $0xFFFFFFFF, v9  }
0x63: {  	v10 =	vld [tilespmem:s21+$0x2000];
	_ =	sdelay $0x3  }
0x64: {  	[tilespmem:v9+s14+$0x0] =	vst.idx.msk vm2, v8  }
0x65: {  	[tilespmem:v9+s15+$0x0] =	vst.idx.msk vm2, v10  }
0x66: {  	v8 =	vld [tilespmem:s21+$0x10];
	_ =	sdelay $0x4  }
0x67: {  	vm3 =	vle.f32 v8, v6  }
0x68: {  	v37 =	vsel vm3, $0x1, v1  }
0x69: {  	(xrf0) =	vadd.scan.msk.s32 $0xffff, v37;
	_ =	sdelay $0x3  }
0x6a: {  	v38 =	vmpcnt.ones.xlane vm2;
	_ =	sdelay $0x1  }
0x6b: {  	v7 =	vadd.s32 v7, v38;
	v39, _, _ =	vpop (xrf0)  }
0x6c: {  	v9 =	vadd.s32 v39, v7  }
0x6d: {  	v9 =	vadd.s32 $0xFFFFFFFF, v9;
	_ =	sdelay $0x4  }
0x6e: {  	v11 =	vadd.s32 $0x10, v10;
	[tilespmem:v9+s14+$0x0] =	vst.idx.msk vm3, v8  }
0x6f: {  	[tilespmem:v9+s15+$0x0] =	vst.idx.msk vm3, v11  }
0x70: {  	v8 =	vld [tilespmem:s21+$0x20];
	_ =	sdelay $0x4  }
0x71: {  	vm2 =	vle.f32 v8, v6  }
0x72: {  	v40 =	vsel vm2, $0x1, v1  }
0x73: {  	(xrf0) =	vadd.scan.msk.s32 $0xffff, v40;
	_ =	sdelay $0x3  }
0x74: {  	v41 =	vmpcnt.ones.xlane vm3;
	_ =	sdelay $0x1  }
0x75: {  	v7 =	vadd.s32 v7, v41;
	v42, _, _ =	vpop (xrf0)  }
0x76: {  	v9 =	vadd.s32 v42, v7  }
0x77: {  	v9 =	vadd.s32 $0xFFFFFFFF, v9;
	_ =	sdelay $0x4  }
0x78: {  	v43 =	vadd.s32 $0x20, v10;
	[tilespmem:v9+s14+$0x0] =	vst.idx.msk vm2, v8  }
0x79: {  	[tilespmem:v9+s15+$0x0] =	vst.idx.msk vm2, v43  }
0x7a: {  	v8 =	vld [tilespmem:s21+$0x30];
	_ =	sdelay $0x4  }
0x7b: {  	vm3 =	vle.f32 v8, v6  }
0x7c: {  	v44 =	vsel vm3, $0x1, v1  }
0x7d: {  	(xrf0) =	vadd.scan.msk.s32 $0xffff, v44;
	_ =	sdelay $0x3  }
0x7e: {  	v45 =	vmpcnt.ones.xlane vm2;
	_ =	sdelay $0x1  }
0x7f: {  	v7 =	vadd.s32 v7, v45;
	v46, _, _ =	vpop (xrf0)  }
0x80: {  	v9 =	vadd.s32 v46, v7  }
0x81: {  	v9 =	vadd.s32 $0xFFFFFFFF, v9;
	_ =	sdelay $0x4  }
0x82: {  	v47 =	vadd.s32 $0x30, v10;
	[tilespmem:v9+s14+$0x0] =	vst.idx.msk vm3, v8  }
0x83: {  	[tilespmem:v9+s15+$0x0] =	vst.idx.msk vm3, v47  }
0x84: {  	v8 =	vld [tilespmem:s21+$0x40];
	_ =	sdelay $0x4  }
0x85: {  	vm2 =	vle.f32 v8, v6  }
0x86: {  	v48 =	vsel vm2, $0x1, v1  }
0x87: {  	(xrf0) =	vadd.scan.msk.s32 $0xffff, v48;
	_ =	sdelay $0x3  }
0x88: {  	v49 =	vmpcnt.ones.xlane vm3;
	_ =	sdelay $0x1  }
0x89: {  	v7 =	vadd.s32 v7, v49;
	v50, _, _ =	vpop (xrf0)  }
0x8a: {  	v9 =	vadd.s32 v50, v7  }
0x8b: {  	v9 =	vadd.s32 $0xFFFFFFFF, v9;
	_ =	sdelay $0x4  }
0x8c: {  	v51 =	vadd.s32 $0x40, v10;
	[tilespmem:v9+s14+$0x0] =	vst.idx.msk vm2, v8  }
0x8d: {  	[tilespmem:v9+s15+$0x0] =	vst.idx.msk vm2, v51  }
0x8e: {  	v8 =	vld [tilespmem:s21+$0x50];
	_ =	sdelay $0x4  }
0x8f: {  	vm3 =	vle.f32 v8, v6  }
0x90: {  	v52 =	vsel vm3, $0x1, v1  }
0x91: {  	(xrf0) =	vadd.scan.msk.s32 $0xffff, v52;
	_ =	sdelay $0x3  }
0x92: {  	v53 =	vmpcnt.ones.xlane vm2;
	_ =	sdelay $0x1  }
0x93: {  	v7 =	vadd.s32 v7, v53;
	v54, _, _ =	vpop (xrf0)  }
0x94: {  	v9 =	vadd.s32 v54, v7  }
0x95: {  	v9 =	vadd.s32 $0xFFFFFFFF, v9;
	_ =	sdelay $0x4  }
0x96: {  	v55 =	vadd.s32 $0x50, v10;
	[tilespmem:v9+s14+$0x0] =	vst.idx.msk vm3, v8  }
0x97: {  	[tilespmem:v9+s15+$0x0] =	vst.idx.msk vm3, v55  }
0x98: {  	v8 =	vld [tilespmem:s21+$0x60];
	_ =	sdelay $0x4  }
0x99: {  	vm2 =	vle.f32 v8, v6  }
0x9a: {  	v56 =	vsel vm2, $0x1, v1  }
0x9b: {  	(xrf0) =	vadd.scan.msk.s32 $0xffff, v56;
	_ =	sdelay $0x3  }
0x9c: {  	v57 =	vmpcnt.ones.xlane vm3;
	_ =	sdelay $0x1  }
0x9d: {  	v7 =	vadd.s32 v7, v57;
	v58, _, _ =	vpop (xrf0)  }
0x9e: {  	v9 =	vadd.s32 v58, v7  }
0x9f: {  	v9 =	vadd.s32 $0xFFFFFFFF, v9;
	_ =	sdelay $0x4  }
0xa0: {  	v59 =	vadd.s32 $0x60, v10;
	[tilespmem:v9+s14+$0x0] =	vst.idx.msk vm2, v8  }
0xa1: {  	[tilespmem:v9+s15+$0x0] =	vst.idx.msk vm2, v59  }
0xa2: {  	v8 =	vld [tilespmem:s21+$0x70];
	_ =	sdelay $0x4  }
0xa3: {  	vm3 =	vle.f32 v8, v6  }
0xa4: {  	v60 =	vsel vm3, $0x1, v1  }
0xa5: {  	(xrf0) =	vadd.scan.msk.s32 $0xffff, v60;
	_ =	sdelay $0x3  }
0xa6: {  	v61 =	vmpcnt.ones.xlane vm2;
	_ =	sdelay $0x1  }
0xa7: {  	v7 =	vadd.s32 v7, v61;
	v62, _, _ =	vpop (xrf0)  }
0xa8: {  	v9 =	vadd.s32 v62, v7  }
0xa9: {  	v9 =	vadd.s32 $0xFFFFFFFF, v9  }
0xaa: {  	p0 =	sne.s32 s20, $0x1E00  }
.Ltmp2:
0xab: {  	_ = 	snop;
	(pc) =	sbr.rel @p0 .LBB2_2-.Ltmp2, $4  }
0xac: {  	_ = 	snop  }
0xad: {  	v63 =	vmpcnt.ones.xlane vm3  }
0xae: {  	v10 =	vadd.s32 $0x70, v10;
	[tilespmem:v9+s14+$0x0] =	vst.idx.msk vm3, v8  }
0xaf: {  	s20 =	sadd.s32 $0x200, s20;
	v7 =	vadd.s32 v7, v63;
	[tilespmem:v9+s15+$0x0] =	vst.idx.msk vm3, v10  }
0xb0: {  	v6 =	vxor.u32 $0x80000000, v7  }
0xb1: {  	(xrf0) =	vmax.scan.msk.u32 $0xffff, v6;
	_ =	sdelay $0x5  }
0xb2: {  	v6, _, _ =	vpop (xrf0)  }
0xb3: {  	(v2sf) =	vpush v6, $0xF;
	_ =	sdelay $0xe  }
0xb4: {  	s20 =	spop (v2sf)  }
0xb5: {  	s20 =	sadd.s32 $0x8000000F, s20  }
0xb6: {  	s21 =	sand.u32 $0xF, s20  }
0xb7: {  	s22 =	sshra.s32 s20, $0x1F;
	p0 =	slt.s32 s20, $0x1;
	p1 =	sne.s32 s21, $0x0  }
0xb8: {  	s30 =	sshrl.u32 s22, $0x1C;
	p0 =	por !p0, !p1  }
0xb9: {  	s21 =	simm.s32 $0x1;
	s20 =	sadd.s32 s30, s20;
	p0 =	por !p0, !p0  }
0xba: {  	s31 =	sshra.s32 s20, $0x4;
	s21 =	simm.s32 @!p0 $0x0  }
0xbb: {  	v8 =	vadd.s32 v0, v7;
	s22 =	ssub.s32 s31, s21  }
0xbc: {  	p0 =	slt.s32 s22, $0x1  }
.Ltmp3:
0xbd: {  	_ = 	snop;
	(pc) =	sbr.rel @p0 .LBB2_11-.Ltmp3, $4  }
0xbe: {  	_ = 	snop  }
0xbf: {  	v7 =	vimm.f32 $+Inf;
	s20 =	simm.s32 $0x8200  }
0xc0: {  	v6 =	vimm.s32 $0x4000;
	[tilespmem:v8+s20+$0x0] =	vst.idx.msk $0xffff, v7;
	s21 =	simm.s32 $0x8A80  }
0xc1: {  	[tilespmem:v8+s21+$0x0] =	vst.idx.msk $0xffff, v6  }
0xc2: {  	p2 =	sne.s32 s22, $0x1  }
.Ltmp4:
0xc3: {  	_ = 	snop;
	(pc) =	sbr.rel @!p2 .LBB2_5-.Ltmp4, $3  }
0xc4: {  	_ =	sdelay $0x1  }
0xc5: {  	v8 =	vld [tilespmem:s20+$0x0]  }
0xc6: {  	v9 =	vld [tilespmem:s21+$0x0];
	s22 =	sadd.s32 $0xFFFFFFFF, s22;
	p0 =	por $0x0, $0x0;
	p1 =	por $0x0, $0x0  }
0xc7: {  	_ =	sdelay $0x3  }
0xc8: {  	(xrf1) =	vsort.ascd.msk.f32 $0xffff, v8, v9;
	_ =	sdelay $0x8  }
0xc9: {  	p2 =	sne.s32 s22, $0x1  }
.Ltmp5:
0xca: {  	_ = 	snop;
	(pc) =	sbr.rel @!p2 .LBB2_7-.Ltmp5, $4  }
0xcb: {  	_ = 	snop  }
0xcc: {  	s20 =	sadd.s32 $0x10, s20  }
0xcd: {  	s21 =	sadd.s32 $0x10, s21;
	v8 =	vld [tilespmem:s20+$0x0]  }
0xce: {  	s22 =	sadd.s32 $0xFFFFFFFF, s22;
	p0 =	por $0x1, $0x1;
	v9 =	vld [tilespmem:s21+$0x0];
	v11, v10, _ =	vpop (xrf1)  }
0xcf: {  	_ =	sdelay $0x3  }
0xd0: {  	(xrf1) =	vsort.ascd.msk.f32 $0xffff, v8, v9;
	v8 =	vperm.xlane v11, v2;
	v9 =	vperm.xlane v10, v2;
	_ =	sdelay $0x1  }
0xd1: {  	vm2 =	veq.f32 v8, v7;
	vm3 =	vlt.s32 v9, v6  }
0xd2: {  	vm4 =	vlt.f32 v8, v7;
	vm2 =	vmand vm2, vm3  }
0xd3: {  	vm2 =	vmor vm4, vm2  }
0xd4: {  	v10 =	vsel vm2, v8, v7;
	v9 =	vsel vm2, v9, v6  }
0xd5: {  	(xrf1) =	vsort.ascd.msk.f32 $0xffff, v10, v9;
	_ =	sdelay $0x6  }
0xd6: {  	p2 =	sne.s32 s22, $0x1  }
.Ltmp6:
0xd7: {  	_ = 	snop;
	(pc) =	sbr.rel @!p2 .LBB2_10-.Ltmp6, $4  }
0xd8: {  	_ = 	snop  }
0xd9: {  	s20 =	sadd.s32 $0x10, s20  }
0xda: {  	s21 =	sadd.s32 $0x10, s21;
	v8 =	vld [tilespmem:s20+$0x0]  }
0xdb: {  	s22 =	sadd.s32 $0xFFFFFFFF, s22;
	p1 =	por $0x1, $0x1;
	v9 =	vld [tilespmem:s21+$0x0];
	v11, v10, _ =	vpop (xrf1)  }
.LBB2_9:
0xdc: {  	p2 =	sne.s32 s22, $0x1;
	v11 =	vperm.xlane v11, v2;
	v10 =	vperm.xlane v10, v2  }
0xdd: {  	v12, v13, _ =	vpop (xrf1)  }
0xde: {  	vm2 =	veq.f32 v11, v12;
	vm3 =	vlt.s32 v10, v13  }
0xdf: {  	vm4 =	vlt.f32 v11, v12;
	vm2 =	vmand vm2, vm3  }
0xe0: {  	(xrf1) =	vsort.ascd.msk.f32 $0xffff, v8, v9;
	vm2 =	vmor vm4, vm2  }
0xe1: {  	v8 =	vsel vm2, v11, v12;
	v9 =	vsel vm2, v10, v13  }
0xe2: {  	(xrf1) =	vsort.ascd.msk.f32 $0xffff, v8, v9;
	_ =	sdelay $0x7  }
.Ltmp7:
0xe3: {  	(pc) =	sbr.rel @p2 .LBB2_9-.Ltmp7, $4  }
0xe4: {  	_ = 	snop  }
0xe5: {  	s20 =	sadd.s32 $0x10, s20  }
0xe6: {  	s21 =	sadd.s32 $0x10, s21;
	v8 =	vld [tilespmem:s20+$0x0]  }
0xe7: {  	s22 =	sadd.s32 $0xFFFFFFFF, s22;
	v9 =	vld [tilespmem:s21+$0x0];
	v11, v10, _ =	vpop (xrf1)  }
.LBB2_10:
0xe8: {  	_ = 	snop  }
0xe9: {  	v11 =	vperm.xlane @p0 v11, v2;
	v10 =	vperm.xlane @p0 v10, v2;
	v12, v13, _ =	vpop @p1 (xrf1)  }
0xea: {  	v12 =	vpsel p1, v12, v7;
	v13 =	vpsel p1, v13, v6  }
0xeb: {  	vm2 =	veq.f32 @p0 v11, v12;
	vm3 =	vlt.s32 @p0 v10, v13  }
0xec: {  	vm4 =	vlt.f32 @p0 v11, v12;
	vm2 =	vmand @p0 vm2, vm3  }
0xed: {  	vm2 =	vmor @p0 vm4, vm2  }
0xee: {  	(xrf1) =	vsort.ascd.msk.f32 $0xffff, v8, v9;
	v8 =	vsel @p0 vm2, v11, v12;
	v9 =	vsel @p0 vm2, v10, v13  }
0xef: {  	(xrf1) =	vsort.ascd.msk.f32 @p0 $0xffff, v8, v9;
	_ =	sdelay $0xc  }
0xf0: {  	v8, v9, _ =	vpop (xrf1)  }
0xf1: {  	v8 =	vperm.xlane v8, v2;
	v9 =	vperm.xlane v9, v2;
	v10, v11, _ =	vpop @p0 (xrf1)  }
0xf2: {  	v7 =	vpsel p0, v10, v7;
	v6 =	vpsel p0, v11, v6  }
0xf3: {  	vm2 =	veq.f32 v8, v7;
	vm3 =	vlt.s32 v9, v6  }
0xf4: {  	vm15 =	vlt.f32 v8, v7;
	vm2 =	vmand vm2, vm3  }
0xf5: {  	vm2 =	vmor vm15, vm2  }
0xf6: {  	v7 =	vsel vm2, v8, v7;
	v6 =	vsel vm2, v9, v6  }
0xf7: {  	(xrf1) =	vsort.ascd.msk.f32 $0xffff, v7, v6;
	_ =	sdelay $0xd  }
0xf8: {  	v7, v6, _ =	vpop (xrf1)  }
.LBB2_11:
0xf9: {  	_ = 	snop  }
0xfa: {  	_ =	swait.ge [sflag:s16], $0x4000  }
0xfb: {  	[sflag:s16] =	ssyncset.done $0x0  }
0xfc: {  	[sflag:s16] =	ssyncadd.s32 $0xFFFFC000  }
0xfd: {  	v6 =	vld.idx.msk [tilespmem:v6+s9+$0x0], $0xffff;
	_ =	sdelay $0x4  }
0xfe: {  	v7 =	vxor.u32 $0x80000000, v6  }
0xff: {  	(xrf1) =	vsort.ascd.msk.u32 $0xffff, v7, v6;
	_ =	sdelay $0xd  }
0x100: {  	v6, _, _ =	vpop (xrf1)  }
0x101: {  	v6 =	vxor.u32 $0x80000000, v6  }
0x102: {  	[tilespmem:$0x9300] =	vst v6  }
0x103: {  	v7 =	vld.idx.msk [tilespmem:v4+s17+$0x0], $0xffff;
	_ =	sdelay $0x4  }
0x104: {  	vm2 =	vne.s32 v6, v7  }
0x105: {  	vm2 =	vmor vm2, vm0  }
0x106: {  	v7 =	vsel vm2, $0x1, v1  }
0x107: {  	v7 =	vperm.xlane v7, v2;
	_ =	sdelay $0x1  }
0x108: {  	vm2 =	veq.s32 v7, $0x1  }
0x109: {  	v7 =	vnsel vm2, $0x7FFFFFFF, v5  }
0x10a: {  	(xrf0) =	vmax.scan.msk.u32 $0xffff, v7;
	_ =	sdelay $0x5  }
0x10b: {  	v7, _, _ =	vpop (xrf0)  }
0x10c: {  	v7 =	vxor.u32 $0x80000000, v7  }
0x10d: {  	v9 =	vld [tilespmem:$0x4080];
	v7 =	vsub.s32 $0xF, v7  }
0x10e: {  	v10 =	vimm.s32 $0x0;
	s20 =	simm.s32 $0x0;
	v8 =	vld.idx.msk [tilespmem:v3+s17+$0x0], $0xffff;
	v7 =	vperm.xlane v7, v2  }
.LBB2_12:
0x10f: {  	s21 =	sshra.s32 s20, $0x2  }
0x110: {  	v11 =	vld [tilespmem:s21+$0x800];
	_ =	sdelay $0x4  }
0x111: {  	vm2 =	vle.f32 v11, v9  }
0x112: {  	v12 =	vsel vm2, $0x1, v1  }
0x113: {  	(xrf0) =	vadd.scan.msk.s32 $0xffff, v12;
	_ =	sdelay $0x5  }
0x114: {  	v12, _, _ =	vpop (xrf0)  }
0x115: {  	v12 =	vadd.s32 v12, v10  }
0x116: {  	v12 =	vadd.s32 $0xFFFFFFFF, v12  }
0x117: {  	v13 =	vld [tilespmem:s21+$0x2800];
	_ =	sdelay $0x3  }
0x118: {  	[tilespmem:v12+s14+$0x0] =	vst.idx.msk vm2, v11  }
0x119: {  	[tilespmem:v12+s15+$0x0] =	vst.idx.msk vm2, v13  }
0x11a: {  	v11 =	vld [tilespmem:s21+$0x810];
	_ =	sdelay $0x4  }
0x11b: {  	vm3 =	vle.f32 v11, v9  }
0x11c: {  	v37 =	vsel vm3, $0x1, v1  }
0x11d: {  	(xrf0) =	vadd.scan.msk.s32 $0xffff, v37;
	_ =	sdelay $0x3  }
0x11e: {  	v38 =	vmpcnt.ones.xlane vm2;
	_ =	sdelay $0x1  }
0x11f: {  	v10 =	vadd.s32 v10, v38;
	v39, _, _ =	vpop (xrf0)  }
0x120: {  	v12 =	vadd.s32 v39, v10  }
0x121: {  	v12 =	vadd.s32 $0xFFFFFFFF, v12;
	_ =	sdelay $0x4  }
0x122: {  	v14 =	vadd.s32 $0x10, v13;
	[tilespmem:v12+s14+$0x0] =	vst.idx.msk vm3, v11  }
0x123: {  	[tilespmem:v12+s15+$0x0] =	vst.idx.msk vm3, v14  }
0x124: {  	v11 =	vld [tilespmem:s21+$0x820];
	_ =	sdelay $0x4  }
0x125: {  	vm2 =	vle.f32 v11, v9  }
0x126: {  	v40 =	vsel vm2, $0x1, v1  }
0x127: {  	(xrf0) =	vadd.scan.msk.s32 $0xffff, v40;
	_ =	sdelay $0x3  }
0x128: {  	v41 =	vmpcnt.ones.xlane vm3;
	_ =	sdelay $0x1  }
0x129: {  	v10 =	vadd.s32 v10, v41;
	v42, _, _ =	vpop (xrf0)  }
0x12a: {  	v12 =	vadd.s32 v42, v10  }
0x12b: {  	v12 =	vadd.s32 $0xFFFFFFFF, v12;
	_ =	sdelay $0x4  }
0x12c: {  	v43 =	vadd.s32 $0x20, v13;
	[tilespmem:v12+s14+$0x0] =	vst.idx.msk vm2, v11  }
0x12d: {  	[tilespmem:v12+s15+$0x0] =	vst.idx.msk vm2, v43  }
0x12e: {  	v11 =	vld [tilespmem:s21+$0x830];
	_ =	sdelay $0x4  }
0x12f: {  	vm3 =	vle.f32 v11, v9  }
0x130: {  	v44 =	vsel vm3, $0x1, v1  }
0x131: {  	(xrf0) =	vadd.scan.msk.s32 $0xffff, v44;
	_ =	sdelay $0x3  }
0x132: {  	v45 =	vmpcnt.ones.xlane vm2;
	_ =	sdelay $0x1  }
0x133: {  	v10 =	vadd.s32 v10, v45;
	v46, _, _ =	vpop (xrf0)  }
0x134: {  	v12 =	vadd.s32 v46, v10  }
0x135: {  	v12 =	vadd.s32 $0xFFFFFFFF, v12;
	_ =	sdelay $0x4  }
0x136: {  	v47 =	vadd.s32 $0x30, v13;
	[tilespmem:v12+s14+$0x0] =	vst.idx.msk vm3, v11  }
0x137: {  	[tilespmem:v12+s15+$0x0] =	vst.idx.msk vm3, v47  }
0x138: {  	v11 =	vld [tilespmem:s21+$0x840];
	_ =	sdelay $0x4  }
0x139: {  	vm2 =	vle.f32 v11, v9  }
0x13a: {  	v48 =	vsel vm2, $0x1, v1  }
0x13b: {  	(xrf0) =	vadd.scan.msk.s32 $0xffff, v48;
	_ =	sdelay $0x3  }
0x13c: {  	v49 =	vmpcnt.ones.xlane vm3;
	_ =	sdelay $0x1  }
0x13d: {  	v10 =	vadd.s32 v10, v49;
	v50, _, _ =	vpop (xrf0)  }
0x13e: {  	v12 =	vadd.s32 v50, v10  }
0x13f: {  	v12 =	vadd.s32 $0xFFFFFFFF, v12;
	_ =	sdelay $0x4  }
0x140: {  	v51 =	vadd.s32 $0x40, v13;
	[tilespmem:v12+s14+$0x0] =	vst.idx.msk vm2, v11  }
0x141: {  	[tilespmem:v12+s15+$0x0] =	vst.idx.msk vm2, v51  }
0x142: {  	v11 =	vld [tilespmem:s21+$0x850];
	_ =	sdelay $0x4  }
0x143: {  	vm3 =	vle.f32 v11, v9  }
0x144: {  	v52 =	vsel vm3, $0x1, v1  }
0x145: {  	(xrf0) =	vadd.scan.msk.s32 $0xffff, v52;
	_ =	sdelay $0x3  }
0x146: {  	v53 =	vmpcnt.ones.xlane vm2;
	_ =	sdelay $0x1  }
0x147: {  	v10 =	vadd.s32 v10, v53;
	v54, _, _ =	vpop (xrf0)  }
0x148: {  	v12 =	vadd.s32 v54, v10  }
0x149: {  	v12 =	vadd.s32 $0xFFFFFFFF, v12;
	_ =	sdelay $0x4  }
0x14a: {  	v55 =	vadd.s32 $0x50, v13;
	[tilespmem:v12+s14+$0x0] =	vst.idx.msk vm3, v11  }
0x14b: {  	[tilespmem:v12+s15+$0x0] =	vst.idx.msk vm3, v55  }
0x14c: {  	v11 =	vld [tilespmem:s21+$0x860];
	_ =	sdelay $0x4  }
0x14d: {  	vm2 =	vle.f32 v11, v9  }
0x14e: {  	v56 =	vsel vm2, $0x1, v1  }
0x14f: {  	(xrf0) =	vadd.scan.msk.s32 $0xffff, v56;
	_ =	sdelay $0x3  }
0x150: {  	v57 =	vmpcnt.ones.xlane vm3;
	_ =	sdelay $0x1  }
0x151: {  	v10 =	vadd.s32 v10, v57;
	v58, _, _ =	vpop (xrf0)  }
0x152: {  	v12 =	vadd.s32 v58, v10  }
0x153: {  	v12 =	vadd.s32 $0xFFFFFFFF, v12;
	_ =	sdelay $0x4  }
0x154: {  	v59 =	vadd.s32 $0x60, v13;
	[tilespmem:v12+s14+$0x0] =	vst.idx.msk vm2, v11  }
0x155: {  	[tilespmem:v12+s15+$0x0] =	vst.idx.msk vm2, v59  }
0x156: {  	v11 =	vld [tilespmem:s21+$0x870];
	_ =	sdelay $0x4  }
0x157: {  	vm3 =	vle.f32 v11, v9  }
0x158: {  	v60 =	vsel vm3, $0x1, v1  }
0x159: {  	(xrf0) =	vadd.scan.msk.s32 $0xffff, v60;
	_ =	sdelay $0x3  }
0x15a: {  	v61 =	vmpcnt.ones.xlane vm2;
	_ =	sdelay $0x1  }
0x15b: {  	v10 =	vadd.s32 v10, v61;
	v62, _, _ =	vpop (xrf0)  }
0x15c: {  	v12 =	vadd.s32 v62, v10  }
0x15d: {  	v12 =	vadd.s32 $0xFFFFFFFF, v12  }
0x15e: {  	p0 =	sne.s32 s20, $0x1E00  }
.Ltmp8:
0x15f: {  	_ = 	snop;
	(pc) =	sbr.rel @p0 .LBB2_12-.Ltmp8, $4  }
0x160: {  	_ = 	snop  }
0x161: {  	v63 =	vmpcnt.ones.xlane vm3  }
0x162: {  	v13 =	vadd.s32 $0x70, v13;
	[tilespmem:v12+s14+$0x0] =	vst.idx.msk vm3, v11  }
0x163: {  	s20 =	sadd.s32 $0x200, s20;
	v10 =	vadd.s32 v10, v63;
	[tilespmem:v12+s15+$0x0] =	vst.idx.msk vm3, v13  }
0x164: {  	vm2 =	veq.s32 v6, v8  }
0x165: {  	v8 =	vsel vm2, $0x80000000, v5  }
0x166: {  	(xrf0) =	vmax.scan.msk.u32 $0xffff, v8;
	_ =	sdelay $0x5  }
0x167: {  	v8, _, _ =	vpop (xrf0)  }
0x168: {  	v7 =	vsub.s32 v7, v8  }
0x169: {  	v7 =	vshll.u32 v7, $0xA  }
0x16a: {  	v6 =	vsub.s32 v7, v6  }
0x16b: {  	v6 =	vadd.s32 $0x800007FF, v6  }
0x16c: {  	(xrf0) =	vmax.scan.msk.u32 $0xffff, v6;
	v6 =	vxor.u32 $0x80000000, v10  }
0x16d: {  	(xrf0) =	vmax.scan.msk.u32 $0xffff, v6;
	_ =	sdelay $0x4  }
0x16e: {  	v6, _, _ =	vpop (xrf0)  }
0x16f: {  	(v2sf) =	vpush v6, $0xF;
	v6, _, _ =	vpop (xrf0)  }
0x170: {  	(v2sf) =	vpush v6, $0xF;
	_ =	sdelay $0xd  }
0x171: {  	s20 =	spop (v2sf)  }
0x172: {  	s21 =	spop (v2sf)  }
0x173: {  	s21 =	sadd.s32 $0x8000000F, s21  }
0x174: {  	s22 =	sand.u32 $0xF, s21  }
0x175: {  	s23 =	sshra.s32 s21, $0x1F;
	p0 =	slt.s32 s21, $0x1;
	p1 =	sne.s32 s22, $0x0  }
0x176: {  	s30 =	sshrl.u32 s23, $0x1C;
	p0 =	por !p0, !p1  }
0x177: {  	s22 =	simm.s32 $0x1;
	s21 =	sadd.s32 s30, s21;
	p0 =	por !p0, !p0  }
0x178: {  	s31 =	sshra.s32 s21, $0x4;
	s22 =	simm.s32 @!p0 $0x0  }
0x179: {  	v8 =	vadd.s32 v0, v10;
	s23 =	ssub.s32 s31, s22  }
0x17a: {  	p0 =	slt.s32 s23, $0x1  }
.Ltmp9:
0x17b: {  	_ = 	snop;
	(pc) =	sbr.rel @p0 .LBB2_21-.Ltmp9, $4  }
0x17c: {  	_ = 	snop  }
0x17d: {  	v7 =	vimm.f32 $+Inf;
	s21 =	simm.s32 $0x8200  }
0x17e: {  	v6 =	vimm.s32 $0x4000;
	[tilespmem:v8+s21+$0x0] =	vst.idx.msk $0xffff, v7;
	s22 =	simm.s32 $0x8A80  }
0x17f: {  	[tilespmem:v8+s22+$0x0] =	vst.idx.msk $0xffff, v6  }
0x180: {  	p2 =	sne.s32 s23, $0x1  }
.Ltmp10:
0x181: {  	_ = 	snop;
	(pc) =	sbr.rel @!p2 .LBB2_15-.Ltmp10, $3  }
0x182: {  	_ =	sdelay $0x1  }
0x183: {  	v8 =	vld [tilespmem:s21+$0x0]  }
0x184: {  	v9 =	vld [tilespmem:s22+$0x0];
	s23 =	sadd.s32 $0xFFFFFFFF, s23;
	p0 =	por $0x0, $0x0;
	p1 =	por $0x0, $0x0  }
0x185: {  	_ =	sdelay $0x3  }
0x186: {  	(xrf1) =	vsort.ascd.msk.f32 $0xffff, v8, v9;
	_ =	sdelay $0x8  }
0x187: {  	p2 =	sne.s32 s23, $0x1  }
.Ltmp11:
0x188: {  	_ = 	snop;
	(pc) =	sbr.rel @!p2 .LBB2_17-.Ltmp11, $4  }
0x189: {  	_ = 	snop  }
0x18a: {  	s21 =	sadd.s32 $0x10, s21  }
0x18b: {  	s22 =	sadd.s32 $0x10, s22;
	v8 =	vld [tilespmem:s21+$0x0]  }
0x18c: {  	s23 =	sadd.s32 $0xFFFFFFFF, s23;
	p0 =	por $0x1, $0x1;
	v9 =	vld [tilespmem:s22+$0x0];
	v11, v10, _ =	vpop (xrf1)  }
0x18d: {  	_ =	sdelay $0x3  }
0x18e: {  	(xrf1) =	vsort.ascd.msk.f32 $0xffff, v8, v9;
	v8 =	vperm.xlane v11, v2;
	v9 =	vperm.xlane v10, v2;
	_ =	sdelay $0x1  }
0x18f: {  	vm2 =	veq.f32 v8, v7;
	vm3 =	vlt.s32 v9, v6  }
0x190: {  	vm4 =	vlt.f32 v8, v7;
	vm2 =	vmand vm2, vm3  }
0x191: {  	vm2 =	vmor vm4, vm2  }
0x192: {  	v10 =	vsel vm2, v8, v7;
	v9 =	vsel vm2, v9, v6  }
0x193: {  	(xrf1) =	vsort.ascd.msk.f32 $0xffff, v10, v9;
	_ =	sdelay $0x6  }
0x194: {  	p2 =	sne.s32 s23, $0x1  }
.Ltmp12:
0x195: {  	_ = 	snop;
	(pc) =	sbr.rel @!p2 .LBB2_20-.Ltmp12, $4  }
0x196: {  	_ = 	snop  }
0x197: {  	s21 =	sadd.s32 $0x10, s21  }
0x198: {  	s22 =	sadd.s32 $0x10, s22;
	v8 =	vld [tilespmem:s21+$0x0]  }
0x199: {  	s23 =	sadd.s32 $0xFFFFFFFF, s23;
	p1 =	por $0x1, $0x1;
	v9 =	vld [tilespmem:s22+$0x0];
	v11, v10, _ =	vpop (xrf1)  }
.LBB2_19:
0x19a: {  	p2 =	sne.s32 s23, $0x1;
	v11 =	vperm.xlane v11, v2;
	v10 =	vperm.xlane v10, v2  }
0x19b: {  	v12, v13, _ =	vpop (xrf1)  }
0x19c: {  	vm2 =	veq.f32 v11, v12;
	vm3 =	vlt.s32 v10, v13  }
0x19d: {  	vm4 =	vlt.f32 v11, v12;
	vm2 =	vmand vm2, vm3  }
0x19e: {  	(xrf1) =	vsort.ascd.msk.f32 $0xffff, v8, v9;
	vm2 =	vmor vm4, vm2  }
0x19f: {  	v8 =	vsel vm2, v11, v12;
	v9 =	vsel vm2, v10, v13  }
0x1a0: {  	(xrf1) =	vsort.ascd.msk.f32 $0xffff, v8, v9;
	_ =	sdelay $0x7  }
.Ltmp13:
0x1a1: {  	(pc) =	sbr.rel @p2 .LBB2_19-.Ltmp13, $4  }
0x1a2: {  	_ = 	snop  }
0x1a3: {  	s21 =	sadd.s32 $0x10, s21  }
0x1a4: {  	s22 =	sadd.s32 $0x10, s22;
	v8 =	vld [tilespmem:s21+$0x0]  }
0x1a5: {  	s23 =	sadd.s32 $0xFFFFFFFF, s23;
	v9 =	vld [tilespmem:s22+$0x0];
	v11, v10, _ =	vpop (xrf1)  }
.LBB2_20:
0x1a6: {  	_ = 	snop  }
0x1a7: {  	v11 =	vperm.xlane @p0 v11, v2;
	v10 =	vperm.xlane @p0 v10, v2;
	v12, v13, _ =	vpop @p1 (xrf1)  }
0x1a8: {  	v12 =	vpsel p1, v12, v7;
	v13 =	vpsel p1, v13, v6  }
0x1a9: {  	vm2 =	veq.f32 @p0 v11, v12;
	vm3 =	vlt.s32 @p0 v10, v13  }
0x1aa: {  	vm4 =	vlt.f32 @p0 v11, v12;
	vm2 =	vmand @p0 vm2, vm3  }
0x1ab: {  	vm2 =	vmor @p0 vm4, vm2  }
0x1ac: {  	(xrf1) =	vsort.ascd.msk.f32 $0xffff, v8, v9;
	v8 =	vsel @p0 vm2, v11, v12;
	v9 =	vsel @p0 vm2, v10, v13  }
0x1ad: {  	(xrf1) =	vsort.ascd.msk.f32 @p0 $0xffff, v8, v9;
	_ =	sdelay $0xc  }
0x1ae: {  	v8, v9, _ =	vpop (xrf1)  }
0x1af: {  	v8 =	vperm.xlane v8, v2;
	v9 =	vperm.xlane v9, v2;
	v10, v11, _ =	vpop @p0 (xrf1)  }
0x1b0: {  	v7 =	vpsel p0, v10, v7;
	v6 =	vpsel p0, v11, v6  }
0x1b1: {  	vm2 =	veq.f32 v8, v7;
	vm3 =	vlt.s32 v9, v6  }
0x1b2: {  	vm15 =	vlt.f32 v8, v7;
	vm2 =	vmand vm2, vm3  }
0x1b3: {  	vm2 =	vmor vm15, vm2  }
0x1b4: {  	v7 =	vsel vm2, v8, v7;
	v6 =	vsel vm2, v9, v6  }
0x1b5: {  	(xrf1) =	vsort.ascd.msk.f32 $0xffff, v7, v6;
	_ =	sdelay $0xd  }
0x1b6: {  	v7, v6, _ =	vpop (xrf1)  }
.LBB2_21:
0x1b7: {  	_ =	sdelay $0x3  }
0x1b8: {  	v6 =	vld.idx.msk [tilespmem:v6+s9+$0x0], $0xffff;
	_ =	sdelay $0x4  }
0x1b9: {  	v7 =	vxor.u32 $0x80000000, v6  }
0x1ba: {  	(xrf1) =	vsort.ascd.msk.u32 $0xffff, v7, v6;
	_ =	sdelay $0xd  }
0x1bb: {  	v6, _, _ =	vpop (xrf1)  }
0x1bc: {  	v7 =	vxor.u32 $0x80000000, v6  }
0x1bd: {  	[tilespmem:$0x9300] =	vst v7  }
0x1be: {  	v6 =	vld.idx.msk [tilespmem:v4+s17+$0x0], $0xffff;
	_ =	sdelay $0x4  }
0x1bf: {  	vm2 =	vne.s32 v7, v6  }
0x1c0: {  	vm2 =	vmor vm2, vm0  }
0x1c1: {  	v6 =	vsel vm2, $0x1, v1  }
0x1c2: {  	v6 =	vperm.xlane v6, v2;
	_ =	sdelay $0x1  }
0x1c3: {  	vm2 =	veq.s32 v6, $0x1  }
0x1c4: {  	v6 =	vnsel vm2, $0x7FFFFFFF, v5  }
0x1c5: {  	(xrf0) =	vmax.scan.msk.u32 $0xffff, v6  }
0x1c6: {  	s20 =	sxor.u32 $0x80000000, s20  }
0x1c7: {  	s21 =	sshra.s32 s20, $0x1F  }
0x1c8: {  	s21 =	sshrl.u32 s21, $0x16  }
0x1c9: {  	s21 =	sadd.s32 s21, s20  }
0x1ca: {  	s21 =	sand.u32 $0xFFFFFC00, s21  }
0x1cb: {  	s20 =	ssub.s32 s21, s20;
	v6, _, _ =	vpop (xrf0)  }
0x1cc: {  	s20 =	sadd.s32 $0x3FF, s20;
	v6 =	vxor.u32 $0x80000000, v6  }
0x1cd: {  	v8 =	vmov s20;
	v9 =	vld.idx.msk [tilespmem:v3+s17+$0x0], $0xffff;
	v10 =	vsub.s32 $0xF, v6  }
0x1ce: {  	v11 =	vimm.s32 $0x0;
	s20 =	simm.s32 $0x0;
	v6 =	vnsel vm1, $0x0, v8;
	v8 =	vperm.xlane v10, v2;
	v10 =	vld [tilespmem:$0x4100]  }
.LBB2_22:
0x1cf: {  	s21 =	sshra.s32 s20, $0x2  }
0x1d0: {  	v12 =	vld [tilespmem:s21+$0x1000];
	_ =	sdelay $0x4  }
0x1d1: {  	vm2 =	vle.f32 v12, v10  }
0x1d2: {  	v13 =	vsel vm2, $0x1, v1  }
0x1d3: {  	(xrf0) =	vadd.scan.msk.s32 $0xffff, v13;
	_ =	sdelay $0x5  }
0x1d4: {  	v13, _, _ =	vpop (xrf0)  }
0x1d5: {  	v13 =	vadd.s32 v13, v11  }
0x1d6: {  	v13 =	vadd.s32 $0xFFFFFFFF, v13  }
0x1d7: {  	v14 =	vld [tilespmem:s21+$0x3000];
	_ =	sdelay $0x3  }
0x1d8: {  	[tilespmem:v13+s14+$0x0] =	vst.idx.msk vm2, v12  }
0x1d9: {  	[tilespmem:v13+s15+$0x0] =	vst.idx.msk vm2, v14  }
0x1da: {  	v12 =	vld [tilespmem:s21+$0x1010];
	_ =	sdelay $0x4  }
0x1db: {  	vm3 =	vle.f32 v12, v10  }
0x1dc: {  	v37 =	vsel vm3, $0x1, v1  }
0x1dd: {  	(xrf0) =	vadd.scan.msk.s32 $0xffff, v37;
	_ =	sdelay $0x3  }
0x1de: {  	v38 =	vmpcnt.ones.xlane vm2;
	_ =	sdelay $0x1  }
0x1df: {  	v11 =	vadd.s32 v11, v38;
	v39, _, _ =	vpop (xrf0)  }
0x1e0: {  	v13 =	vadd.s32 v39, v11  }
0x1e1: {  	v13 =	vadd.s32 $0xFFFFFFFF, v13;
	_ =	sdelay $0x4  }
0x1e2: {  	v15 =	vadd.s32 $0x10, v14;
	[tilespmem:v13+s14+$0x0] =	vst.idx.msk vm3, v12  }
0x1e3: {  	[tilespmem:v13+s15+$0x0] =	vst.idx.msk vm3, v15  }
0x1e4: {  	v12 =	vld [tilespmem:s21+$0x1020];
	_ =	sdelay $0x4  }
0x1e5: {  	vm2 =	vle.f32 v12, v10  }
0x1e6: {  	v40 =	vsel vm2, $0x1, v1  }
0x1e7: {  	(xrf0) =	vadd.scan.msk.s32 $0xffff, v40;
	_ =	sdelay $0x3  }
0x1e8: {  	v41 =	vmpcnt.ones.xlane vm3;
	_ =	sdelay $0x1  }
0x1e9: {  	v11 =	vadd.s32 v11, v41;
	v42, _, _ =	vpop (xrf0)  }
0x1ea: {  	v13 =	vadd.s32 v42, v11  }
0x1eb: {  	v13 =	vadd.s32 $0xFFFFFFFF, v13;
	_ =	sdelay $0x4  }
0x1ec: {  	v43 =	vadd.s32 $0x20, v14;
	[tilespmem:v13+s14+$0x0] =	vst.idx.msk vm2, v12  }
0x1ed: {  	[tilespmem:v13+s15+$0x0] =	vst.idx.msk vm2, v43  }
0x1ee: {  	v12 =	vld [tilespmem:s21+$0x1030];
	_ =	sdelay $0x4  }
0x1ef: {  	vm3 =	vle.f32 v12, v10  }
0x1f0: {  	v44 =	vsel vm3, $0x1, v1  }
0x1f1: {  	(xrf0) =	vadd.scan.msk.s32 $0xffff, v44;
	_ =	sdelay $0x3  }
0x1f2: {  	v45 =	vmpcnt.ones.xlane vm2;
	_ =	sdelay $0x1  }
0x1f3: {  	v11 =	vadd.s32 v11, v45;
	v46, _, _ =	vpop (xrf0)  }
0x1f4: {  	v13 =	vadd.s32 v46, v11  }
0x1f5: {  	v13 =	vadd.s32 $0xFFFFFFFF, v13;
	_ =	sdelay $0x4  }
0x1f6: {  	v47 =	vadd.s32 $0x30, v14;
	[tilespmem:v13+s14+$0x0] =	vst.idx.msk vm3, v12  }
0x1f7: {  	[tilespmem:v13+s15+$0x0] =	vst.idx.msk vm3, v47  }
0x1f8: {  	v12 =	vld [tilespmem:s21+$0x1040];
	_ =	sdelay $0x4  }
0x1f9: {  	vm2 =	vle.f32 v12, v10  }
0x1fa: {  	v48 =	vsel vm2, $0x1, v1  }
0x1fb: {  	(xrf0) =	vadd.scan.msk.s32 $0xffff, v48;
	_ =	sdelay $0x3  }
0x1fc: {  	v49 =	vmpcnt.ones.xlane vm3;
	_ =	sdelay $0x1  }
0x1fd: {  	v11 =	vadd.s32 v11, v49;
	v50, _, _ =	vpop (xrf0)  }
0x1fe: {  	v13 =	vadd.s32 v50, v11  }
0x1ff: {  	v13 =	vadd.s32 $0xFFFFFFFF, v13;
	_ =	sdelay $0x4  }
0x200: {  	v51 =	vadd.s32 $0x40, v14;
	[tilespmem:v13+s14+$0x0] =	vst.idx.msk vm2, v12  }
0x201: {  	[tilespmem:v13+s15+$0x0] =	vst.idx.msk vm2, v51  }
0x202: {  	v12 =	vld [tilespmem:s21+$0x1050];
	_ =	sdelay $0x4  }
0x203: {  	vm3 =	vle.f32 v12, v10  }
0x204: {  	v52 =	vsel vm3, $0x1, v1  }
0x205: {  	(xrf0) =	vadd.scan.msk.s32 $0xffff, v52;
	_ =	sdelay $0x3  }
0x206: {  	v53 =	vmpcnt.ones.xlane vm2;
	_ =	sdelay $0x1  }
0x207: {  	v11 =	vadd.s32 v11, v53;
	v54, _, _ =	vpop (xrf0)  }
0x208: {  	v13 =	vadd.s32 v54, v11  }
0x209: {  	v13 =	vadd.s32 $0xFFFFFFFF, v13;
	_ =	sdelay $0x4  }
0x20a: {  	v55 =	vadd.s32 $0x50, v14;
	[tilespmem:v13+s14+$0x0] =	vst.idx.msk vm3, v12  }
0x20b: {  	[tilespmem:v13+s15+$0x0] =	vst.idx.msk vm3, v55  }
0x20c: {  	v12 =	vld [tilespmem:s21+$0x1060];
	_ =	sdelay $0x4  }
0x20d: {  	vm2 =	vle.f32 v12, v10  }
0x20e: {  	v56 =	vsel vm2, $0x1, v1  }
0x20f: {  	(xrf0) =	vadd.scan.msk.s32 $0xffff, v56;
	_ =	sdelay $0x3  }
0x210: {  	v57 =	vmpcnt.ones.xlane vm3;
	_ =	sdelay $0x1  }
0x211: {  	v11 =	vadd.s32 v11, v57;
	v58, _, _ =	vpop (xrf0)  }
0x212: {  	v13 =	vadd.s32 v58, v11  }
0x213: {  	v13 =	vadd.s32 $0xFFFFFFFF, v13;
	_ =	sdelay $0x4  }
0x214: {  	v59 =	vadd.s32 $0x60, v14;
	[tilespmem:v13+s14+$0x0] =	vst.idx.msk vm2, v12  }
0x215: {  	[tilespmem:v13+s15+$0x0] =	vst.idx.msk vm2, v59  }
0x216: {  	v12 =	vld [tilespmem:s21+$0x1070];
	_ =	sdelay $0x4  }
0x217: {  	vm3 =	vle.f32 v12, v10  }
0x218: {  	v60 =	vsel vm3, $0x1, v1  }
0x219: {  	(xrf0) =	vadd.scan.msk.s32 $0xffff, v60;
	_ =	sdelay $0x3  }
0x21a: {  	v61 =	vmpcnt.ones.xlane vm2;
	_ =	sdelay $0x1  }
0x21b: {  	v11 =	vadd.s32 v11, v61;
	v62, _, _ =	vpop (xrf0)  }
0x21c: {  	v13 =	vadd.s32 v62, v11  }
0x21d: {  	v13 =	vadd.s32 $0xFFFFFFFF, v13  }
0x21e: {  	p0 =	sne.s32 s20, $0x1E00  }
.Ltmp14:
0x21f: {  	_ = 	snop;
	(pc) =	sbr.rel @p0 .LBB2_22-.Ltmp14, $4  }
0x220: {  	_ = 	snop  }
0x221: {  	v63 =	vmpcnt.ones.xlane vm3  }
0x222: {  	v14 =	vadd.s32 $0x70, v14;
	[tilespmem:v13+s14+$0x0] =	vst.idx.msk vm3, v12  }
0x223: {  	s20 =	sadd.s32 $0x200, s20;
	v11 =	vadd.s32 v11, v63;
	[tilespmem:v13+s15+$0x0] =	vst.idx.msk vm3, v14  }
0x224: {  	vm2 =	veq.s32 v7, v9  }
0x225: {  	v9 =	vsel vm2, $0x80000000, v5  }
0x226: {  	(xrf0) =	vmax.scan.msk.u32 $0xffff, v9;
	_ =	sdelay $0x5  }
0x227: {  	v9, _, _ =	vpop (xrf0)  }
0x228: {  	v8 =	vsub.s32 v8, v9  }
0x229: {  	v8 =	vshll.u32 v8, $0xA  }
0x22a: {  	v7 =	vsub.s32 v8, v7  }
0x22b: {  	v7 =	vadd.s32 $0x800007FF, v7  }
0x22c: {  	(xrf0) =	vmax.scan.msk.u32 $0xffff, v7;
	v7 =	vxor.u32 $0x80000000, v11  }
0x22d: {  	(xrf0) =	vmax.scan.msk.u32 $0xffff, v7;
	_ =	sdelay $0x4  }
0x22e: {  	v7, _, _ =	vpop (xrf0)  }
0x22f: {  	(v2sf) =	vpush v7, $0xF;
	v7, _, _ =	vpop (xrf0)  }
0x230: {  	(v2sf) =	vpush v7, $0xF;
	_ =	sdelay $0xd  }
0x231: {  	s20 =	spop (v2sf)  }
0x232: {  	s21 =	spop (v2sf)  }
0x233: {  	s21 =	sadd.s32 $0x8000000F, s21  }
0x234: {  	s22 =	sand.u32 $0xF, s21  }
0x235: {  	s23 =	sshra.s32 s21, $0x1F;
	p0 =	slt.s32 s21, $0x1;
	p1 =	sne.s32 s22, $0x0  }
0x236: {  	s30 =	sshrl.u32 s23, $0x1C;
	p0 =	por !p0, !p1  }
0x237: {  	s22 =	simm.s32 $0x1;
	s21 =	sadd.s32 s30, s21;
	p0 =	por !p0, !p0  }
0x238: {  	s31 =	sshra.s32 s21, $0x4;
	s22 =	simm.s32 @!p0 $0x0  }
0x239: {  	v9 =	vadd.s32 v0, v11;
	s23 =	ssub.s32 s31, s22  }
0x23a: {  	p0 =	slt.s32 s23, $0x1  }
.Ltmp15:
0x23b: {  	_ = 	snop;
	(pc) =	sbr.rel @p0 .LBB2_31-.Ltmp15, $4  }
0x23c: {  	_ = 	snop  }
0x23d: {  	v8 =	vimm.f32 $+Inf;
	s21 =	simm.s32 $0x8200  }
0x23e: {  	v7 =	vimm.s32 $0x4000;
	[tilespmem:v9+s21+$0x0] =	vst.idx.msk $0xffff, v8;
	s22 =	simm.s32 $0x8A80  }
0x23f: {  	[tilespmem:v9+s22+$0x0] =	vst.idx.msk $0xffff, v7  }
0x240: {  	p2 =	sne.s32 s23, $0x1  }
.Ltmp16:
0x241: {  	_ = 	snop;
	(pc) =	sbr.rel @!p2 .LBB2_25-.Ltmp16, $3  }
0x242: {  	_ =	sdelay $0x1  }
0x243: {  	v9 =	vld [tilespmem:s21+$0x0]  }
0x244: {  	v10 =	vld [tilespmem:s22+$0x0];
	s23 =	sadd.s32 $0xFFFFFFFF, s23;
	p0 =	por $0x0, $0x0;
	p1 =	por $0x0, $0x0  }
0x245: {  	_ =	sdelay $0x3  }
0x246: {  	(xrf1) =	vsort.ascd.msk.f32 $0xffff, v9, v10;
	_ =	sdelay $0x8  }
0x247: {  	p2 =	sne.s32 s23, $0x1  }
.Ltmp17:
0x248: {  	_ = 	snop;
	(pc) =	sbr.rel @!p2 .LBB2_27-.Ltmp17, $4  }
0x249: {  	_ = 	snop  }
0x24a: {  	s21 =	sadd.s32 $0x10, s21  }
0x24b: {  	s22 =	sadd.s32 $0x10, s22;
	v9 =	vld [tilespmem:s21+$0x0]  }
0x24c: {  	s23 =	sadd.s32 $0xFFFFFFFF, s23;
	p0 =	por $0x1, $0x1;
	v10 =	vld [tilespmem:s22+$0x0];
	v12, v11, _ =	vpop (xrf1)  }
0x24d: {  	_ =	sdelay $0x3  }
0x24e: {  	(xrf1) =	vsort.ascd.msk.f32 $0xffff, v9, v10;
	v9 =	vperm.xlane v12, v2;
	v10 =	vperm.xlane v11, v2;
	_ =	sdelay $0x1  }
0x24f: {  	vm2 =	veq.f32 v9, v8;
	vm3 =	vlt.s32 v10, v7  }
0x250: {  	vm4 =	vlt.f32 v9, v8;
	vm2 =	vmand vm2, vm3  }
0x251: {  	vm2 =	vmor vm4, vm2  }
0x252: {  	v11 =	vsel vm2, v9, v8;
	v10 =	vsel vm2, v10, v7  }
0x253: {  	(xrf1) =	vsort.ascd.msk.f32 $0xffff, v11, v10;
	_ =	sdelay $0x6  }
0x254: {  	p2 =	sne.s32 s23, $0x1  }
.Ltmp18:
0x255: {  	_ = 	snop;
	(pc) =	sbr.rel @!p2 .LBB2_30-.Ltmp18, $4  }
0x256: {  	_ = 	snop  }
0x257: {  	s21 =	sadd.s32 $0x10, s21  }
0x258: {  	s22 =	sadd.s32 $0x10, s22;
	v9 =	vld [tilespmem:s21+$0x0]  }
0x259: {  	s23 =	sadd.s32 $0xFFFFFFFF, s23;
	p1 =	por $0x1, $0x1;
	v10 =	vld [tilespmem:s22+$0x0];
	v12, v11, _ =	vpop (xrf1)  }
.LBB2_29:
0x25a: {  	p2 =	sne.s32 s23, $0x1;
	v12 =	vperm.xlane v12, v2;
	v11 =	vperm.xlane v11, v2  }
0x25b: {  	v13, v14, _ =	vpop (xrf1)  }
0x25c: {  	vm2 =	veq.f32 v12, v13;
	vm3 =	vlt.s32 v11, v14  }
0x25d: {  	vm4 =	vlt.f32 v12, v13;
	vm2 =	vmand vm2, vm3  }
0x25e: {  	(xrf1) =	vsort.ascd.msk.f32 $0xffff, v9, v10;
	vm2 =	vmor vm4, vm2  }
0x25f: {  	v9 =	vsel vm2, v12, v13;
	v10 =	vsel vm2, v11, v14  }
0x260: {  	(xrf1) =	vsort.ascd.msk.f32 $0xffff, v9, v10;
	_ =	sdelay $0x7  }
.Ltmp19:
0x261: {  	(pc) =	sbr.rel @p2 .LBB2_29-.Ltmp19, $4  }
0x262: {  	_ = 	snop  }
0x263: {  	s21 =	sadd.s32 $0x10, s21  }
0x264: {  	s22 =	sadd.s32 $0x10, s22;
	v9 =	vld [tilespmem:s21+$0x0]  }
0x265: {  	s23 =	sadd.s32 $0xFFFFFFFF, s23;
	v10 =	vld [tilespmem:s22+$0x0];
	v12, v11, _ =	vpop (xrf1)  }
.LBB2_30:
0x266: {  	_ = 	snop  }
0x267: {  	v12 =	vperm.xlane @p0 v12, v2;
	v11 =	vperm.xlane @p0 v11, v2;
	v13, v14, _ =	vpop @p1 (xrf1)  }
0x268: {  	v13 =	vpsel p1, v13, v8;
	v14 =	vpsel p1, v14, v7  }
0x269: {  	vm2 =	veq.f32 @p0 v12, v13;
	vm3 =	vlt.s32 @p0 v11, v14  }
0x26a: {  	vm4 =	vlt.f32 @p0 v12, v13;
	vm2 =	vmand @p0 vm2, vm3  }
0x26b: {  	vm2 =	vmor @p0 vm4, vm2  }
0x26c: {  	(xrf1) =	vsort.ascd.msk.f32 $0xffff, v9, v10;
	v9 =	vsel @p0 vm2, v12, v13;
	v10 =	vsel @p0 vm2, v11, v14  }
0x26d: {  	(xrf1) =	vsort.ascd.msk.f32 @p0 $0xffff, v9, v10;
	_ =	sdelay $0xc  }
0x26e: {  	v9, v10, _ =	vpop (xrf1)  }
0x26f: {  	v9 =	vperm.xlane v9, v2;
	v10 =	vperm.xlane v10, v2;
	v11, v12, _ =	vpop @p0 (xrf1)  }
0x270: {  	v8 =	vpsel p0, v11, v8;
	v7 =	vpsel p0, v12, v7  }
0x271: {  	vm2 =	veq.f32 v9, v8;
	vm3 =	vlt.s32 v10, v7  }
0x272: {  	vm15 =	vlt.f32 v9, v8;
	vm2 =	vmand vm2, vm3  }
0x273: {  	vm2 =	vmor vm15, vm2  }
0x274: {  	v8 =	vsel vm2, v9, v8;
	v7 =	vsel vm2, v10, v7  }
0x275: {  	(xrf1) =	vsort.ascd.msk.f32 $0xffff, v8, v7;
	_ =	sdelay $0xd  }
0x276: {  	v8, v7, _ =	vpop (xrf1)  }
.LBB2_31:
0x277: {  	_ =	sdelay $0x3  }
0x278: {  	v7 =	vld.idx.msk [tilespmem:v7+s9+$0x0], $0xffff;
	_ =	sdelay $0x4  }
0x279: {  	v8 =	vxor.u32 $0x80000000, v7  }
0x27a: {  	(xrf1) =	vsort.ascd.msk.u32 $0xffff, v8, v7;
	_ =	sdelay $0xd  }
0x27b: {  	v7, _, _ =	vpop (xrf1)  }
0x27c: {  	v7 =	vxor.u32 $0x80000000, v7  }
0x27d: {  	[tilespmem:$0x9300] =	vst v7  }
0x27e: {  	v8 =	vld.idx.msk [tilespmem:v4+s17+$0x0], $0xffff;
	_ =	sdelay $0x4  }
0x27f: {  	vm2 =	vne.s32 v7, v8  }
0x280: {  	vm2 =	vmor vm2, vm0  }
0x281: {  	v8 =	vsel vm2, $0x1, v1  }
0x282: {  	v8 =	vperm.xlane v8, v2;
	_ =	sdelay $0x1  }
0x283: {  	vm2 =	veq.s32 v8, $0x1  }
0x284: {  	v8 =	vnsel vm2, $0x7FFFFFFF, v5  }
0x285: {  	(xrf0) =	vmax.scan.msk.u32 $0xffff, v8;
	_ =	sdelay $0x1  }
0x286: {  	s20 =	sxor.u32 $0x80000000, s20  }
0x287: {  	s21 =	sshra.s32 s20, $0x1F  }
0x288: {  	s21 =	sshrl.u32 s21, $0x16  }
0x289: {  	s21 =	sadd.s32 s21, s20  }
0x28a: {  	s21 =	sand.u32 $0xFFFFFC00, s21;
	v8, _, _ =	vpop (xrf0)  }
0x28b: {  	s20 =	ssub.s32 s21, s20;
	v8 =	vxor.u32 $0x80000000, v8  }
0x28c: {  	v10 =	vld [tilespmem:$0x4180];
	s20 =	sadd.s32 $0x3FF, s20;
	vm2 =	veq.s32 v0, $0x1;
	v8 =	vsub.s32 $0xF, v8  }
0x28d: {  	v11 =	vimm.s32 $0x0;
	v9 =	vld.idx.msk [tilespmem:v3+s17+$0x0], $0xffff;
	v6 =	vsel vm2, s20, v6;
	s20 =	simm.s32 $0x0;
	v8 =	vperm.xlane v8, v2  }
.LBB2_32:
0x28e: {  	s21 =	sshra.s32 s20, $0x2  }
0x28f: {  	v12 =	vld [tilespmem:s21+$0x1800];
	_ =	sdelay $0x4  }
0x290: {  	vm2 =	vle.f32 v12, v10  }
0x291: {  	v13 =	vsel vm2, $0x1, v1  }
0x292: {  	(xrf0) =	vadd.scan.msk.s32 $0xffff, v13;
	_ =	sdelay $0x5  }
0x293: {  	v13, _, _ =	vpop (xrf0)  }
0x294: {  	v13 =	vadd.s32 v13, v11  }
0x295: {  	v13 =	vadd.s32 $0xFFFFFFFF, v13  }
0x296: {  	v14 =	vld [tilespmem:s21+$0x3800];
	_ =	sdelay $0x3  }
0x297: {  	[tilespmem:v13+s14+$0x0] =	vst.idx.msk vm2, v12  }
0x298: {  	[tilespmem:v13+s15+$0x0] =	vst.idx.msk vm2, v14  }
0x299: {  	v12 =	vld [tilespmem:s21+$0x1810];
	_ =	sdelay $0x4  }
0x29a: {  	vm3 =	vle.f32 v12, v10  }
0x29b: {  	v37 =	vsel vm3, $0x1, v1  }
0x29c: {  	(xrf0) =	vadd.scan.msk.s32 $0xffff, v37;
	_ =	sdelay $0x3  }
0x29d: {  	v38 =	vmpcnt.ones.xlane vm2;
	_ =	sdelay $0x1  }
0x29e: {  	v11 =	vadd.s32 v11, v38;
	v39, _, _ =	vpop (xrf0)  }
0x29f: {  	v13 =	vadd.s32 v39, v11  }
0x2a0: {  	v13 =	vadd.s32 $0xFFFFFFFF, v13;
	_ =	sdelay $0x4  }
0x2a1: {  	v15 =	vadd.s32 $0x10, v14;
	[tilespmem:v13+s14+$0x0] =	vst.idx.msk vm3, v12  }
0x2a2: {  	[tilespmem:v13+s15+$0x0] =	vst.idx.msk vm3, v15  }
0x2a3: {  	v12 =	vld [tilespmem:s21+$0x1820];
	_ =	sdelay $0x4  }
0x2a4: {  	vm2 =	vle.f32 v12, v10  }
0x2a5: {  	v40 =	vsel vm2, $0x1, v1  }
0x2a6: {  	(xrf0) =	vadd.scan.msk.s32 $0xffff, v40;
	_ =	sdelay $0x3  }
0x2a7: {  	v41 =	vmpcnt.ones.xlane vm3;
	_ =	sdelay $0x1  }
0x2a8: {  	v11 =	vadd.s32 v11, v41;
	v42, _, _ =	vpop (xrf0)  }
0x2a9: {  	v13 =	vadd.s32 v42, v11  }
0x2aa: {  	v13 =	vadd.s32 $0xFFFFFFFF, v13;
	_ =	sdelay $0x4  }
0x2ab: {  	v43 =	vadd.s32 $0x20, v14;
	[tilespmem:v13+s14+$0x0] =	vst.idx.msk vm2, v12  }
0x2ac: {  	[tilespmem:v13+s15+$0x0] =	vst.idx.msk vm2, v43  }
0x2ad: {  	v12 =	vld [tilespmem:s21+$0x1830];
	_ =	sdelay $0x4  }
0x2ae: {  	vm3 =	vle.f32 v12, v10  }
0x2af: {  	v44 =	vsel vm3, $0x1, v1  }
0x2b0: {  	(xrf0) =	vadd.scan.msk.s32 $0xffff, v44;
	_ =	sdelay $0x3  }
0x2b1: {  	v45 =	vmpcnt.ones.xlane vm2;
	_ =	sdelay $0x1  }
0x2b2: {  	v11 =	vadd.s32 v11, v45;
	v46, _, _ =	vpop (xrf0)  }
0x2b3: {  	v13 =	vadd.s32 v46, v11  }
0x2b4: {  	v13 =	vadd.s32 $0xFFFFFFFF, v13;
	_ =	sdelay $0x4  }
0x2b5: {  	v47 =	vadd.s32 $0x30, v14;
	[tilespmem:v13+s14+$0x0] =	vst.idx.msk vm3, v12  }
0x2b6: {  	[tilespmem:v13+s15+$0x0] =	vst.idx.msk vm3, v47  }
0x2b7: {  	v12 =	vld [tilespmem:s21+$0x1840];
	_ =	sdelay $0x4  }
0x2b8: {  	vm2 =	vle.f32 v12, v10  }
0x2b9: {  	v48 =	vsel vm2, $0x1, v1  }
0x2ba: {  	(xrf0) =	vadd.scan.msk.s32 $0xffff, v48;
	_ =	sdelay $0x3  }
0x2bb: {  	v49 =	vmpcnt.ones.xlane vm3;
	_ =	sdelay $0x1  }
0x2bc: {  	v11 =	vadd.s32 v11, v49;
	v50, _, _ =	vpop (xrf0)  }
0x2bd: {  	v13 =	vadd.s32 v50, v11  }
0x2be: {  	v13 =	vadd.s32 $0xFFFFFFFF, v13;
	_ =	sdelay $0x4  }
0x2bf: {  	v51 =	vadd.s32 $0x40, v14;
	[tilespmem:v13+s14+$0x0] =	vst.idx.msk vm2, v12  }
0x2c0: {  	[tilespmem:v13+s15+$0x0] =	vst.idx.msk vm2, v51  }
0x2c1: {  	v12 =	vld [tilespmem:s21+$0x1850];
	_ =	sdelay $0x4  }
0x2c2: {  	vm3 =	vle.f32 v12, v10  }
0x2c3: {  	v52 =	vsel vm3, $0x1, v1  }
0x2c4: {  	(xrf0) =	vadd.scan.msk.s32 $0xffff, v52;
	_ =	sdelay $0x3  }
0x2c5: {  	v53 =	vmpcnt.ones.xlane vm2;
	_ =	sdelay $0x1  }
0x2c6: {  	v11 =	vadd.s32 v11, v53;
	v54, _, _ =	vpop (xrf0)  }
0x2c7: {  	v13 =	vadd.s32 v54, v11  }
0x2c8: {  	v13 =	vadd.s32 $0xFFFFFFFF, v13;
	_ =	sdelay $0x4  }
0x2c9: {  	v55 =	vadd.s32 $0x50, v14;
	[tilespmem:v13+s14+$0x0] =	vst.idx.msk vm3, v12  }
0x2ca: {  	[tilespmem:v13+s15+$0x0] =	vst.idx.msk vm3, v55  }
0x2cb: {  	v12 =	vld [tilespmem:s21+$0x1860];
	_ =	sdelay $0x4  }
0x2cc: {  	vm2 =	vle.f32 v12, v10  }
0x2cd: {  	v56 =	vsel vm2, $0x1, v1  }
0x2ce: {  	(xrf0) =	vadd.scan.msk.s32 $0xffff, v56;
	_ =	sdelay $0x3  }
0x2cf: {  	v57 =	vmpcnt.ones.xlane vm3;
	_ =	sdelay $0x1  }
0x2d0: {  	v11 =	vadd.s32 v11, v57;
	v58, _, _ =	vpop (xrf0)  }
0x2d1: {  	v13 =	vadd.s32 v58, v11  }
0x2d2: {  	v13 =	vadd.s32 $0xFFFFFFFF, v13;
	_ =	sdelay $0x4  }
0x2d3: {  	v59 =	vadd.s32 $0x60, v14;
	[tilespmem:v13+s14+$0x0] =	vst.idx.msk vm2, v12  }
0x2d4: {  	[tilespmem:v13+s15+$0x0] =	vst.idx.msk vm2, v59  }
0x2d5: {  	v12 =	vld [tilespmem:s21+$0x1870];
	_ =	sdelay $0x4  }
0x2d6: {  	vm3 =	vle.f32 v12, v10  }
0x2d7: {  	v60 =	vsel vm3, $0x1, v1  }
0x2d8: {  	(xrf0) =	vadd.scan.msk.s32 $0xffff, v60;
	_ =	sdelay $0x3  }
0x2d9: {  	v61 =	vmpcnt.ones.xlane vm2;
	_ =	sdelay $0x1  }
0x2da: {  	v11 =	vadd.s32 v11, v61;
	v62, _, _ =	vpop (xrf0)  }
0x2db: {  	v13 =	vadd.s32 v62, v11  }
0x2dc: {  	v13 =	vadd.s32 $0xFFFFFFFF, v13  }
0x2dd: {  	p0 =	sne.s32 s20, $0x1E00  }
.Ltmp20:
0x2de: {  	_ = 	snop;
	(pc) =	sbr.rel @p0 .LBB2_32-.Ltmp20, $4  }
0x2df: {  	_ = 	snop  }
0x2e0: {  	v63 =	vmpcnt.ones.xlane vm3  }
0x2e1: {  	v14 =	vadd.s32 $0x70, v14;
	[tilespmem:v13+s14+$0x0] =	vst.idx.msk vm3, v12  }
0x2e2: {  	s20 =	sadd.s32 $0x200, s20;
	v11 =	vadd.s32 v11, v63;
	[tilespmem:v13+s15+$0x0] =	vst.idx.msk vm3, v14  }
0x2e3: {  	vm2 =	veq.s32 v7, v9  }
0x2e4: {  	v9 =	vsel vm2, $0x80000000, v5  }
0x2e5: {  	(xrf0) =	vmax.scan.msk.u32 $0xffff, v9;
	_ =	sdelay $0x5  }
0x2e6: {  	v9, _, _ =	vpop (xrf0)  }
0x2e7: {  	v8 =	vsub.s32 v8, v9  }
0x2e8: {  	v8 =	vshll.u32 v8, $0xA  }
0x2e9: {  	v7 =	vsub.s32 v8, v7  }
0x2ea: {  	v7 =	vadd.s32 $0x800007FF, v7  }
0x2eb: {  	(xrf0) =	vmax.scan.msk.u32 $0xffff, v7;
	v7 =	vxor.u32 $0x80000000, v11  }
0x2ec: {  	(xrf0) =	vmax.scan.msk.u32 $0xffff, v7;
	_ =	sdelay $0x4  }
0x2ed: {  	v7, _, _ =	vpop (xrf0)  }
0x2ee: {  	(v2sf) =	vpush v7, $0xF;
	v7, _, _ =	vpop (xrf0)  }
0x2ef: {  	(v2sf) =	vpush v7, $0xF;
	_ =	sdelay $0xd  }
0x2f0: {  	s20 =	spop (v2sf)  }
0x2f1: {  	s21 =	spop (v2sf)  }
0x2f2: {  	s21 =	sadd.s32 $0x8000000F, s21  }
0x2f3: {  	s22 =	sand.u32 $0xF, s21  }
0x2f4: {  	s23 =	sshra.s32 s21, $0x1F;
	p0 =	slt.s32 s21, $0x1;
	p1 =	sne.s32 s22, $0x0  }
0x2f5: {  	s30 =	sshrl.u32 s23, $0x1C;
	p0 =	por !p0, !p1  }
0x2f6: {  	s22 =	simm.s32 $0x1;
	s21 =	sadd.s32 s30, s21;
	p0 =	por !p0, !p0  }
0x2f7: {  	s31 =	sshra.s32 s21, $0x4;
	s22 =	simm.s32 @!p0 $0x0  }
0x2f8: {  	v9 =	vadd.s32 v0, v11;
	s23 =	ssub.s32 s31, s22  }
0x2f9: {  	p0 =	slt.s32 s23, $0x1  }
.Ltmp21:
0x2fa: {  	_ = 	snop;
	(pc) =	sbr.rel @p0 .LBB2_41-.Ltmp21, $4  }
0x2fb: {  	_ = 	snop  }
0x2fc: {  	v8 =	vimm.f32 $+Inf;
	s21 =	simm.s32 $0x8200  }
0x2fd: {  	v7 =	vimm.s32 $0x4000;
	[tilespmem:v9+s21+$0x0] =	vst.idx.msk $0xffff, v8;
	s22 =	simm.s32 $0x8A80  }
0x2fe: {  	[tilespmem:v9+s22+$0x0] =	vst.idx.msk $0xffff, v7  }
0x2ff: {  	p2 =	sne.s32 s23, $0x1  }
.Ltmp22:
0x300: {  	_ = 	snop;
	(pc) =	sbr.rel @!p2 .LBB2_35-.Ltmp22, $3  }
0x301: {  	_ =	sdelay $0x1  }
0x302: {  	v9 =	vld [tilespmem:s21+$0x0]  }
0x303: {  	v10 =	vld [tilespmem:s22+$0x0];
	s23 =	sadd.s32 $0xFFFFFFFF, s23;
	p0 =	por $0x0, $0x0;
	p1 =	por $0x0, $0x0  }
0x304: {  	_ =	sdelay $0x3  }
0x305: {  	(xrf1) =	vsort.ascd.msk.f32 $0xffff, v9, v10;
	_ =	sdelay $0x8  }
0x306: {  	p2 =	sne.s32 s23, $0x1  }
.Ltmp23:
0x307: {  	_ = 	snop;
	(pc) =	sbr.rel @!p2 .LBB2_37-.Ltmp23, $4  }
0x308: {  	_ = 	snop  }
0x309: {  	s21 =	sadd.s32 $0x10, s21  }
0x30a: {  	s22 =	sadd.s32 $0x10, s22;
	v9 =	vld [tilespmem:s21+$0x0]  }
0x30b: {  	s23 =	sadd.s32 $0xFFFFFFFF, s23;
	p0 =	por $0x1, $0x1;
	v10 =	vld [tilespmem:s22+$0x0];
	v12, v11, _ =	vpop (xrf1)  }
0x30c: {  	_ =	sdelay $0x3  }
0x30d: {  	(xrf1) =	vsort.ascd.msk.f32 $0xffff, v9, v10;
	v9 =	vperm.xlane v12, v2;
	v10 =	vperm.xlane v11, v2;
	_ =	sdelay $0x1  }
0x30e: {  	vm2 =	veq.f32 v9, v8;
	vm3 =	vlt.s32 v10, v7  }
0x30f: {  	vm4 =	vlt.f32 v9, v8;
	vm2 =	vmand vm2, vm3  }
0x310: {  	vm2 =	vmor vm4, vm2  }
0x311: {  	v11 =	vsel vm2, v9, v8;
	v10 =	vsel vm2, v10, v7  }
0x312: {  	(xrf1) =	vsort.ascd.msk.f32 $0xffff, v11, v10;
	_ =	sdelay $0x7  }
0x313: {  	p2 =	sne.s32 s23, $0x1  }
.Ltmp24:
0x314: {  	_ = 	snop;
	(pc) =	sbr.rel @!p2 .LBB2_40-.Ltmp24, $4  }
0x315: {  	_ = 	snop  }
0x316: {  	s21 =	sadd.s32 $0x10, s21  }
0x317: {  	s22 =	sadd.s32 $0x10, s22;
	v9 =	vld [tilespmem:s21+$0x0]  }
0x318: {  	s23 =	sadd.s32 $0xFFFFFFFF, s23;
	p1 =	por $0x1, $0x1;
	v10 =	vld [tilespmem:s22+$0x0];
	v12, v11, _ =	vpop (xrf1)  }
.LBB2_39:
0x319: {  	p2 =	sne.s32 s23, $0x1;
	v12 =	vperm.xlane v12, v2;
	v11 =	vperm.xlane v11, v2  }
0x31a: {  	v13, v14, _ =	vpop (xrf1)  }
0x31b: {  	vm2 =	veq.f32 v12, v13;
	vm3 =	vlt.s32 v11, v14  }
0x31c: {  	vm4 =	vlt.f32 v12, v13;
	vm2 =	vmand vm2, vm3  }
0x31d: {  	(xrf1) =	vsort.ascd.msk.f32 $0xffff, v9, v10;
	vm2 =	vmor vm4, vm2  }
0x31e: {  	v9 =	vsel vm2, v12, v13;
	v10 =	vsel vm2, v11, v14  }
0x31f: {  	(xrf1) =	vsort.ascd.msk.f32 $0xffff, v9, v10;
	_ =	sdelay $0x7  }
.Ltmp25:
0x320: {  	(pc) =	sbr.rel @p2 .LBB2_39-.Ltmp25, $4  }
0x321: {  	_ = 	snop  }
0x322: {  	s21 =	sadd.s32 $0x10, s21  }
0x323: {  	s22 =	sadd.s32 $0x10, s22;
	v9 =	vld [tilespmem:s21+$0x0]  }
0x324: {  	s23 =	sadd.s32 $0xFFFFFFFF, s23;
	v10 =	vld [tilespmem:s22+$0x0];
	v12, v11, _ =	vpop (xrf1)  }
.Ltmp26:
0x325: {  	_ = 	snop;
	(pc) =	sbr.rel .LBB2_40-.Ltmp26, $1  }
0x326: {  	_ =	sdelay $0x3  }
.LBB2_5:
.Ltmp27:
0x327: {  	(pc) =	sbr.rel .LBB2_10-.Ltmp27, $2  }
0x328: {  	_ =	sdelay $0x2  }
0x329: {  	_ = 	snop  }
.LBB2_15:
.Ltmp28:
0x32a: {  	(pc) =	sbr.rel .LBB2_20-.Ltmp28, $2  }
0x32b: {  	_ =	sdelay $0x2  }
0x32c: {  	_ = 	snop  }
.LBB2_25:
.Ltmp29:
0x32d: {  	(pc) =	sbr.rel .LBB2_30-.Ltmp29, $2  }
0x32e: {  	_ =	sdelay $0x2  }
0x32f: {  	_ = 	snop  }
.LBB2_7:
.Ltmp30:
0x330: {  	(pc) =	sbr.rel .LBB2_10-.Ltmp30, $2  }
0x331: {  	_ =	sdelay $0x2  }
0x332: {  	_ = 	snop  }
.LBB2_17:
.Ltmp31:
0x333: {  	(pc) =	sbr.rel .LBB2_20-.Ltmp31, $2  }
0x334: {  	_ =	sdelay $0x2  }
0x335: {  	_ = 	snop  }
.LBB2_27:
.Ltmp32:
0x336: {  	(pc) =	sbr.rel .LBB2_30-.Ltmp32, $2  }
0x337: {  	_ =	sdelay $0x2  }
0x338: {  	_ = 	snop  }
.LBB2_37:
.Ltmp33:
0x339: {  	(pc) =	sbr.rel .LBB2_40-.Ltmp33, $2  }
0x33a: {  	_ =	sdelay $0x2  }
0x33b: {  	_ = 	snop  }
.LBB2_42:
0x33c: {  	_ =	sfence.sel $0x180000  }
0x33d: {  	[bflag:$0x0] =	sbarrier.arrive $0xFFFF  }
0x33e: {  	p0 =	sne.s32 s0, $0x0;
	_ =	strace $0x90000047  }
0x33f: {  	s0 =	sadd.s32 @!p0 $0x100000, s1;
	[bflag:$0x2] =	sbarrier.arrive $0xFFFF  }
0x340: {  	[sflag:s0] =	ssyncadd.tile.s32 @!p0 $0x1;
	_ =	shalt  }
.Lfunc_end2:
_tile_overlayer_lowered:
.L_overlay_start_2:
0x341: {  	(tag) =	ssettag $0x2  }
0x342: {  	s0 =	rddreg [dreg:$0x0];
	s2 =	stileid.u32  }
0x343: {  	s1 =	rddreg [dreg:$0x1];
	p0 =	sne.s32 s2, $0x0  }
0x344: {  	s3 =	rddreg [dreg:$0x2];
	[bflag:$0x3] =	sbarrier.arrive $0xFFFF;
	s2 =	simm.s32 @!p0 $0x1C03  }
0x345: {  	[timem:s3], [sflag:s2] =	dma.local @!p0 [hbm:s0], s1  }
0x346: {  	s0 =	simm.s32 @!p0 $0x3  }
0x347: {  	_ =	swait.ge @!p0 [sflag:s0], s1  }
0x348: {  	s1 =	ssub.s32 @!p0 $0x0, s1;
	[sflag:s0] =	ssyncset.done @!p0 $0x0  }
0x349: {  	[sflag:s0] =	ssyncadd.s32 @!p0 s1  }
0x34a: {  	[bflag:$0x3] =	sbarrier.arrive $0xFFFF  }
0x34b: {  	_ =	shalt  }

</sc_bundles>
